<compile_context>
chip_gen: v7x
topology: tpu7x:2x2x1
jax: 0.10.2.dev20260603
libtpu: 0.0.44.dev20260713+nightly
codegen_flags: <defaults>
</compile_context>

<pallas_src>
import functools

import jax
import jax.numpy as jnp
from jax import lax
from jax.experimental import pallas as pl
from jax.experimental.pallas import tpu as pltpu
from jax.experimental.pallas import tpu_sc as plsc

D_MODEL = 8
D_STATE = 16
D_INNER = 16
N_HEADS = 4
N_EXP = 144
PK = 12
EXP_H = 16
GRU_H = 4
RESCALE = 0.1

_C = 256
_W = 128


def _sigmoid(x):
    return 1.0 / (1.0 + jnp.exp(-x))


def _mmb(a, b):
    return jax.lax.dot_general(a.astype(jnp.bfloat16), b.astype(jnp.bfloat16),
                               (((1,), (0,)), ((), ())),
                               preferred_element_type=jnp.float32)


def _softplus(x):
    return jnp.log(1.0 + jnp.exp(-jnp.abs(x))) + jnp.maximum(x, 0.0)



def _prep_body(g_ref, s_ref, inpW_ref, inpb_ref,
               inWf_ref, dtWf_ref, dtbf_ref, BWf_ref, CWf_ref,
               inWb_ref, dtWb_ref, dtbb_ref, BWb_ref, CWb_ref,
               xbf_ref, zf_ref, dtf_ref, Bf_ref, Cf_ref,
               xbb_ref, zb_ref, dtb_ref, Bb_ref, Cb_ref):
    g = g_ref[...]
    s = s_ref[...]
    gs = jnp.concatenate([g, s], axis=0)
    x8 = _mmb(inpW_ref[...], gs) + inpb_ref[...]

    def direction(inW_ref, dtW_ref, dtb_ref, BW_ref, CW_ref,
                  xb_o, z_o, dt_o, B_o, C_o):
        xz = _mmb(inW_ref[...], x8)
        xb = xz[:D_INNER]
        z = xz[D_INNER:]
        dt = _softplus(_mmb(dtW_ref[...], xb) + dtb_ref[...])
        Bv = _mmb(BW_ref[...], xb)
        Cv = _mmb(CW_ref[...], xb)
        xb_o[...] = xb
        z_o[...] = z
        dt_o[...] = dt
        B_o[...] = Bv
        C_o[...] = Cv

    direction(inWf_ref, dtWf_ref, dtbf_ref, BWf_ref, CWf_ref,
              xbf_ref, zf_ref, dtf_ref, Bf_ref, Cf_ref)
    direction(inWb_ref, dtWb_ref, dtbb_ref, BWb_ref, CWb_ref,
              xbb_ref, zb_ref, dtb_ref, Bb_ref, Cb_ref)


def _run_prep(g_s, s_s, params, n):
    nbp = 16384
    grid = (n // nbp,)

    def elem_spec():
        return pl.BlockSpec((1, nbp), lambda i: (0, i))

    def feat_spec():
        return pl.BlockSpec((D_INNER, nbp), lambda i: (0, i))

    def w_spec(shape):
        return pl.BlockSpec(shape, lambda i: tuple(0 for _ in shape))

    pf = params['mamba_fwd']
    pb = params['mamba_bwd']
    w_ins = [params['inp_W'], params['inp_b'].reshape(D_MODEL, 1)]
    for p in (pf, pb):
        w_ins += [p['in_W'], p['dt_W'], p['dt_b'].reshape(D_INNER, 1),
                  p['B_W'], p['C_W']]

    out_shape = [jax.ShapeDtypeStruct((D_INNER, n), jnp.float32)] * 10
    outs = pl.pallas_call(
        _prep_body,
        grid=grid,
        in_specs=[elem_spec(), elem_spec(),
                  w_spec((D_MODEL, 2)), w_spec((D_MODEL, 1)),
                  w_spec((2 * D_INNER, D_MODEL)), w_spec((D_INNER, D_INNER)),
                  w_spec((D_INNER, 1)), w_spec((D_STATE, D_INNER)),
                  w_spec((D_STATE, D_INNER)),
                  w_spec((2 * D_INNER, D_MODEL)), w_spec((D_INNER, D_INNER)),
                  w_spec((D_INNER, 1)), w_spec((D_STATE, D_INNER)),
                  w_spec((D_STATE, D_INNER))],
        out_specs=[feat_spec() for _ in range(10)],
        out_shape=out_shape,
    )(g_s.reshape(1, n), s_s.reshape(1, n), *w_ins)
    return outs



def _scan_body(dt_ref, xb_ref, B_ref, C_ref, A_ref, ph_ref, hinit_ref,
               ys_ref, hfin_ref, h_scr, L):
    A = A_ref[0]
    ph = ph_ref[0]

    lane = jax.lax.broadcasted_iota(jnp.int32, (1, 1, _C), 2)
    h0 = jnp.where(lane == 0, hinit_ref[0][:, :, None], 0.0)
    h_scr[...] = h0

    def row(ref, r):
        return jnp.squeeze(ref[0, pl.ds(r, 1)], axis=0)

    def step(h, dt_s, xb_s, B_s, C_s):
        dt_e = dt_s[:, None, :]
        dtA = dt_e * (A * 0.5)
        Abar = (1.0 + dtA) / (1.0 - dtA + 1e-08)
        th = dt_e * ph
        cp = jnp.cos(th)
        sp = jnp.sin(th)
        hr = jnp.concatenate([h[:, D_STATE - 1:, :], h[:, :D_STATE - 1, :]],
                             axis=1)
        h_rot = h * cp - hr * sp
        u = (dt_e * xb_s[:, None, :]) * B_s[None, :, :]
        h_new = Abar * h_rot + u
        y = jnp.sum(h_new * C_s[None, :, :], axis=1)
        return h_new, y

    def lane_roll(x):
        return jnp.concatenate([x[:, _C - 1:], x[:, :_C - 1]], axis=1)

    def warm_body(i, _):
        r = L - _W + i
        h = h_scr[...]
        h_new, _y = step(h, lane_roll(row(dt_ref, r)), lane_roll(row(xb_ref, r)),
                         lane_roll(row(B_ref, r)), lane_roll(row(C_ref, r)))
        h_scr[...] = jnp.where(lane >= 1, h_new, h)
        return 0

    jax.lax.fori_loop(0, _W, warm_body, 0)

    def main_body(i, _):
        h = h_scr[...]
        h_new, y = step(h, row(dt_ref, i), row(xb_ref, i),
                        row(B_ref, i), row(C_ref, i))
        h_scr[...] = h_new
        ys_ref[0, pl.ds(i, 1)] = y[None]
        return 0

    jax.lax.fori_loop(0, L, main_body, 0)
    hfin_ref[0] = h_scr[...]


def _run_scan(dt2, xb2, B2, C2, A2, ph2, hinit2, n):
    L = n // _C

    def big_spec():
        return pl.BlockSpec((1, L, D_INNER, _C), lambda d: (d, 0, 0, 0))

    def sq_spec():
        return pl.BlockSpec((1, D_INNER, D_STATE, _C), lambda d: (d, 0, 0, 0))

    ys, hfin = pl.pallas_call(
        functools.partial(_scan_body, L=L),
        grid=(2,),
        in_specs=[big_spec(), big_spec(), big_spec(), big_spec(),
                  sq_spec(), sq_spec(),
                  pl.BlockSpec((1, D_INNER, D_STATE), lambda d: (d, 0, 0))],
        out_specs=[big_spec(), sq_spec()],
        out_shape=[jax.ShapeDtypeStruct((2, L, D_INNER, _C), jnp.float32),
                   jax.ShapeDtypeStruct((2, D_INNER, D_STATE, _C), jnp.float32)],
        scratch_shapes=[pltpu.VMEM((D_INNER, D_STATE, _C), jnp.float32)],
    )(dt2, xb2, B2, C2, A2, ph2, hinit2)
    return ys, hfin



def _post_body(g_ref, s_ref, ysf_ref, zf_ref, xbf_ref, ysb_ref, zb_ref,
               xbb_ref, hs_ref,
               Df_ref, outWf_ref, Db_ref, outWb_ref,
               Wz_ref, bz_ref, Wr_ref, br_ref, Wh_ref, bh_ref,
               qW_ref, kA_ref, kB_ref, tab_ref,
               smart_ref, hnew_ref):
    g = g_ref[...]
    s = s_ref[...]

    mm = _mmb

    def mm_exact(a, b):
        return jax.lax.dot_general(a, b, (((1,), (0,)), ((), ())),
                                   preferred_element_type=jnp.float32,
                                   precision=jax.lax.Precision.HIGHEST)

    def out_proj(ys_ref2, z_ref2, xb_ref2, D_ref2, outW_ref2):
        ys = ys_ref2[...]
        z = z_ref2[...]
        xb = xb_ref2[...]
        y = ys * (z * _sigmoid(z)) + D_ref2[...] * xb
        return mm(outW_ref2[...], y)

    fwd = out_proj(ysf_ref, zf_ref, xbf_ref, Df_ref, outWf_ref)
    bwd = out_proj(ysb_ref, zb_ref, xbb_ref, Db_ref, outWb_ref)

    h_s = hs_ref[...]
    gru_in = jnp.concatenate([g, s, fwd, bwd], axis=0)
    xh = jnp.concatenate([gru_in, h_s], axis=0)
    zg = _sigmoid(mm(Wz_ref[...], xh) + bz_ref[...])
    rg = _sigmoid(mm(Wr_ref[...], xh) + br_ref[...])
    xrh = jnp.concatenate([gru_in, rg * h_s], axis=0)
    h_t = jnp.tanh(mm(Wh_ref[...], xrh) + bh_ref[...])
    h_new = (1.0 - zg) * h_s + zg * h_t

    feat = jnp.concatenate([h_new, fwd, bwd, g, s], axis=0)

    nb = g.shape[1]
    peer = jnp.zeros((1, nb), jnp.float32)
    half = D_MODEL // 2
    for hidx in range(N_HEADS):
        q = mm(qW_ref[...][hidx * D_MODEL:(hidx + 1) * D_MODEL], feat)
        sA = mm(kA_ref[...][hidx * PK:(hidx + 1) * PK], q[:half])
        sB = mm(kB_ref[...][hidx * PK:(hidx + 1) * PK], q[half:])

        def first_argmax(sc):
            m = jnp.max(sc, axis=0, keepdims=True)
            it = jax.lax.broadcasted_iota(jnp.int32, (PK, nb), 0)
            idx = jnp.min(jnp.where(sc >= m, it, PK), axis=0, keepdims=True)
            return m, idx

        mA, iA = first_argmax(sA)
        mB, iB = first_argmax(sB)
        score = mA + mB
        eidx = iA * PK + iB
        eit = jax.lax.broadcasted_iota(jnp.int32, (N_EXP, nb), 0)
        oh = (eit == eidx).astype(jnp.float32)
        gath = mm_exact(tab_ref[...], oh)
        w1 = gath[:EXP_H]
        b1 = gath[EXP_H:2 * EXP_H]
        w2 = gath[2 * EXP_H:3 * EXP_H]
        b2 = gath[3 * EXP_H:3 * EXP_H + 1]
        hid = jnp.maximum(w1 * g + b1, 0.0)
        eout = jnp.sum(w2 * hid, axis=0, keepdims=True) + b2
        peer = peer + _sigmoid(score) * eout

    smart_ref[...] = g + (RESCALE / N_HEADS) * peer
    hnew_ref[...] = h_new


def _run_post(g_s, s_s, ysf, zf, xbf, ysb, zb, xbb, hs4, params, n):
    nb = 4096
    grid = (n // nb,)

    def espec():
        return pl.BlockSpec((1, nb), lambda i: (0, i))

    def fspec():
        return pl.BlockSpec((D_INNER, nb), lambda i: (0, i))

    def hspec():
        return pl.BlockSpec((GRU_H, nb), lambda i: (0, i))

    def wspec(shape):
        return pl.BlockSpec(shape, lambda i: tuple(0 for _ in shape))

    pf = params['mamba_fwd']
    pb = params['mamba_bwd']
    qW = params['peer_q_W'].reshape(N_HEADS * D_MODEL, GRU_H + 2 * D_MODEL + 2)
    kA = params['keys_A'].reshape(N_HEADS * PK, D_MODEL // 2)
    kB = params['keys_B'].reshape(N_HEADS * PK, D_MODEL // 2)
    tab = jnp.concatenate([params['expert_W1'][:, :, 0],
                           params['expert_b1'],
                           params['expert_W2'][:, 0, :],
                           params['expert_b2']], axis=1).T
    w_ins = [pf['D'].reshape(D_INNER, 1), pf['out_W'],
             pb['D'].reshape(D_INNER, 1), pb['out_W'],
             params['gru_Wz'], params['gru_bz'].reshape(GRU_H, 1),
             params['gru_Wr'], params['gru_br'].reshape(GRU_H, 1),
             params['gru_Wh'], params['gru_bh'].reshape(GRU_H, 1),
             qW, kA, kB, tab]
    w_specs = [wspec((D_INNER, 1)), wspec((D_MODEL, D_INNER)),
               wspec((D_INNER, 1)), wspec((D_MODEL, D_INNER)),
               wspec((GRU_H, 22)), wspec((GRU_H, 1)),
               wspec((GRU_H, 22)), wspec((GRU_H, 1)),
               wspec((GRU_H, 22)), wspec((GRU_H, 1)),
               wspec((N_HEADS * D_MODEL, 22)),
               wspec((N_HEADS * PK, D_MODEL // 2)),
               wspec((N_HEADS * PK, D_MODEL // 2)),
               wspec((3 * EXP_H + 1, N_EXP))]

    smart, hnew = pl.pallas_call(
        _post_body,
        grid=grid,
        in_specs=[espec(), espec(), fspec(), fspec(), fspec(),
                  fspec(), fspec(), fspec(), hspec()] + w_specs,
        out_specs=[espec(), hspec()],
        out_shape=[jax.ShapeDtypeStruct((1, n), jnp.float32),
                   jax.ShapeDtypeStruct((GRU_H, n), jnp.float32)],
    )(g_s.reshape(1, n), s_s.reshape(1, n), ysf, zf, xbf, ysb, zb, xbb,
      hs4, *w_ins)
    return smart, hnew



def _sc_scatter_body(idx_hbm, v0_hbm, v1_hbm, v2_hbm, v3_hbm, v4_hbm,
                     o0_hbm, o1_hbm, o2_hbm, o3_hbm, o4_hbm,
                     idx_v, val_v, sem, bpw):
    nc = 2
    wid = lax.axis_index("s") * nc + lax.axis_index("c")
    base = wid * bpw
    pltpu.sync_copy(idx_hbm.at[pl.ds(base, bpw)], idx_v)
    for src, dst in ((v0_hbm, o0_hbm), (v1_hbm, o1_hbm), (v2_hbm, o2_hbm),
                     (v3_hbm, o3_hbm), (v4_hbm, o4_hbm)):
        pltpu.sync_copy(src.at[pl.ds(base, bpw)], val_v)
        pltpu.async_copy(val_v, dst.at[idx_v], sem).wait()


def _run_sc_scatter(sort_idx, smart, h0, h1, h2, h3, n):
    nw = 32
    bpw = n // nw
    mesh = plsc.VectorSubcoreMesh(core_axis_name="c", subcore_axis_name="s")
    out_type = [jax.ShapeDtypeStruct((n,), jnp.float32) for _ in range(5)]
    fn = functools.partial(
        pl.kernel,
        mesh=mesh,
        out_type=out_type,
        scratch_types=[pltpu.VMEM((bpw,), jnp.int32),
                       pltpu.VMEM((bpw,), jnp.float32),
                       pltpu.SemaphoreType.DMA],
    )(functools.partial(_sc_scatter_body, bpw=bpw))
    return fn(sort_idx, smart, h0, h1, h2, h3)



def _to_scan_layout(a16, n, rev):
    L = n // _C
    if rev:
        a16 = a16[:, ::-1]
    return a16.reshape(D_INNER, _C, L).transpose(2, 0, 1)


def _from_scan_layout(ys, n, rev):
    a = ys.transpose(1, 2, 0).reshape(D_INNER, n)
    if rev:
        a = a[:, ::-1]
    return a


def kernel(grad, sharpness, gru_state, mamba_fwd_state, mamba_bwd_state,
           params):
    n = grad.shape[0]
    g = grad.reshape(-1).astype(jnp.float32)
    s = sharpness.reshape(-1).astype(jnp.float32)
    sort_idx = jnp.argsort(jnp.abs(g))
    g_s = g[sort_idx]
    s_s = s[sort_idx]
    h_s = gru_state[sort_idx]

    xbf, zf, dtf, Bf, Cf, xbb, zb, dtb, Bb, Cb = _run_prep(g_s, s_s, params, n)

    dt2 = jnp.stack([_to_scan_layout(dtf, n, False),
                     _to_scan_layout(dtb, n, True)])
    xb2 = jnp.stack([_to_scan_layout(xbf, n, False),
                     _to_scan_layout(xbb, n, True)])
    B2 = jnp.stack([_to_scan_layout(Bf, n, False),
                    _to_scan_layout(Bb, n, True)])
    C2 = jnp.stack([_to_scan_layout(Cf, n, False),
                    _to_scan_layout(Cb, n, True)])

    def a_ph(p):
        A = -jnp.exp(p['A_log'])
        return A, p['rope']

    Af, phf = a_ph(params['mamba_fwd'])
    Ab, phb = a_ph(params['mamba_bwd'])
    A2 = jnp.broadcast_to(jnp.stack([Af, Ab])[:, :, :, None],
                          (2, D_INNER, D_STATE, _C))
    ph2 = jnp.broadcast_to(jnp.stack([phf, phb])[:, :, :, None],
                           (2, D_INNER, D_STATE, _C))
    hinit2 = jnp.stack([mamba_fwd_state, mamba_bwd_state])

    ys2, hfin2 = _run_scan(dt2, xb2, B2, C2, A2, ph2, hinit2, n)
    ysf = _from_scan_layout(ys2[0], n, False)
    ysb = _from_scan_layout(ys2[1], n, True)
    new_fs = hfin2[0, :, :, _C - 1]
    new_bs = hfin2[1, :, :, _C - 1]

    smart, hnew = _run_post(g_s, s_s, ysf, zf, xbf, ysb, zb, xbb,
                            h_s.T, params, n)

    smart_grad, g0, g1, g2, g3 = _run_sc_scatter(
        sort_idx.astype(jnp.int32), smart[0], hnew[0], hnew[1], hnew[2],
        hnew[3], n)
    new_gru = jnp.stack([g0, g1, g2, g3], axis=1)
    return smart_grad, new_gru, new_fs, new_bs

# --- scband reference (transcript-rebuilt; emitter-appended) ---
"""Pipeline reference for scband-mamba3-peermeta-net-33706903339418 (READ-ONLY COPY).

The authoritative reference and input builder live on the scoring server;
editing this copy changes nothing except your own understanding.
"""

import jax, jax.numpy as jnp
import numpy as np

D_MODEL = 8
D_STATE = 16
D_INNER = 16
N_HEADS = 4
N_EXP = 144
PK = 12
EXP_H = 16
GRU_H = 4
RESCALE = 0.1
N = 65536


def _mamba_params(key):
    ks = jax.random.split(key, 6)
    return {
        'in_W': jax.random.normal(ks[0], (2 * D_INNER, D_MODEL)) * 0.1,
        'dt_W': jax.random.normal(ks[1], (D_INNER, D_INNER)) * 0.1,
        'dt_b': jnp.zeros((D_INNER,)),
        'B_W': jax.random.normal(ks[2], (D_STATE, D_INNER)) * 0.1,
        'C_W': jax.random.normal(ks[3], (D_STATE, D_INNER)) * 0.1,
        'A_log': jnp.broadcast_to(jnp.log(jnp.linspace(1.0, D_STATE, D_STATE))[None, :], (D_INNER, D_STATE)).copy(),
        'D': jnp.ones((D_INNER,)),
        'rope': jax.random.normal(ks[4], (D_INNER, D_STATE)) * 0.01,
        'out_W': jax.random.normal(ks[5], (D_MODEL, D_INNER)) * 0.1,
    }


def setup_inputs(seed: int = 0):
    key = jax.random.key(seed)
    ks = jax.random.split(key, 16)
    params = {
        'inp_W': jax.random.normal(ks[0], (D_MODEL, 2)) * 0.1,
        'inp_b': jnp.zeros((D_MODEL,)),
        'mamba_fwd': _mamba_params(ks[1]),
        'mamba_bwd': _mamba_params(ks[2]),
        'gru_Wz': jax.random.normal(ks[3], (GRU_H, 2 + 2 * D_MODEL + GRU_H)) * 0.1,
        'gru_bz': jnp.zeros((GRU_H,)),
        'gru_Wr': jax.random.normal(ks[4], (GRU_H, 2 + 2 * D_MODEL + GRU_H)) * 0.1,
        'gru_br': jnp.zeros((GRU_H,)),
        'gru_Wh': jax.random.normal(ks[5], (GRU_H, 2 + 2 * D_MODEL + GRU_H)) * 0.1,
        'gru_bh': jnp.zeros((GRU_H,)),
        'peer_q_W': jax.random.normal(ks[6], (N_HEADS, D_MODEL, GRU_H + 2 * D_MODEL + 2)) * 0.1,
        'keys_A': jax.random.normal(ks[7], (N_HEADS, PK, D_MODEL // 2)) * 0.02,
        'keys_B': jax.random.normal(ks[8], (N_HEADS, PK, D_MODEL // 2)) * 0.02,
        'expert_W1': jax.random.normal(ks[9], (N_EXP, EXP_H, 1)) * 0.02,
        'expert_b1': jnp.zeros((N_EXP, EXP_H)),
        'expert_W2': jax.random.normal(ks[10], (N_EXP, 1, EXP_H)) * 0.02,
        'expert_b2': jnp.zeros((N_EXP, 1)),
    }
    return {
        'grad': jax.random.normal(ks[11], (N,)) * 0.05,
        'sharpness': jax.random.uniform(ks[12], (N,)),
        'gru_state': jnp.zeros((N, GRU_H)),
        'mamba_fwd_state': jnp.zeros((D_INNER, D_STATE)),
        'mamba_bwd_state': jnp.zeros((D_INNER, D_STATE)),
        'params': params,
    }


def _mamba_scan(x, h0, p):
    xz = x @ p['in_W'].T
    x_branch, z = xz[:, :D_INNER], xz[:, D_INNER:]
    dt = jax.nn.softplus(x_branch @ p['dt_W'].T + p['dt_b'])
    B = x_branch @ p['B_W'].T
    C = x_branch @ p['C_W'].T
    A = -jnp.exp(p['A_log'])
    phase = p['rope']

    def step(h, inp):
        dt_i, B_i, C_i, xb_i = inp
        dt_e = dt_i[:, None]
        A_bar = (1.0 + dt_e * A / 2.0) / (1.0 - dt_e * A / 2.0 + 1e-08)
        B_bar = dt_e * B_i[None, :]
        cp = jnp.cos(dt_e * phase)
        sp = jnp.sin(dt_e * phase)
        h_rot = h * cp - jnp.roll(h, 1, axis=-1) * sp
        h_new = A_bar * h_rot + B_bar * xb_i[:, None]
        y = (h_new * C_i[None, :]).sum(-1)
        return h_new, y

    h_final, ys = jax.lax.scan(step, h0, (dt, B, C, x_branch))
    y = ys * jax.nn.silu(z) + p['D'][None, :] * x_branch
    return y @ p['out_W'].T, h_final


def _forward(grad, sharpness, gru_state, fwd_state, bwd_state, params):
    g = grad.reshape(-1).astype(jnp.float32)
    s = sharpness.reshape(-1).astype(jnp.float32)
    sort_idx = jnp.argsort(jnp.abs(g))
    g_s = g[sort_idx]
    s_s = s[sort_idx]
    inp = jnp.stack([g_s, s_s], axis=-1)
    x = inp @ params['inp_W'].T + params['inp_b']
    fwd_out, new_fs = _mamba_scan(x, fwd_state, params['mamba_fwd'])
    bwd_out_r, new_bs = _mamba_scan(x[::-1], bwd_state, params['mamba_bwd'])
    bwd_out = bwd_out_r[::-1]
    gru_in = jnp.concatenate([inp, fwd_out, bwd_out], axis=-1)
    h_s = gru_state[sort_idx]
    xh = jnp.concatenate([gru_in, h_s], axis=-1)
    zg = jax.nn.sigmoid(xh @ params['gru_Wz'].T + params['gru_bz'])
    rg = jax.nn.sigmoid(xh @ params['gru_Wr'].T + params['gru_br'])
    xrh = jnp.concatenate([gru_in, rg * h_s], axis=-1)
    h_t = jnp.tanh(xrh @ params['gru_Wh'].T + params['gru_bh'])
    h_new = (1 - zg) * h_s + zg * h_t
    feat = jnp.concatenate([h_new, fwd_out, bwd_out, inp], axis=-1)
    peer_out = jnp.zeros_like(g_s)
    for hidx in range(N_HEADS):
        q = feat @ params['peer_q_W'][hidx].T
        q1, q2 = q[:, :D_MODEL // 2], q[:, D_MODEL // 2:]
        sA = q1 @ params['keys_A'][hidx].T
        sB = q2 @ params['keys_B'][hidx].T
        iA = jnp.argmax(sA, axis=-1)
        iB = jnp.argmax(sB, axis=-1)
        score = jnp.take_along_axis(sA, iA[:, None], axis=1)[:, 0] + jnp.take_along_axis(sB, iB[:, None], axis=1)[:, 0]
        eidx = iA * PK + iB
        W1 = params['expert_W1'][eidx][:, :, 0]
        b1 = params['expert_b1'][eidx]
        W2 = params['expert_W2'][eidx][:, 0, :]
        b2 = params['expert_b2'][eidx][:, 0]
        hid = jax.nn.relu(W1 * g_s[:, None] + b1)
        eout = (W2 * hid).sum(-1) + b2
        peer_out = peer_out + jax.nn.sigmoid(score) * eout
    peer_out = peer_out / N_HEADS
    smart_sorted = g_s + RESCALE * peer_out
    inv = jnp.argsort(sort_idx)
    smart_grad = smart_sorted[inv]
    new_gru = h_new[inv]
    return smart_grad, new_gru, new_fs, new_bs


def reference(grad, sharpness, gru_state, mamba_fwd_state, mamba_bwd_state, params):
    return _forward(grad, sharpness, gru_state, mamba_fwd_state, mamba_bwd_state, params)

if __name__ == "__main__":
    import jax
    _d = setup_inputs()
    print(jax.jit(kernel)(*tuple(_d.values())))

</pallas_src>

<mosaic_0001>
#map = affine_map<(d0, d1) -> (0)>
module attributes {stable_mosaic.version = 14 : i64} {
  func.func @_sc_scatter_body(%arg0: i32, %arg1: i32, %arg2: memref<65536xi32, #tpu.memory_space<hbm>>, %arg3: memref<65536xf32, #tpu.memory_space<hbm>>, %arg4: memref<65536xf32, #tpu.memory_space<hbm>>, %arg5: memref<65536xf32, #tpu.memory_space<hbm>>, %arg6: memref<65536xf32, #tpu.memory_space<hbm>>, %arg7: memref<65536xf32, #tpu.memory_space<hbm>>, %arg8: memref<65536xf32, #tpu.memory_space<hbm>>, %arg9: memref<65536xf32, #tpu.memory_space<hbm>>, %arg10: memref<65536xf32, #tpu.memory_space<hbm>>, %arg11: memref<65536xf32, #tpu.memory_space<hbm>>, %arg12: memref<65536xf32, #tpu.memory_space<hbm>>, %arg13: memref<2048xi32, #tpu.memory_space<vmem>>, %arg14: memref<2048xf32, #tpu.memory_space<vmem>>, %arg15: memref<!tpu.dma_semaphore, #tpu.memory_space<semaphore_mem>>) attributes {dimension_semantics = [#tpu.dimension_semantics<core_parallel>, #tpu.dimension_semantics<subcore_parallel>], iteration_bounds = array<i64: 2, 16>, scalar_prefetch = 0 : i64, scratch_operands = 3 : i64, tpu.core_type = #tpu.core_type<sc_vector_subcore>, window_params = [{transform_indices = #map}, {transform_indices = #map}, {transform_indices = #map}, {transform_indices = #map}, {transform_indices = #map}, {transform_indices = #map}, {transform_indices = #map}, {transform_indices = #map}, {transform_indices = #map}, {transform_indices = #map}, {transform_indices = #map}]} {
    %mul3A = arith.constant 2 : i32
    %mul3A_0 = arith.muli %arg1, %mul3A : i32
    %add3A = arith.addi %mul3A_0, %arg0 : i32
    %mul3A_1 = arith.constant 2048 : i32
    %mul3A_2 = arith.muli %add3A, %mul3A_1 : i32
    "tpu.region"() ({
      %run_scoped3A = tpu.sem_alloc : memref<!tpu.dma_semaphore, #tpu.memory_space<semaphore_mem>>
      %dma_start3A_21 = tpu.memref_slice %arg2[%mul3A_2] : memref<65536xi32, #tpu.memory_space<hbm>> -> memref<2048xi32, #tpu.memory_space<hbm>>
      %dma_start3A_22 = tpu.memref_slice %arg2[%mul3A_2] : memref<65536xi32, #tpu.memory_space<hbm>> -> memref<2048xi32, #tpu.memory_space<hbm>>
      tpu.enqueue_dma source(%dma_start3A_22 : memref<2048xi32, #tpu.memory_space<hbm>>) target(%arg13 : memref<2048xi32, #tpu.memory_space<vmem>>) target_semaphore(%run_scoped3A : memref<!tpu.dma_semaphore, #tpu.memory_space<semaphore_mem>>)
      %dma_wait3A_23 = tpu.memref_slice %arg2[%mul3A_2] : memref<65536xi32, #tpu.memory_space<hbm>> -> memref<2048xi32, #tpu.memory_space<hbm>>
      %dma_wait3A_24 = tpu.memref_slice %arg2[%mul3A_2] : memref<65536xi32, #tpu.memory_space<hbm>> -> memref<2048xi32, #tpu.memory_space<hbm>>
      tpu.wait_dma2 semaphore(%run_scoped3A : memref<!tpu.dma_semaphore, #tpu.memory_space<semaphore_mem>>) src(%dma_wait3A_24 : memref<2048xi32, #tpu.memory_space<hbm>>) dst(%arg13 : memref<2048xi32, #tpu.memory_space<vmem>>)
      tpu.yield
    }) : () -> ()
    "tpu.region"() ({
      %run_scoped3A = tpu.sem_alloc : memref<!tpu.dma_semaphore, #tpu.memory_space<semaphore_mem>>
      %dma_start3A_21 = tpu.memref_slice %arg3[%mul3A_2] : memref<65536xf32, #tpu.memory_space<hbm>> -> memref<2048xf32, #tpu.memory_space<hbm>>
      %dma_start3A_22 = tpu.memref_slice %arg3[%mul3A_2] : memref<65536xf32, #tpu.memory_space<hbm>> -> memref<2048xf32, #tpu.memory_space<hbm>>
      tpu.enqueue_dma source(%dma_start3A_22 : memref<2048xf32, #tpu.memory_space<hbm>>) target(%arg14 : memref<2048xf32, #tpu.memory_space<vmem>>) target_semaphore(%run_scoped3A : memref<!tpu.dma_semaphore, #tpu.memory_space<semaphore_mem>>)
      %dma_wait3A_23 = tpu.memref_slice %arg3[%mul3A_2] : memref<65536xf32, #tpu.memory_space<hbm>> -> memref<2048xf32, #tpu.memory_space<hbm>>
      %dma_wait3A_24 = tpu.memref_slice %arg3[%mul3A_2] : memref<65536xf32, #tpu.memory_space<hbm>> -> memref<2048xf32, #tpu.memory_space<hbm>>
      tpu.wait_dma2 semaphore(%run_scoped3A : memref<!tpu.dma_semaphore, #tpu.memory_space<semaphore_mem>>) src(%dma_wait3A_24 : memref<2048xf32, #tpu.memory_space<hbm>>) dst(%arg14 : memref<2048xf32, #tpu.memory_space<vmem>>)
      tpu.yield
    }) : () -> ()
    %dma_start3A = arith.constant 0 : i32
    %dma_start3A_3 = tpu.memref_slice %arg8[%dma_start3A] : memref<65536xf32, #tpu.memory_space<hbm>> -> memref<65536xf32, #tpu.memory_space<hbm>>
    tpu.enqueue_indirect_dma source(%arg14 : memref<2048xf32, #tpu.memory_space<vmem>>) target(%dma_start3A_3 : memref<65536xf32, #tpu.memory_space<hbm>>) offsets(%arg13 : memref<2048xi32, #tpu.memory_space<vmem>>) semaphore(%arg15 : memref<!tpu.dma_semaphore, #tpu.memory_space<semaphore_mem>>)
    %dma_wait3A = arith.constant 0 : i32
    %dma_wait3A_4 = tpu.memref_slice %arg8[%dma_wait3A] : memref<65536xf32, #tpu.memory_space<hbm>> -> memref<65536xf32, #tpu.memory_space<hbm>>
    tpu.wait_indirect_dma semaphore(%arg15 : memref<!tpu.dma_semaphore, #tpu.memory_space<semaphore_mem>>) src(%arg14 : memref<2048xf32, #tpu.memory_space<vmem>>) dst(%dma_wait3A_4 : memref<65536xf32, #tpu.memory_space<hbm>>)
    "tpu.region"() ({
      %run_scoped3A = tpu.sem_alloc : memref<!tpu.dma_semaphore, #tpu.memory_space<semaphore_mem>>
      %dma_start3A_21 = tpu.memref_slice %arg4[%mul3A_2] : memref<65536xf32, #tpu.memory_space<hbm>> -> memref<2048xf32, #tpu.memory_space<hbm>>
      %dma_start3A_22 = tpu.memref_slice %arg4[%mul3A_2] : memref<65536xf32, #tpu.memory_space<hbm>> -> memref<2048xf32, #tpu.memory_space<hbm>>
      tpu.enqueue_dma source(%dma_start3A_22 : memref<2048xf32, #tpu.memory_space<hbm>>) target(%arg14 : memref<2048xf32, #tpu.memory_space<vmem>>) target_semaphore(%run_scoped3A : memref<!tpu.dma_semaphore, #tpu.memory_space<semaphore_mem>>)
      %dma_wait3A_23 = tpu.memref_slice %arg4[%mul3A_2] : memref<65536xf32, #tpu.memory_space<hbm>> -> memref<2048xf32, #tpu.memory_space<hbm>>
      %dma_wait3A_24 = tpu.memref_slice %arg4[%mul3A_2] : memref<65536xf32, #tpu.memory_space<hbm>> -> memref<2048xf32, #tpu.memory_space<hbm>>
      tpu.wait_dma2 semaphore(%run_scoped3A : memref<!tpu.dma_semaphore, #tpu.memory_space<semaphore_mem>>) src(%dma_wait3A_24 : memref<2048xf32, #tpu.memory_space<hbm>>) dst(%arg14 : memref<2048xf32, #tpu.memory_space<vmem>>)
      tpu.yield
    }) : () -> ()
    %dma_start3A_5 = arith.constant 0 : i32
    %dma_start3A_6 = tpu.memref_slice %arg9[%dma_start3A_5] : memref<65536xf32, #tpu.memory_space<hbm>> -> memref<65536xf32, #tpu.memory_space<hbm>>
    tpu.enqueue_indirect_dma source(%arg14 : memref<2048xf32, #tpu.memory_space<vmem>>) target(%dma_start3A_6 : memref<65536xf32, #tpu.memory_space<hbm>>) offsets(%arg13 : memref<2048xi32, #tpu.memory_space<vmem>>) semaphore(%arg15 : memref<!tpu.dma_semaphore, #tpu.memory_space<semaphore_mem>>)
    %dma_wait3A_7 = arith.constant 0 : i32
    %dma_wait3A_8 = tpu.memref_slice %arg9[%dma_wait3A_7] : memref<65536xf32, #tpu.memory_space<hbm>> -> memref<65536xf32, #tpu.memory_space<hbm>>
    tpu.wait_indirect_dma semaphore(%arg15 : memref<!tpu.dma_semaphore, #tpu.memory_space<semaphore_mem>>) src(%arg14 : memref<2048xf32, #tpu.memory_space<vmem>>) dst(%dma_wait3A_8 : memref<65536xf32, #tpu.memory_space<hbm>>)
    "tpu.region"() ({
      %run_scoped3A = tpu.sem_alloc : memref<!tpu.dma_semaphore, #tpu.memory_space<semaphore_mem>>
      %dma_start3A_21 = tpu.memref_slice %arg5[%mul3A_2] : memref<65536xf32, #tpu.memory_space<hbm>> -> memref<2048xf32, #tpu.memory_space<hbm>>
      %dma_start3A_22 = tpu.memref_slice %arg5[%mul3A_2] : memref<65536xf32, #tpu.memory_space<hbm>> -> memref<2048xf32, #tpu.memory_space<hbm>>
      tpu.enqueue_dma source(%dma_start3A_22 : memref<2048xf32, #tpu.memory_space<hbm>>) target(%arg14 : memref<2048xf32, #tpu.memory_space<vmem>>) target_semaphore(%run_scoped3A : memref<!tpu.dma_semaphore, #tpu.memory_space<semaphore_mem>>)
      %dma_wait3A_23 = tpu.memref_slice %arg5[%mul3A_2] : memref<65536xf32, #tpu.memory_space<hbm>> -> memref<2048xf32, #tpu.memory_space<hbm>>
      %dma_wait3A_24 = tpu.memref_slice %arg5[%mul3A_2] : memref<65536xf32, #tpu.memory_space<hbm>> -> memref<2048xf32, #tpu.memory_space<hbm>>
      tpu.wait_dma2 semaphore(%run_scoped3A : memref<!tpu.dma_semaphore, #tpu.memory_space<semaphore_mem>>) src(%dma_wait3A_24 : memref<2048xf32, #tpu.memory_space<hbm>>) dst(%arg14 : memref<2048xf32, #tpu.memory_space<vmem>>)
      tpu.yield
    }) : () -> ()
    %dma_start3A_9 = arith.constant 0 : i32
    %dma_start3A_10 = tpu.memref_slice %arg10[%dma_start3A_9] : memref<65536xf32, #tpu.memory_space<hbm>> -> memref<65536xf32, #tpu.memory_space<hbm>>
    tpu.enqueue_indirect_dma source(%arg14 : memref<2048xf32, #tpu.memory_space<vmem>>) target(%dma_start3A_10 : memref<65536xf32, #tpu.memory_space<hbm>>) offsets(%arg13 : memref<2048xi32, #tpu.memory_space<vmem>>) semaphore(%arg15 : memref<!tpu.dma_semaphore, #tpu.memory_space<semaphore_mem>>)
    %dma_wait3A_11 = arith.constant 0 : i32
    %dma_wait3A_12 = tpu.memref_slice %arg10[%dma_wait3A_11] : memref<65536xf32, #tpu.memory_space<hbm>> -> memref<65536xf32, #tpu.memory_space<hbm>>
    tpu.wait_indirect_dma semaphore(%arg15 : memref<!tpu.dma_semaphore, #tpu.memory_space<semaphore_mem>>) src(%arg14 : memref<2048xf32, #tpu.memory_space<vmem>>) dst(%dma_wait3A_12 : memref<65536xf32, #tpu.memory_space<hbm>>)
    "tpu.region"() ({
      %run_scoped3A = tpu.sem_alloc : memref<!tpu.dma_semaphore, #tpu.memory_space<semaphore_mem>>
      %dma_start3A_21 = tpu.memref_slice %arg6[%mul3A_2] : memref<65536xf32, #tpu.memory_space<hbm>> -> memref<2048xf32, #tpu.memory_space<hbm>>
      %dma_start3A_22 = tpu.memref_slice %arg6[%mul3A_2] : memref<65536xf32, #tpu.memory_space<hbm>> -> memref<2048xf32, #tpu.memory_space<hbm>>
      tpu.enqueue_dma source(%dma_start3A_22 : memref<2048xf32, #tpu.memory_space<hbm>>) target(%arg14 : memref<2048xf32, #tpu.memory_space<vmem>>) target_semaphore(%run_scoped3A : memref<!tpu.dma_semaphore, #tpu.memory_space<semaphore_mem>>)
      %dma_wait3A_23 = tpu.memref_slice %arg6[%mul3A_2] : memref<65536xf32, #tpu.memory_space<hbm>> -> memref<2048xf32, #tpu.memory_space<hbm>>
      %dma_wait3A_24 = tpu.memref_slice %arg6[%mul3A_2] : memref<65536xf32, #tpu.memory_space<hbm>> -> memref<2048xf32, #tpu.memory_space<hbm>>
      tpu.wait_dma2 semaphore(%run_scoped3A : memref<!tpu.dma_semaphore, #tpu.memory_space<semaphore_mem>>) src(%dma_wait3A_24 : memref<2048xf32, #tpu.memory_space<hbm>>) dst(%arg14 : memref<2048xf32, #tpu.memory_space<vmem>>)
      tpu.yield
    }) : () -> ()
    %dma_start3A_13 = arith.constant 0 : i32
    %dma_start3A_14 = tpu.memref_slice %arg11[%dma_start3A_13] : memref<65536xf32, #tpu.memory_space<hbm>> -> memref<65536xf32, #tpu.memory_space<hbm>>
    tpu.enqueue_indirect_dma source(%arg14 : memref<2048xf32, #tpu.memory_space<vmem>>) target(%dma_start3A_14 : memref<65536xf32, #tpu.memory_space<hbm>>) offsets(%arg13 : memref<2048xi32, #tpu.memory_space<vmem>>) semaphore(%arg15 : memref<!tpu.dma_semaphore, #tpu.memory_space<semaphore_mem>>)
    %dma_wait3A_15 = arith.constant 0 : i32
    %dma_wait3A_16 = tpu.memref_slice %arg11[%dma_wait3A_15] : memref<65536xf32, #tpu.memory_space<hbm>> -> memref<65536xf32, #tpu.memory_space<hbm>>
    tpu.wait_indirect_dma semaphore(%arg15 : memref<!tpu.dma_semaphore, #tpu.memory_space<semaphore_mem>>) src(%arg14 : memref<2048xf32, #tpu.memory_space<vmem>>) dst(%dma_wait3A_16 : memref<65536xf32, #tpu.memory_space<hbm>>)
    "tpu.region"() ({
      %run_scoped3A = tpu.sem_alloc : memref<!tpu.dma_semaphore, #tpu.memory_space<semaphore_mem>>
      %dma_start3A_21 = tpu.memref_slice %arg7[%mul3A_2] : memref<65536xf32, #tpu.memory_space<hbm>> -> memref<2048xf32, #tpu.memory_space<hbm>>
      %dma_start3A_22 = tpu.memref_slice %arg7[%mul3A_2] : memref<65536xf32, #tpu.memory_space<hbm>> -> memref<2048xf32, #tpu.memory_space<hbm>>
      tpu.enqueue_dma source(%dma_start3A_22 : memref<2048xf32, #tpu.memory_space<hbm>>) target(%arg14 : memref<2048xf32, #tpu.memory_space<vmem>>) target_semaphore(%run_scoped3A : memref<!tpu.dma_semaphore, #tpu.memory_space<semaphore_mem>>)
      %dma_wait3A_23 = tpu.memref_slice %arg7[%mul3A_2] : memref<65536xf32, #tpu.memory_space<hbm>> -> memref<2048xf32, #tpu.memory_space<hbm>>
      %dma_wait3A_24 = tpu.memref_slice %arg7[%mul3A_2] : memref<65536xf32, #tpu.memory_space<hbm>> -> memref<2048xf32, #tpu.memory_space<hbm>>
      tpu.wait_dma2 semaphore(%run_scoped3A : memref<!tpu.dma_semaphore, #tpu.memory_space<semaphore_mem>>) src(%dma_wait3A_24 : memref<2048xf32, #tpu.memory_space<hbm>>) dst(%arg14 : memref<2048xf32, #tpu.memory_space<vmem>>)
      tpu.yield
    }) : () -> ()
    %dma_start3A_17 = arith.constant 0 : i32
    %dma_start3A_18 = tpu.memref_slice %arg12[%dma_start3A_17] : memref<65536xf32, #tpu.memory_space<hbm>> -> memref<65536xf32, #tpu.memory_space<hbm>>
    tpu.enqueue_indirect_dma source(%arg14 : memref<2048xf32, #tpu.memory_space<vmem>>) target(%dma_start3A_18 : memref<65536xf32, #tpu.memory_space<hbm>>) offsets(%arg13 : memref<2048xi32, #tpu.memory_space<vmem>>) semaphore(%arg15 : memref<!tpu.dma_semaphore, #tpu.memory_space<semaphore_mem>>)
    %dma_wait3A_19 = arith.constant 0 : i32
    %dma_wait3A_20 = tpu.memref_slice %arg12[%dma_wait3A_19] : memref<65536xf32, #tpu.memory_space<hbm>> -> memref<65536xf32, #tpu.memory_space<hbm>>
    tpu.wait_indirect_dma semaphore(%arg15 : memref<!tpu.dma_semaphore, #tpu.memory_space<semaphore_mem>>) src(%arg14 : memref<2048xf32, #tpu.memory_space<vmem>>) dst(%dma_wait3A_20 : memref<65536xf32, #tpu.memory_space<hbm>>)
    return
  }
}

module attributes {stable_mosaic.version = 14 : i64} {
  func.func @_prep_body(%arg0: i32, %arg1: memref<1x16384xf32, #tpu.memory_space<vmem>>, %arg2: memref<1x16384xf32, #tpu.memory_space<vmem>>, %arg3: memref<8x2xf32, #tpu.memory_space<vmem>>, %arg4: memref<8x1xf32, #tpu.memory_space<vmem>>, %arg5: memref<32x8xf32, #tpu.memory_space<vmem>>, %arg6: memref<16x16xf32, #tpu.memory_space<vmem>>, %arg7: memref<16x1xf32, #tpu.memory_space<vmem>>, %arg8: memref<16x16xf32, #tpu.memory_space<vmem>>, %arg9: memref<16x16xf32, #tpu.memory_space<vmem>>, %arg10: memref<32x8xf32, #tpu.memory_space<vmem>>, %arg11: memref<16x16xf32, #tpu.memory_space<vmem>>, %arg12: memref<16x1xf32, #tpu.memory_space<vmem>>, %arg13: memref<16x16xf32, #tpu.memory_space<vmem>>, %arg14: memref<16x16xf32, #tpu.memory_space<vmem>>, %arg15: memref<16x16384xf32, #tpu.memory_space<vmem>>, %arg16: memref<16x16384xf32, #tpu.memory_space<vmem>>, %arg17: memref<16x16384xf32, #tpu.memory_space<vmem>>, %arg18: memref<16x16384xf32, #tpu.memory_space<vmem>>, %arg19: memref<16x16384xf32, #tpu.memory_space<vmem>>, %arg20: memref<16x16384xf32, #tpu.memory_space<vmem>>, %arg21: memref<16x16384xf32, #tpu.memory_space<vmem>>, %arg22: memref<16x16384xf32, #tpu.memory_space<vmem>>, %arg23: memref<16x16384xf32, #tpu.memory_space<vmem>>, %arg24: memref<16x16384xf32, #tpu.memory_space<vmem>>) attributes {dimension_semantics = [#tpu.dimension_semantics<arbitrary>], iteration_bounds = array<i64: 4>, scalar_prefetch = 0 : i64, scratch_operands = 0 : i64, tpu.core_type = #tpu.core_type<tc>, window_params = [{transform_indices = @transform_0, window_bounds = array<i64: 1, 16384>}, {transform_indices = @transform_1, window_bounds = array<i64: 1, 16384>}, {pipeline_mode = #tpu.pipeline_mode<synchronous>, transform_indices = @transform_2, window_bounds = array<i64: 8, 2>}, {pipeline_mode = #tpu.pipeline_mode<synchronous>, transform_indices = @transform_3, window_bounds = array<i64: 8, 1>}, {pipeline_mode = #tpu.pipeline_mode<synchronous>, transform_indices = @transform_4, window_bounds = array<i64: 32, 8>}, {pipeline_mode = #tpu.pipeline_mode<synchronous>, transform_indices = @transform_5, window_bounds = array<i64: 16, 16>}, {pipeline_mode = #tpu.pipeline_mode<synchronous>, transform_indices = @transform_6, window_bounds = array<i64: 16, 1>}, {pipeline_mode = #tpu.pipeline_mode<synchronous>, transform_indices = @transform_7, window_bounds = array<i64: 16, 16>}, {pipeline_mode = #tpu.pipeline_mode<synchronous>, transform_indices = @transform_8, window_bounds = array<i64: 16, 16>}, {pipeline_mode = #tpu.pipeline_mode<synchronous>, transform_indices = @transform_9, window_bounds = array<i64: 32, 8>}, {pipeline_mode = #tpu.pipeline_mode<synchronous>, transform_indices = @transform_10, window_bounds = array<i64: 16, 16>}, {pipeline_mode = #tpu.pipeline_mode<synchronous>, transform_indices = @transform_11, window_bounds = array<i64: 16, 1>}, {pipeline_mode = #tpu.pipeline_mode<synchronous>, transform_indices = @transform_12, window_bounds = array<i64: 16, 16>}, {pipeline_mode = #tpu.pipeline_mode<synchronous>, transform_indices = @transform_13, window_bounds = array<i64: 16, 16>}, {transform_indices = @transform_14, window_bounds = array<i64: 16, 16384>}, {transform_indices = @transform_15, window_bounds = array<i64: 16, 16384>}, {transform_indices = @transform_16, window_bounds = array<i64: 16, 16384>}, {transform_indices = @transform_17, window_bounds = array<i64: 16, 16384>}, {transform_indices = @transform_18, window_bounds = array<i64: 16, 16384>}, {transform_indices = @transform_19, window_bounds = array<i64: 16, 16384>}, {transform_indices = @transform_20, window_bounds = array<i64: 16, 16384>}, {transform_indices = @transform_21, window_bounds = array<i64: 16, 16384>}, {transform_indices = @transform_22, window_bounds = array<i64: 16, 16384>}, {transform_indices = @transform_23, window_bounds = array<i64: 16, 16384>}]} {
    %get3A = arith.constant 0 : index
    %get3A_0 = arith.constant 0 : index
    %get3A_1 = vector.load %arg1[%get3A, %get3A_0] : memref<1x16384xf32, #tpu.memory_space<vmem>>, vector<1x16384xf32>
    %get3A_2 = arith.constant 0 : index
    %get3A_3 = arith.constant 0 : index
    %get3A_4 = vector.load %arg2[%get3A_2, %get3A_3] : memref<1x16384xf32, #tpu.memory_space<vmem>>, vector<1x16384xf32>
    %concatenate3A = tpu.concatenate %get3A_1, %get3A_4 in 0 : vector<1x16384xf32>, vector<1x16384xf32> -> vector<2x16384xf32>
    %get3A_5 = arith.constant 0 : index
    %get3A_6 = arith.constant 0 : index
    %get3A_7 = vector.load %arg3[%get3A_5, %get3A_6] : memref<8x2xf32, #tpu.memory_space<vmem>>, vector<8x2xf32>
    %convert_element_type3A = arith.truncf %get3A_7 : vector<8x2xf32> to vector<8x2xbf16>
    %convert_element_type3A_8 = arith.truncf %concatenate3A : vector<2x16384xf32> to vector<2x16384xbf16>
    %dot_general3A = arith.constant dense<0.000000e+00> : vector<8x16384xf32>
    %dot_general3A_9 = tpu.matmul %convert_element_type3A, %convert_element_type3A_8, %dot_general3A {dimension_numbers = #tpu.dot_dimension_numbers<[1], [0], [0], [1], [0, 0, 1, 1], [], []>, transpose_lhs_hint = false} : vector<8x2xbf16>, vector<2x16384xbf16>, vector<8x16384xf32> -> vector<8x16384xf32>
    %get3A_10 = arith.constant 0 : index
    %get3A_11 = arith.constant 0 : index
    %get3A_12 = vector.load %arg4[%get3A_10, %get3A_11] : memref<8x1xf32, #tpu.memory_space<vmem>>, vector<8x1xf32>
    %add3A = vector.broadcast %get3A_12 : vector<8x1xf32> to vector<8x16384xf32>
    %add3A_13 = arith.addf %dot_general3A_9, %add3A : vector<8x16384xf32>
    %get3A_14 = arith.constant 0 : index
    %get3A_15 = arith.constant 0 : index
    %get3A_16 = vector.load %arg5[%get3A_14, %get3A_15] : memref<32x8xf32, #tpu.memory_space<vmem>>, vector<32x8xf32>
    %convert_element_type3A_17 = arith.truncf %get3A_16 : vector<32x8xf32> to vector<32x8xbf16>
    %convert_element_type3A_18 = arith.truncf %add3A_13 : vector<8x16384xf32> to vector<8x16384xbf16>
    %dot_general3A_19 = arith.constant dense<0.000000e+00> : vector<32x16384xf32>
    %dot_general3A_20 = tpu.matmul %convert_element_type3A_17, %convert_element_type3A_18, %dot_general3A_19 {dimension_numbers = #tpu.dot_dimension_numbers<[1], [0], [0], [1], [0, 0, 1, 1], [], []>, transpose_lhs_hint = false} : vector<32x8xbf16>, vector<8x16384xbf16>, vector<32x16384xf32> -> vector<32x16384xf32>
    %slice3A = vector.extract_strided_slice %dot_general3A_20 {offsets = [0, 0], sizes = [16, 16384], strides = [1, 1]} : vector<32x16384xf32> to vector<16x16384xf32>
    %slice3A_21 = vector.extract_strided_slice %dot_general3A_20 {offsets = [16, 0], sizes = [16, 16384], strides = [1, 1]} : vector<32x16384xf32> to vector<16x16384xf32>
    %get3A_22 = arith.constant 0 : index
    %get3A_23 = arith.constant 0 : index
    %get3A_24 = vector.load %arg6[%get3A_22, %get3A_23] : memref<16x16xf32, #tpu.memory_space<vmem>>, vector<16x16xf32>
    %convert_element_type3A_25 = arith.truncf %get3A_24 : vector<16x16xf32> to vector<16x16xbf16>
    %convert_element_type3A_26 = arith.truncf %slice3A : vector<16x16384xf32> to vector<16x16384xbf16>
    %dot_general3A_27 = arith.constant dense<0.000000e+00> : vector<16x16384xf32>
    %dot_general3A_28 = tpu.matmul %convert_element_type3A_25, %convert_element_type3A_26, %dot_general3A_27 {dimension_numbers = #tpu.dot_dimension_numbers<[1], [0], [0], [1], [0, 0, 1, 1], [], []>, transpose_lhs_hint = false} : vector<16x16xbf16>, vector<16x16384xbf16>, vector<16x16384xf32> -> vector<16x16384xf32>
    %get3A_29 = arith.constant 0 : index
    %get3A_30 = arith.constant 0 : index
    %get3A_31 = vector.load %arg7[%get3A_29, %get3A_30] : memref<16x1xf32, #tpu.memory_space<vmem>>, vector<16x1xf32>
    %add3A_32 = vector.broadcast %get3A_31 : vector<16x1xf32> to vector<16x16384xf32>
    %add3A_33 = arith.addf %dot_general3A_28, %add3A_32 : vector<16x16384xf32>
    %abs3A = math.absf %add3A_33 : vector<16x16384xf32>
    %neg3A = arith.constant 0.000000e+00 : f32
    %neg3A_34 = vector.broadcast %neg3A : f32 to vector<16x16384xf32>
    %neg3A_35 = arith.subf %neg3A_34, %abs3A : vector<16x16384xf32>
    %exp3A = math.exp %neg3A_35 : vector<16x16384xf32>
    %add3A_36 = arith.constant 1.000000e+00 : f32
    %add3A_37 = vector.broadcast %add3A_36 : f32 to vector<16x16384xf32>
    %add3A_38 = arith.addf %add3A_37, %exp3A : vector<16x16384xf32>
    %log3A = math.log %add3A_38 : vector<16x16384xf32>
    %max3A = arith.constant 0.000000e+00 : f32
    %max3A_39 = vector.broadcast %max3A : f32 to vector<16x16384xf32>
    %max3A_40 = arith.maximumf %add3A_33, %max3A_39 : vector<16x16384xf32>
    %add3A_41 = arith.addf %log3A, %max3A_40 : vector<16x16384xf32>
    %get3A_42 = arith.constant 0 : index
    %get3A_43 = arith.constant 0 : index
    %get3A_44 = vector.load %arg8[%get3A_42, %get3A_43] : memref<16x16xf32, #tpu.memory_space<vmem>>, vector<16x16xf32>
    %convert_element_type3A_45 = arith.truncf %get3A_44 : vector<16x16xf32> to vector<16x16xbf16>
    %convert_element_type3A_46 = arith.truncf %slice3A : vector<16x16384xf32> to vector<16x16384xbf16>
    %dot_general3A_47 = arith.constant dense<0.000000e+00> : vector<16x16384xf32>
    %dot_general3A_48 = tpu.matmul %convert_element_type3A_45, %convert_element_type3A_46, %dot_general3A_47 {dimension_numbers = #tpu.dot_dimension_numbers<[1], [0], [0], [1], [0, 0, 1, 1], [], []>, transpose_lhs_hint = false} : vector<16x16xbf16>, vector<16x16384xbf16>, vector<16x16384xf32> -> vector<16x16384xf32>
    %get3A_49 = arith.constant 0 : index
    %get3A_50 = arith.constant 0 : index
    %get3A_51 = vector.load %arg9[%get3A_49, %get3A_50] : memref<16x16xf32, #tpu.memory_space<vmem>>, vector<16x16xf32>
    %convert_element_type3A_52 = arith.truncf %get3A_51 : vector<16x16xf32> to vector<16x16xbf16>
    %convert_element_type3A_53 = arith.truncf %slice3A : vector<16x16384xf32> to vector<16x16384xbf16>
    %dot_general3A_54 = arith.constant dense<0.000000e+00> : vector<16x16384xf32>
    %dot_general3A_55 = tpu.matmul %convert_element_type3A_52, %convert_element_type3A_53, %dot_general3A_54 {dimension_numbers = #tpu.dot_dimension_numbers<[1], [0], [0], [1], [0, 0, 1, 1], [], []>, transpose_lhs_hint = false} : vector<16x16xbf16>, vector<16x16384xbf16>, vector<16x16384xf32> -> vector<16x16384xf32>
    %swap3A = arith.constant 0 : index
    %swap3A_56 = arith.constant 0 : index
    %swap3A_57 = vector.load %arg15[%swap3A, %swap3A_56] : memref<16x16384xf32, #tpu.memory_space<vmem>>, vector<16x16384xf32>
    tpu.vector_store %arg15[%swap3A, %swap3A_56], %slice3A {strides = array<i32>} : memref<16x16384xf32, #tpu.memory_space<vmem>>, vector<16x16384xf32>,
    %swap3A_58 = arith.constant 0 : index
    %swap3A_59 = arith.constant 0 : index
    %swap3A_60 = vector.load %arg16[%swap3A_58, %swap3A_59] : memref<16x16384xf32, #tpu.memory_space<vmem>>, vector<16x16384xf32>
    tpu.vector_store %arg16[%swap3A_58, %swap3A_59], %slice3A_21 {strides = array<i32>} : memref<16x16384xf32, #tpu.memory_space<vmem>>, vector<16x16384xf32>,
    %swap3A_61 = arith.constant 0 : index
    %swap3A_62 = arith.constant 0 : index
    %swap3A_63 = vector.load %arg17[%swap3A_61, %swap3A_62] : memref<16x16384xf32, #tpu.memory_space<vmem>>, vector<16x16384xf32>
    tpu.vector_store %arg17[%swap3A_61, %swap3A_62], %add3A_41 {strides = array<i32>} : memref<16x16384xf32, #tpu.memory_space<vmem>>, vector<16x16384xf32>,
    %swap3A_64 = arith.constant 0 : index
    %swap3A_65 = arith.constant 0 : index
    %swap3A_66 = vector.load %arg18[%swap3A_64, %swap3A_65] : memref<16x16384xf32, #tpu.memory_space<vmem>>, vector<16x16384xf32>
    tpu.vector_store %arg18[%swap3A_64, %swap3A_65], %dot_general3A_48 {strides = array<i32>} : memref<16x16384xf32, #tpu.memory_space<vmem>>, vector<16x16384xf32>,
    %swap3A_67 = arith.constant 0 : index
    %swap3A_68 = arith.constant 0 : index
    %swap3A_69 = vector.load %arg19[%swap3A_67, %swap3A_68] : memref<16x16384xf32, #tpu.memory_space<vmem>>, vector<16x16384xf32>
    tpu.vector_store %arg19[%swap3A_67, %swap3A_68], %dot_general3A_55 {strides = array<i32>} : memref<16x16384xf32, #tpu.memory_space<vmem>>, vector<16x16384xf32>,
    %get3A_70 = arith.constant 0 : index
    %get3A_71 = arith.constant 0 : index
    %get3A_72 = vector.load %arg10[%get3A_70, %get3A_71] : memref<32x8xf32, #tpu.memory_space<vmem>>, vector<32x8xf32>
    %convert_element_type3A_73 = arith.truncf %get3A_72 : vector<32x8xf32> to vector<32x8xbf16>
    %convert_element_type3A_74 = arith.truncf %add3A_13 : vector<8x16384xf32> to vector<8x16384xbf16>
    %dot_general3A_75 = arith.constant dense<0.000000e+00> : vector<32x16384xf32>
    %dot_general3A_76 = tpu.matmul %convert_element_type3A_73, %convert_element_type3A_74, %dot_general3A_75 {dimension_numbers = #tpu.dot_dimension_numbers<[1], [0], [0], [1], [0, 0, 1, 1], [], []>, transpose_lhs_hint = false} : vector<32x8xbf16>, vector<8x16384xbf16>, vector<32x16384xf32> -> vector<32x16384xf32>
    %slice3A_77 = vector.extract_strided_slice %dot_general3A_76 {offsets = [0, 0], sizes = [16, 16384], strides = [1, 1]} : vector<32x16384xf32> to vector<16x16384xf32>
    %slice3A_78 = vector.extract_strided_slice %dot_general3A_76 {offsets = [16, 0], sizes = [16, 16384], strides = [1, 1]} : vector<32x16384xf32> to vector<16x16384xf32>
    %get3A_79 = arith.constant 0 : index
    %get3A_80 = arith.constant 0 : index
    %get3A_81 = vector.load %arg11[%get3A_79, %get3A_80] : memref<16x16xf32, #tpu.memory_space<vmem>>, vector<16x16xf32>
    %convert_element_type3A_82 = arith.truncf %get3A_81 : vector<16x16xf32> to vector<16x16xbf16>
    %convert_element_type3A_83 = arith.truncf %slice3A_77 : vector<16x16384xf32> to vector<16x16384xbf16>
    %dot_general3A_84 = arith.constant dense<0.000000e+00> : vector<16x16384xf32>
    %dot_general3A_85 = tpu.matmul %convert_element_type3A_82, %convert_element_type3A_83, %dot_general3A_84 {dimension_numbers = #tpu.dot_dimension_numbers<[1], [0], [0], [1], [0, 0, 1, 1], [], []>, transpose_lhs_hint = false} : vector<16x16xbf16>, vector<16x16384xbf16>, vector<16x16384xf32> -> vector<16x16384xf32>
    %get3A_86 = arith.constant 0 : index
    %get3A_87 = arith.constant 0 : index
    %get3A_88 = vector.load %arg12[%get3A_86, %get3A_87] : memref<16x1xf32, #tpu.memory_space<vmem>>, vector<16x1xf32>
    %add3A_89 = vector.broadcast %get3A_88 : vector<16x1xf32> to vector<16x16384xf32>
    %add3A_90 = arith.addf %dot_general3A_85, %add3A_89 : vector<16x16384xf32>
    %abs3A_91 = math.absf %add3A_90 : vector<16x16384xf32>
    %neg3A_92 = arith.constant 0.000000e+00 : f32
    %neg3A_93 = vector.broadcast %neg3A_92 : f32 to vector<16x16384xf32>
    %neg3A_94 = arith.subf %neg3A_93, %abs3A_91 : vector<16x16384xf32>
    %exp3A_95 = math.exp %neg3A_94 : vector<16x16384xf32>
    %add3A_96 = arith.constant 1.000000e+00 : f32
    %add3A_97 = vector.broadcast %add3A_96 : f32 to vector<16x16384xf32>
    %add3A_98 = arith.addf %add3A_97, %exp3A_95 : vector<16x16384xf32>
    %log3A_99 = math.log %add3A_98 : vector<16x16384xf32>
    %max3A_100 = arith.constant 0.000000e+00 : f32
    %max3A_101 = vector.broadcast %max3A_100 : f32 to vector<16x16384xf32>
    %max3A_102 = arith.maximumf %add3A_90, %max3A_101 : vector<16x16384xf32>
    %add3A_103 = arith.addf %log3A_99, %max3A_102 : vector<16x16384xf32>
    %get3A_104 = arith.constant 0 : index
    %get3A_105 = arith.constant 0 : index
    %get3A_106 = vector.load %arg13[%get3A_104, %get3A_105] : memref<16x16xf32, #tpu.memory_space<vmem>>, vector<16x16xf32>
    %convert_element_type3A_107 = arith.truncf %get3A_106 : vector<16x16xf32> to vector<16x16xbf16>
    %convert_element_type3A_108 = arith.truncf %slice3A_77 : vector<16x16384xf32> to vector<16x16384xbf16>
    %dot_general3A_109 = arith.constant dense<0.000000e+00> : vector<16x16384xf32>
    %dot_general3A_110 = tpu.matmul %convert_element_type3A_107, %convert_element_type3A_108, %dot_general3A_109 {dimension_numbers = #tpu.dot_dimension_numbers<[1], [0], [0], [1], [0, 0, 1, 1], [], []>, transpose_lhs_hint = false} : vector<16x16xbf16>, vector<16x16384xbf16>, vector<16x16384xf32> -> vector<16x16384xf32>
    %get3A_111 = arith.constant 0 : index
    %get3A_112 = arith.constant 0 : index
    %get3A_113 = vector.load %arg14[%get3A_111, %get3A_112] : memref<16x16xf32, #tpu.memory_space<vmem>>, vector<16x16xf32>
    %convert_element_type3A_114 = arith.truncf %get3A_113 : vector<16x16xf32> to vector<16x16xbf16>
    %convert_element_type3A_115 = arith.truncf %slice3A_77 : vector<16x16384xf32> to vector<16x16384xbf16>
    %dot_general3A_116 = arith.constant dense<0.000000e+00> : vector<16x16384xf32>
    %dot_general3A_117 = tpu.matmul %convert_element_type3A_114, %convert_element_type3A_115, %dot_general3A_116 {dimension_numbers = #tpu.dot_dimension_numbers<[1], [0], [0], [1], [0, 0, 1, 1], [], []>, transpose_lhs_hint = false} : vector<16x16xbf16>, vector<16x16384xbf16>, vector<16x16384xf32> -> vector<16x16384xf32>
    %swap3A_118 = arith.constant 0 : index
    %swap3A_119 = arith.constant 0 : index
    %swap3A_120 = vector.load %arg20[%swap3A_118, %swap3A_119] : memref<16x16384xf32, #tpu.memory_space<vmem>>, vector<16x16384xf32>
    tpu.vector_store %arg20[%swap3A_118, %swap3A_119], %slice3A_77 {strides = array<i32>} : memref<16x16384xf32, #tpu.memory_space<vmem>>, vector<16x16384xf32>,
    %swap3A_121 = arith.constant 0 : index
    %swap3A_122 = arith.constant 0 : index
    %swap3A_123 = vector.load %arg21[%swap3A_121, %swap3A_122] : memref<16x16384xf32, #tpu.memory_space<vmem>>, vector<16x16384xf32>
    tpu.vector_store %arg21[%swap3A_121, %swap3A_122], %slice3A_78 {strides = array<i32>} : memref<16x16384xf32, #tpu.memory_space<vmem>>, vector<16x16384xf32>,
    %swap3A_124 = arith.constant 0 : index
    %swap3A_125 = arith.constant 0 : index
    %swap3A_126 = vector.load %arg22[%swap3A_124, %swap3A_125] : memref<16x16384xf32, #tpu.memory_space<vmem>>, vector<16x16384xf32>
    tpu.vector_store %arg22[%swap3A_124, %swap3A_125], %add3A_103 {strides = array<i32>} : memref<16x16384xf32, #tpu.memory_space<vmem>>, vector<16x16384xf32>,
    %swap3A_127 = arith.constant 0 : index
    %swap3A_128 = arith.constant 0 : index
    %swap3A_129 = vector.load %arg23[%swap3A_127, %swap3A_128] : memref<16x16384xf32, #tpu.memory_space<vmem>>, vector<16x16384xf32>
    tpu.vector_store %arg23[%swap3A_127, %swap3A_128], %dot_general3A_110 {strides = array<i32>} : memref<16x16384xf32, #tpu.memory_space<vmem>>, vector<16x16384xf32>,
    %swap3A_130 = arith.constant 0 : index
    %swap3A_131 = arith.constant 0 : index
    %swap3A_132 = vector.load %arg24[%swap3A_130, %swap3A_131] : memref<16x16384xf32, #tpu.memory_space<vmem>>, vector<16x16384xf32>
    tpu.vector_store %arg24[%swap3A_130, %swap3A_131], %dot_general3A_117 {strides = array<i32>} : memref<16x16384xf32, #tpu.memory_space<vmem>>, vector<16x16384xf32>,
    return
  }
  func.func @transform_0(%arg0: i32) -> (i32, i32) {
    %c0_i32 = arith.constant 0 : i32
    %c0_i32_0 = arith.constant 0 : i32
    return %c0_i32, %arg0 : i32, i32
  }
  func.func @transform_1(%arg0: i32) -> (i32, i32) {
    %c0_i32 = arith.constant 0 : i32
    %c0_i32_0 = arith.constant 0 : i32
    return %c0_i32, %arg0 : i32, i32
  }
  func.func @transform_2(%arg0: i32) -> (i32, i32) {
    %c0_i32 = arith.constant 0 : i32
    %c0_i32_0 = arith.constant 0 : i32
    %c0_i32_1 = arith.constant 0 : i32
    return %c0_i32, %c0_i32_0 : i32, i32
  }
  func.func @transform_3(%arg0: i32) -> (i32, i32) {
    %c0_i32 = arith.constant 0 : i32
    %c0_i32_0 = arith.constant 0 : i32
    %c0_i32_1 = arith.constant 0 : i32
    return %c0_i32, %c0_i32_0 : i32, i32
  }
  func.func @transform_4(%arg0: i32) -> (i32, i32) {
    %c0_i32 = arith.constant 0 : i32
    %c0_i32_0 = arith.constant 0 : i32
    %c0_i32_1 = arith.constant 0 : i32
    return %c0_i32, %c0_i32_0 : i32, i32
  }
  func.func @transform_5(%arg0: i32) -> (i32, i32) {
    %c0_i32 = arith.constant 0 : i32
    %c0_i32_0 = arith.constant 0 : i32
    %c0_i32_1 = arith.constant 0 : i32
    return %c0_i32, %c0_i32_0 : i32, i32
  }
  func.func @transform_6(%arg0: i32) -> (i32, i32) {
    %c0_i32 = arith.constant 0 : i32
    %c0_i32_0 = arith.constant 0 : i32
    %c0_i32_1 = arith.constant 0 : i32
    return %c0_i32, %c0_i32_0 : i32, i32
  }
  func.func @transform_7(%arg0: i32) -> (i32, i32) {
    %c0_i32 = arith.constant 0 : i32
    %c0_i32_0 = arith.constant 0 : i32
    %c0_i32_1 = arith.constant 0 : i32
    return %c0_i32, %c0_i32_0 : i32, i32
  }
  func.func @transform_8(%arg0: i32) -> (i32, i32) {
    %c0_i32 = arith.constant 0 : i32
    %c0_i32_0 = arith.constant 0 : i32
    %c0_i32_1 = arith.constant 0 : i32
    return %c0_i32, %c0_i32_0 : i32, i32
  }
  func.func @transform_9(%arg0: i32) -> (i32, i32) {
    %c0_i32 = arith.constant 0 : i32
    %c0_i32_0 = arith.constant 0 : i32
    %c0_i32_1 = arith.constant 0 : i32
    return %c0_i32, %c0_i32_0 : i32, i32
  }
  func.func @transform_10(%arg0: i32) -> (i32, i32) {
    %c0_i32 = arith.constant 0 : i32
    %c0_i32_0 = arith.constant 0 : i32
    %c0_i32_1 = arith.constant 0 : i32
    return %c0_i32, %c0_i32_0 : i32, i32
  }
  func.func @transform_11(%arg0: i32) -> (i32, i32) {
    %c0_i32 = arith.constant 0 : i32
    %c0_i32_0 = arith.constant 0 : i32
    %c0_i32_1 = arith.constant 0 : i32
    return %c0_i32, %c0_i32_0 : i32, i32
  }
  func.func @transform_12(%arg0: i32) -> (i32, i32) {
    %c0_i32 = arith.constant 0 : i32
    %c0_i32_0 = arith.constant 0 : i32
    %c0_i32_1 = arith.constant 0 : i32
    return %c0_i32, %c0_i32_0 : i32, i32
  }
  func.func @transform_13(%arg0: i32) -> (i32, i32) {
    %c0_i32 = arith.constant 0 : i32
    %c0_i32_0 = arith.constant 0 : i32
    %c0_i32_1 = arith.constant 0 : i32
    return %c0_i32, %c0_i32_0 : i32, i32
  }
  func.func @transform_14(%arg0: i32) -> (i32, i32) {
    %c0_i32 = arith.constant 0 : i32
    %c0_i32_0 = arith.constant 0 : i32
    return %c0_i32, %arg0 : i32, i32
  }
  func.func @transform_15(%arg0: i32) -> (i32, i32) {
    %c0_i32 = arith.constant 0 : i32
    %c0_i32_0 = arith.constant 0 : i32
    return %c0_i32, %arg0 : i32, i32
  }
  func.func @transform_16(%arg0: i32) -> (i32, i32) {
    %c0_i32 = arith.constant 0 : i32
    %c0_i32_0 = arith.constant 0 : i32
    return %c0_i32, %arg0 : i32, i32
  }
  func.func @transform_17(%arg0: i32) -> (i32, i32) {
    %c0_i32 = arith.constant 0 : i32
    %c0_i32_0 = arith.constant 0 : i32
    return %c0_i32, %arg0 : i32, i32
  }
  func.func @transform_18(%arg0: i32) -> (i32, i32) {
    %c0_i32 = arith.constant 0 : i32
    %c0_i32_0 = arith.constant 0 : i32
    return %c0_i32, %arg0 : i32, i32
  }
  func.func @transform_19(%arg0: i32) -> (i32, i32) {
    %c0_i32 = arith.constant 0 : i32
    %c0_i32_0 = arith.constant 0 : i32
    return %c0_i32, %arg0 : i32, i32
  }
  func.func @transform_20(%arg0: i32) -> (i32, i32) {
    %c0_i32 = arith.constant 0 : i32
    %c0_i32_0 = arith.constant 0 : i32
    return %c0_i32, %arg0 : i32, i32
  }
  func.func @transform_21(%arg0: i32) -> (i32, i32) {
    %c0_i32 = arith.constant 0 : i32
    %c0_i32_0 = arith.constant 0 : i32
    return %c0_i32, %arg0 : i32, i32
  }
  func.func @transform_22(%arg0: i32) -> (i32, i32) {
    %c0_i32 = arith.constant 0 : i32
    %c0_i32_0 = arith.constant 0 : i32
    return %c0_i32, %arg0 : i32, i32
  }
  func.func @transform_23(%arg0: i32) -> (i32, i32) {
    %c0_i32 = arith.constant 0 : i32
    %c0_i32_0 = arith.constant 0 : i32
    return %c0_i32, %arg0 : i32, i32
  }
}

module attributes {stable_mosaic.version = 14 : i64} {
  func.func @_scan_body(%arg0: i32, %arg1: memref<1x256x16x256xf32, #tpu.memory_space<vmem>>, %arg2: memref<1x256x16x256xf32, #tpu.memory_space<vmem>>, %arg3: memref<1x256x16x256xf32, #tpu.memory_space<vmem>>, %arg4: memref<1x256x16x256xf32, #tpu.memory_space<vmem>>, %arg5: memref<1x16x16x256xf32, #tpu.memory_space<vmem>>, %arg6: memref<1x16x16x256xf32, #tpu.memory_space<vmem>>, %arg7: memref<1x16x16xf32, #tpu.memory_space<vmem>>, %arg8: memref<1x256x16x256xf32, #tpu.memory_space<vmem>>, %arg9: memref<1x16x16x256xf32, #tpu.memory_space<vmem>>, %arg10: memref<16x16x256xf32, #tpu.memory_space<vmem>>) attributes {dimension_semantics = [#tpu.dimension_semantics<arbitrary>], iteration_bounds = array<i64: 2>, scalar_prefetch = 0 : i64, scratch_operands = 1 : i64, tpu.core_type = #tpu.core_type<tc>, window_params = [{transform_indices = @transform_0, window_bounds = array<i64: 1, 256, 16, 256>}, {transform_indices = @transform_1, window_bounds = array<i64: 1, 256, 16, 256>}, {transform_indices = @transform_2, window_bounds = array<i64: 1, 256, 16, 256>}, {transform_indices = @transform_3, window_bounds = array<i64: 1, 256, 16, 256>}, {transform_indices = @transform_4, window_bounds = array<i64: 1, 16, 16, 256>}, {transform_indices = @transform_5, window_bounds = array<i64: 1, 16, 16, 256>}, {transform_indices = @transform_6, window_bounds = array<i64: 1, 16, 16>}, {transform_indices = @transform_7, window_bounds = array<i64: 1, 256, 16, 256>}, {transform_indices = @transform_8, window_bounds = array<i64: 1, 16, 16, 256>}]} {
    %get3A = arith.constant 0 : index
    %get3A_0 = arith.constant 0 : index
    %get3A_1 = arith.constant 0 : index
    %get3A_2 = arith.constant 0 : index
    %get3A_3 = vector.load %arg5[%get3A, %get3A_0, %get3A_1, %get3A_2] : memref<1x16x16x256xf32, #tpu.memory_space<vmem>>, vector<1x16x16x256xf32>
    %get3A_4 = vector.shape_cast %get3A_3 : vector<1x16x16x256xf32> to vector<16x16x256xf32>
    %get3A_5 = arith.constant 0 : index
    %get3A_6 = arith.constant 0 : index
    %get3A_7 = arith.constant 0 : index
    %get3A_8 = arith.constant 0 : index
    %get3A_9 = vector.load %arg6[%get3A_5, %get3A_6, %get3A_7, %get3A_8] : memref<1x16x16x256xf32, #tpu.memory_space<vmem>>, vector<1x16x16x256xf32>
    %get3A_10 = vector.shape_cast %get3A_9 : vector<1x16x16x256xf32> to vector<16x16x256xf32>
    %iota3A = tpu.iota {dimensions = array<i32: 2>} : vector<1x1x256xi32>
    %eq3A = arith.constant 0 : i32
    %eq3A_11 = vector.broadcast %eq3A : i32 to vector<1x1x256xi32>
    %eq3A_12 = arith.cmpi eq, %iota3A, %eq3A_11 : vector<1x1x256xi32>
    %get3A_13 = arith.constant 0 : index
    %get3A_14 = arith.constant 0 : index
    %get3A_15 = arith.constant 0 : index
    %get3A_16 = vector.load %arg7[%get3A_13, %get3A_14, %get3A_15] : memref<1x16x16xf32, #tpu.memory_space<vmem>>, vector<1x16x16xf32>
    %get3A_17 = vector.shape_cast %get3A_16 : vector<1x16x16xf32> to vector<16x16xf32>
    %broadcast_in_dim3A = vector.shape_cast %get3A_17 : vector<16x16xf32> to vector<16x16x1xf32>
    %jit3A = arith.constant 0.000000e+00 : f32
    %broadcast_in_dim3A_18 = vector.shape_cast %eq3A_12 : vector<1x1x256xi1> to vector<1x1x256xi1>
    %broadcast_in_dim3A_19 = vector.broadcast %broadcast_in_dim3A_18 : vector<1x1x256xi1> to vector<16x16x256xi1>
    %broadcast_in_dim3A_20 = vector.shape_cast %broadcast_in_dim3A : vector<16x16x1xf32> to vector<16x16x1xf32>
    %broadcast_in_dim3A_21 = vector.broadcast %broadcast_in_dim3A_20 : vector<16x16x1xf32> to vector<16x16x256xf32>
    %broadcast_in_dim3A_22 = vector.broadcast %jit3A : f32 to vector<16x16x256xf32>
    %select_n3A = arith.select %broadcast_in_dim3A_19, %broadcast_in_dim3A_21, %broadcast_in_dim3A_22 : vector<16x16x256xi1>, vector<16x16x256xf32>
    %swap3A = arith.constant 0 : index
    %swap3A_23 = arith.constant 0 : index
    %swap3A_24 = arith.constant 0 : index
    %swap3A_25 = vector.load %arg10[%swap3A, %swap3A_23, %swap3A_24] : memref<16x16x256xf32, #tpu.memory_space<vmem>>, vector<16x16x256xf32>
    tpu.vector_store %arg10[%swap3A, %swap3A_23, %swap3A_24], %select_n3A {strides = array<i32>} : memref<16x16x256xf32, #tpu.memory_space<vmem>>, vector<16x16x256xf32>,
    %scan3A = arith.constant 0 : i32
    %scan3A_26 = arith.constant 128 : i32
    %scan3A_27 = arith.addi %scan3A, %scan3A_26 : i32
    %scan3A_28 = arith.constant 1 : i32
    scf.for %scan3A_46 = %scan3A to %scan3A_27 step %scan3A_28  : i32 {
      %add3A = arith.constant 128 : i32
      %add3A_47 = arith.addi %add3A, %scan3A_46 : i32
      %get3A_48 = arith.constant 0 : index
      %get3A_49 = arith.constant 0 : index
      %get3A_50 = arith.constant 0 : index
      %get3A_51 = vector.load %arg10[%get3A_48, %get3A_49, %get3A_50] : memref<16x16x256xf32, #tpu.memory_space<vmem>>, vector<16x16x256xf32>
      %get3A_52 = arith.constant 0 : index
      %get3A_53 = arith.index_cast %add3A_47 : i32 to index
      %get3A_54 = arith.constant 0 : index
      %get3A_55 = arith.constant 0 : index
      %get3A_56 = vector.load %arg1[%get3A_52, %get3A_53, %get3A_54, %get3A_55] : memref<1x256x16x256xf32, #tpu.memory_space<vmem>>, vector<1x1x16x256xf32>
      %get3A_57 = vector.shape_cast %get3A_56 : vector<1x1x16x256xf32> to vector<1x16x256xf32>
      %squeeze3A = vector.shape_cast %get3A_57 : vector<1x16x256xf32> to vector<16x256xf32>
      %slice3A = vector.extract_strided_slice %squeeze3A {offsets = [0, 255], sizes = [16, 1], strides = [1, 1]} : vector<16x256xf32> to vector<16x1xf32>
      %slice3A_58 = vector.extract_strided_slice %squeeze3A {offsets = [0, 0], sizes = [16, 255], strides = [1, 1]} : vector<16x256xf32> to vector<16x255xf32>
      %concatenate3A = tpu.concatenate %slice3A, %slice3A_58 in 1 : vector<16x1xf32>, vector<16x255xf32> -> vector<16x256xf32>
      %get3A_59 = arith.constant 0 : index
      %get3A_60 = arith.index_cast %add3A_47 : i32 to index
      %get3A_61 = arith.constant 0 : index
      %get3A_62 = arith.constant 0 : index
      %get3A_63 = vector.load %arg2[%get3A_59, %get3A_60, %get3A_61, %get3A_62] : memref<1x256x16x256xf32, #tpu.memory_space<vmem>>, vector<1x1x16x256xf32>
      %get3A_64 = vector.shape_cast %get3A_63 : vector<1x1x16x256xf32> to vector<1x16x256xf32>
      %squeeze3A_65 = vector.shape_cast %get3A_64 : vector<1x16x256xf32> to vector<16x256xf32>
      %slice3A_66 = vector.extract_strided_slice %squeeze3A_65 {offsets = [0, 255], sizes = [16, 1], strides = [1, 1]} : vector<16x256xf32> to vector<16x1xf32>
      %slice3A_67 = vector.extract_strided_slice %squeeze3A_65 {offsets = [0, 0], sizes = [16, 255], strides = [1, 1]} : vector<16x256xf32> to vector<16x255xf32>
      %concatenate3A_68 = tpu.concatenate %slice3A_66, %slice3A_67 in 1 : vector<16x1xf32>, vector<16x255xf32> -> vector<16x256xf32>
      %get3A_69 = arith.constant 0 : index
      %get3A_70 = arith.index_cast %add3A_47 : i32 to index
      %get3A_71 = arith.constant 0 : index
      %get3A_72 = arith.constant 0 : index
      %get3A_73 = vector.load %arg3[%get3A_69, %get3A_70, %get3A_71, %get3A_72] : memref<1x256x16x256xf32, #tpu.memory_space<vmem>>, vector<1x1x16x256xf32>
      %get3A_74 = vector.shape_cast %get3A_73 : vector<1x1x16x256xf32> to vector<1x16x256xf32>
      %squeeze3A_75 = vector.shape_cast %get3A_74 : vector<1x16x256xf32> to vector<16x256xf32>
      %slice3A_76 = vector.extract_strided_slice %squeeze3A_75 {offsets = [0, 255], sizes = [16, 1], strides = [1, 1]} : vector<16x256xf32> to vector<16x1xf32>
      %slice3A_77 = vector.extract_strided_slice %squeeze3A_75 {offsets = [0, 0], sizes = [16, 255], strides = [1, 1]} : vector<16x256xf32> to vector<16x255xf32>
      %concatenate3A_78 = tpu.concatenate %slice3A_76, %slice3A_77 in 1 : vector<16x1xf32>, vector<16x255xf32> -> vector<16x256xf32>
      %broadcast_in_dim3A_79 = vector.shape_cast %concatenate3A : vector<16x256xf32> to vector<16x1x256xf32>
      %mul3A = arith.constant 5.000000e-01 : f32
      %mul3A_80 = vector.broadcast %mul3A : f32 to vector<16x16x256xf32>
      %mul3A_81 = arith.mulf %get3A_4, %mul3A_80 : vector<16x16x256xf32>
      %mul3A_82 = vector.broadcast %broadcast_in_dim3A_79 : vector<16x1x256xf32> to vector<16x16x256xf32>
      %mul3A_83 = arith.mulf %mul3A_82, %mul3A_81 : vector<16x16x256xf32>
      %add3A_84 = arith.constant 1.000000e+00 : f32
      %add3A_85 = vector.broadcast %add3A_84 : f32 to vector<16x16x256xf32>
      %add3A_86 = arith.addf %add3A_85, %mul3A_83 : vector<16x16x256xf32>
      %sub3A = arith.constant 1.000000e+00 : f32
      %sub3A_87 = vector.broadcast %sub3A : f32 to vector<16x16x256xf32>
      %sub3A_88 = arith.subf %sub3A_87, %mul3A_83 : vector<16x16x256xf32>
      %add3A_89 = arith.constant 9.99999993E-9 : f32
      %add3A_90 = vector.broadcast %add3A_89 : f32 to vector<16x16x256xf32>
      %add3A_91 = arith.addf %sub3A_88, %add3A_90 : vector<16x16x256xf32>
      %div3A = arith.divf %add3A_86, %add3A_91 : vector<16x16x256xf32>
      %mul3A_92 = vector.broadcast %broadcast_in_dim3A_79 : vector<16x1x256xf32> to vector<16x16x256xf32>
      %mul3A_93 = arith.mulf %mul3A_92, %get3A_10 : vector<16x16x256xf32>
      %cos3A = math.cos %mul3A_93 : vector<16x16x256xf32>
      %sin3A = math.sin %mul3A_93 : vector<16x16x256xf32>
      %slice3A_94 = vector.extract_strided_slice %get3A_51 {offsets = [0, 15, 0], sizes = [16, 1, 256], strides = [1, 1, 1]} : vector<16x16x256xf32> to vector<16x1x256xf32>
      %slice3A_95 = vector.extract_strided_slice %get3A_51 {offsets = [0, 0, 0], sizes = [16, 15, 256], strides = [1, 1, 1]} : vector<16x16x256xf32> to vector<16x15x256xf32>
      %concatenate3A_96 = tpu.concatenate %slice3A_94, %slice3A_95 in 1 : vector<16x1x256xf32>, vector<16x15x256xf32> -> vector<16x16x256xf32>
      %mul3A_97 = arith.mulf %get3A_51, %cos3A : vector<16x16x256xf32>
      %mul3A_98 = arith.mulf %concatenate3A_96, %sin3A : vector<16x16x256xf32>
      %sub3A_99 = arith.subf %mul3A_97, %mul3A_98 : vector<16x16x256xf32>
      %broadcast_in_dim3A_100 = vector.shape_cast %concatenate3A_68 : vector<16x256xf32> to vector<16x1x256xf32>
      %mul3A_101 = arith.mulf %broadcast_in_dim3A_79, %broadcast_in_dim3A_100 : vector<16x1x256xf32>
      %broadcast_in_dim3A_102 = vector.shape_cast %concatenate3A_78 : vector<16x256xf32> to vector<1x16x256xf32>
      %mul3A_103 = vector.broadcast %mul3A_101 : vector<16x1x256xf32> to vector<16x16x256xf32>
      %mul3A_104 = vector.broadcast %broadcast_in_dim3A_102 : vector<1x16x256xf32> to vector<16x16x256xf32>
      %mul3A_105 = arith.mulf %mul3A_103, %mul3A_104 : vector<16x16x256xf32>
      %mul3A_106 = arith.mulf %div3A, %sub3A_99 : vector<16x16x256xf32>
      %add3A_107 = arith.addf %mul3A_106, %mul3A_105 : vector<16x16x256xf32>
      %ge3A = arith.constant 1 : i32
      %ge3A_108 = vector.broadcast %ge3A : i32 to vector<1x1x256xi32>
      %ge3A_109 = arith.cmpi sge, %iota3A, %ge3A_108 : vector<1x1x256xi32>
      %broadcast_in_dim3A_110 = vector.shape_cast %ge3A_109 : vector<1x1x256xi1> to vector<1x1x256xi1>
      %broadcast_in_dim3A_111 = vector.broadcast %broadcast_in_dim3A_110 : vector<1x1x256xi1> to vector<16x16x256xi1>
      %select_n3A_112 = arith.select %broadcast_in_dim3A_111, %add3A_107, %get3A_51 : vector<16x16x256xi1>, vector<16x16x256xf32>
      %swap3A_113 = arith.constant 0 : index
      %swap3A_114 = arith.constant 0 : index
      %swap3A_115 = arith.constant 0 : index
      %swap3A_116 = vector.load %arg10[%swap3A_113, %swap3A_114, %swap3A_115] : memref<16x16x256xf32, #tpu.memory_space<vmem>>, vector<16x16x256xf32>
      tpu.vector_store %arg10[%swap3A_113, %swap3A_114, %swap3A_115], %select_n3A_112 {strides = array<i32>} : memref<16x16x256xf32, #tpu.memory_space<vmem>>, vector<16x16x256xf32>,
    }
    %scan3A_29 = arith.constant 128 : i32
    %scan3A_30 = arith.constant 0 : i32
    %scan3A_31 = arith.constant 256 : i32
    %scan3A_32 = arith.addi %scan3A_30, %scan3A_31 : i32
    %scan3A_33 = arith.constant 1 : i32
    scf.for %scan3A_46 = %scan3A_30 to %scan3A_32 step %scan3A_33  : i32 {
      %get3A_47 = arith.constant 0 : index
      %get3A_48 = arith.constant 0 : index
      %get3A_49 = arith.constant 0 : index
      %get3A_50 = vector.load %arg10[%get3A_47, %get3A_48, %get3A_49] : memref<16x16x256xf32, #tpu.memory_space<vmem>>, vector<16x16x256xf32>
      %get3A_51 = arith.constant 0 : index
      %get3A_52 = arith.index_cast %scan3A_46 : i32 to index
      %get3A_53 = arith.constant 0 : index
      %get3A_54 = arith.constant 0 : index
      %get3A_55 = vector.load %arg1[%get3A_51, %get3A_52, %get3A_53, %get3A_54] : memref<1x256x16x256xf32, #tpu.memory_space<vmem>>, vector<1x1x16x256xf32>
      %get3A_56 = vector.shape_cast %get3A_55 : vector<1x1x16x256xf32> to vector<1x16x256xf32>
      %squeeze3A = vector.shape_cast %get3A_56 : vector<1x16x256xf32> to vector<16x256xf32>
      %get3A_57 = arith.constant 0 : index
      %get3A_58 = arith.index_cast %scan3A_46 : i32 to index
      %get3A_59 = arith.constant 0 : index
      %get3A_60 = arith.constant 0 : index
      %get3A_61 = vector.load %arg2[%get3A_57, %get3A_58, %get3A_59, %get3A_60] : memref<1x256x16x256xf32, #tpu.memory_space<vmem>>, vector<1x1x16x256xf32>
      %get3A_62 = vector.shape_cast %get3A_61 : vector<1x1x16x256xf32> to vector<1x16x256xf32>
      %squeeze3A_63 = vector.shape_cast %get3A_62 : vector<1x16x256xf32> to vector<16x256xf32>
      %get3A_64 = arith.constant 0 : index
      %get3A_65 = arith.index_cast %scan3A_46 : i32 to index
      %get3A_66 = arith.constant 0 : index
      %get3A_67 = arith.constant 0 : index
      %get3A_68 = vector.load %arg3[%get3A_64, %get3A_65, %get3A_66, %get3A_67] : memref<1x256x16x256xf32, #tpu.memory_space<vmem>>, vector<1x1x16x256xf32>
      %get3A_69 = vector.shape_cast %get3A_68 : vector<1x1x16x256xf32> to vector<1x16x256xf32>
      %squeeze3A_70 = vector.shape_cast %get3A_69 : vector<1x16x256xf32> to vector<16x256xf32>
      %get3A_71 = arith.constant 0 : index
      %get3A_72 = arith.index_cast %scan3A_46 : i32 to index
      %get3A_73 = arith.constant 0 : index
      %get3A_74 = arith.constant 0 : index
      %get3A_75 = vector.load %arg4[%get3A_71, %get3A_72, %get3A_73, %get3A_74] : memref<1x256x16x256xf32, #tpu.memory_space<vmem>>, vector<1x1x16x256xf32>
      %get3A_76 = vector.shape_cast %get3A_75 : vector<1x1x16x256xf32> to vector<1x16x256xf32>
      %squeeze3A_77 = vector.shape_cast %get3A_76 : vector<1x16x256xf32> to vector<16x256xf32>
      %broadcast_in_dim3A_78 = vector.shape_cast %squeeze3A : vector<16x256xf32> to vector<16x1x256xf32>
      %mul3A = arith.constant 5.000000e-01 : f32
      %mul3A_79 = vector.broadcast %mul3A : f32 to vector<16x16x256xf32>
      %mul3A_80 = arith.mulf %get3A_4, %mul3A_79 : vector<16x16x256xf32>
      %mul3A_81 = vector.broadcast %broadcast_in_dim3A_78 : vector<16x1x256xf32> to vector<16x16x256xf32>
      %mul3A_82 = arith.mulf %mul3A_81, %mul3A_80 : vector<16x16x256xf32>
      %add3A = arith.constant 1.000000e+00 : f32
      %add3A_83 = vector.broadcast %add3A : f32 to vector<16x16x256xf32>
      %add3A_84 = arith.addf %add3A_83, %mul3A_82 : vector<16x16x256xf32>
      %sub3A = arith.constant 1.000000e+00 : f32
      %sub3A_85 = vector.broadcast %sub3A : f32 to vector<16x16x256xf32>
      %sub3A_86 = arith.subf %sub3A_85, %mul3A_82 : vector<16x16x256xf32>
      %add3A_87 = arith.constant 9.99999993E-9 : f32
      %add3A_88 = vector.broadcast %add3A_87 : f32 to vector<16x16x256xf32>
      %add3A_89 = arith.addf %sub3A_86, %add3A_88 : vector<16x16x256xf32>
      %div3A = arith.divf %add3A_84, %add3A_89 : vector<16x16x256xf32>
      %mul3A_90 = vector.broadcast %broadcast_in_dim3A_78 : vector<16x1x256xf32> to vector<16x16x256xf32>
      %mul3A_91 = arith.mulf %mul3A_90, %get3A_10 : vector<16x16x256xf32>
      %cos3A = math.cos %mul3A_91 : vector<16x16x256xf32>
      %sin3A = math.sin %mul3A_91 : vector<16x16x256xf32>
      %slice3A = vector.extract_strided_slice %get3A_50 {offsets = [0, 15, 0], sizes = [16, 1, 256], strides = [1, 1, 1]} : vector<16x16x256xf32> to vector<16x1x256xf32>
      %slice3A_92 = vector.extract_strided_slice %get3A_50 {offsets = [0, 0, 0], sizes = [16, 15, 256], strides = [1, 1, 1]} : vector<16x16x256xf32> to vector<16x15x256xf32>
      %concatenate3A = tpu.concatenate %slice3A, %slice3A_92 in 1 : vector<16x1x256xf32>, vector<16x15x256xf32> -> vector<16x16x256xf32>
      %mul3A_93 = arith.mulf %get3A_50, %cos3A : vector<16x16x256xf32>
      %mul3A_94 = arith.mulf %concatenate3A, %sin3A : vector<16x16x256xf32>
      %sub3A_95 = arith.subf %mul3A_93, %mul3A_94 : vector<16x16x256xf32>
      %broadcast_in_dim3A_96 = vector.shape_cast %squeeze3A_63 : vector<16x256xf32> to vector<16x1x256xf32>
      %mul3A_97 = arith.mulf %broadcast_in_dim3A_78, %broadcast_in_dim3A_96 : vector<16x1x256xf32>
      %broadcast_in_dim3A_98 = vector.shape_cast %squeeze3A_70 : vector<16x256xf32> to vector<1x16x256xf32>
      %mul3A_99 = vector.broadcast %mul3A_97 : vector<16x1x256xf32> to vector<16x16x256xf32>
      %mul3A_100 = vector.broadcast %broadcast_in_dim3A_98 : vector<1x16x256xf32> to vector<16x16x256xf32>
      %mul3A_101 = arith.mulf %mul3A_99, %mul3A_100 : vector<16x16x256xf32>
      %mul3A_102 = arith.mulf %div3A, %sub3A_95 : vector<16x16x256xf32>
      %add3A_103 = arith.addf %mul3A_102, %mul3A_101 : vector<16x16x256xf32>
      %broadcast_in_dim3A_104 = vector.shape_cast %squeeze3A_77 : vector<16x256xf32> to vector<1x16x256xf32>
      %mul3A_105 = vector.broadcast %broadcast_in_dim3A_104 : vector<1x16x256xf32> to vector<16x16x256xf32>
      %mul3A_106 = arith.mulf %add3A_103, %mul3A_105 : vector<16x16x256xf32>
      %reduce_sum3A = arith.constant dense<0.000000e+00> : vector<16x256xf32>
      %reduce_sum3A_107 = vector.multi_reduction <add>, %mul3A_106, %reduce_sum3A [1] : vector<16x16x256xf32> to vector<16x256xf32>
      %swap3A_108 = arith.constant 0 : index
      %swap3A_109 = arith.constant 0 : index
      %swap3A_110 = arith.constant 0 : index
      %swap3A_111 = vector.load %arg10[%swap3A_108, %swap3A_109, %swap3A_110] : memref<16x16x256xf32, #tpu.memory_space<vmem>>, vector<16x16x256xf32>
      tpu.vector_store %arg10[%swap3A_108, %swap3A_109, %swap3A_110], %add3A_103 {strides = array<i32>} : memref<16x16x256xf32, #tpu.memory_space<vmem>>, vector<16x16x256xf32>,
      %broadcast_in_dim3A_112 = vector.shape_cast %reduce_sum3A_107 : vector<16x256xf32> to vector<1x16x256xf32>
      %swap3A_113 = arith.constant 0 : index
      %swap3A_114 = arith.index_cast %scan3A_46 : i32 to index
      %swap3A_115 = arith.constant 0 : index
      %swap3A_116 = arith.constant 0 : index
      %swap3A_117 = vector.load %arg8[%swap3A_113, %swap3A_114, %swap3A_115, %swap3A_116] : memref<1x256x16x256xf32, #tpu.memory_space<vmem>>, vector<1x1x16x256xf32>
      %swap3A_118 = vector.shape_cast %swap3A_117 : vector<1x1x16x256xf32> to vector<1x16x256xf32>
      %swap3A_119 = vector.shape_cast %broadcast_in_dim3A_112 : vector<1x16x256xf32> to vector<1x1x16x256xf32>
      tpu.vector_store %arg8[%swap3A_113, %swap3A_114, %swap3A_115, %swap3A_116], %swap3A_119 {strides = array<i32>} : memref<1x256x16x256xf32, #tpu.memory_space<vmem>>, vector<1x1x16x256xf32>,
    }
    %scan3A_34 = arith.constant 256 : i32
    %get3A_35 = arith.constant 0 : index
    %get3A_36 = arith.constant 0 : index
    %get3A_37 = arith.constant 0 : index
    %get3A_38 = vector.load %arg10[%get3A_35, %get3A_36, %get3A_37] : memref<16x16x256xf32, #tpu.memory_space<vmem>>, vector<16x16x256xf32>
    %swap3A_39 = arith.constant 0 : index
    %swap3A_40 = arith.constant 0 : index
    %swap3A_41 = arith.constant 0 : index
    %swap3A_42 = arith.constant 0 : index
    %swap3A_43 = vector.load %arg9[%swap3A_39, %swap3A_40, %swap3A_41, %swap3A_42] : memref<1x16x16x256xf32, #tpu.memory_space<vmem>>, vector<1x16x16x256xf32>
    %swap3A_44 = vector.shape_cast %swap3A_43 : vector<1x16x16x256xf32> to vector<16x16x256xf32>
    %swap3A_45 = vector.shape_cast %get3A_38 : vector<16x16x256xf32> to vector<1x16x16x256xf32>
    tpu.vector_store %arg9[%swap3A_39, %swap3A_40, %swap3A_41, %swap3A_42], %swap3A_45 {strides = array<i32>} : memref<1x16x16x256xf32, #tpu.memory_space<vmem>>, vector<1x16x16x256xf32>,
    return
  }
  func.func @transform_0(%arg0: i32) -> (i32, i32, i32, i32) {
    %c0_i32 = arith.constant 0 : i32
    %c0_i32_0 = arith.constant 0 : i32
    %c0_i32_1 = arith.constant 0 : i32
    %c0_i32_2 = arith.constant 0 : i32
    return %arg0, %c0_i32, %c0_i32_0, %c0_i32_1 : i32, i32, i32, i32
  }
  func.func @transform_1(%arg0: i32) -> (i32, i32, i32, i32) {
    %c0_i32 = arith.constant 0 : i32
    %c0_i32_0 = arith.constant 0 : i32
    %c0_i32_1 = arith.constant 0 : i32
    %c0_i32_2 = arith.constant 0 : i32
    return %arg0, %c0_i32, %c0_i32_0, %c0_i32_1 : i32, i32, i32, i32
  }
  func.func @transform_2(%arg0: i32) -> (i32, i32, i32, i32) {
    %c0_i32 = arith.constant 0 : i32
    %c0_i32_0 = arith.constant 0 : i32
    %c0_i32_1 = arith.constant 0 : i32
    %c0_i32_2 = arith.constant 0 : i32
    return %arg0, %c0_i32, %c0_i32_0, %c0_i32_1 : i32, i32, i32, i32
  }
  func.func @transform_3(%arg0: i32) -> (i32, i32, i32, i32) {
    %c0_i32 = arith.constant 0 : i32
    %c0_i32_0 = arith.constant 0 : i32
    %c0_i32_1 = arith.constant 0 : i32
    %c0_i32_2 = arith.constant 0 : i32
    return %arg0, %c0_i32, %c0_i32_0, %c0_i32_1 : i32, i32, i32, i32
  }
  func.func @transform_4(%arg0: i32) -> (i32, i32, i32, i32) {
    %c0_i32 = arith.constant 0 : i32
    %c0_i32_0 = arith.constant 0 : i32
    %c0_i32_1 = arith.constant 0 : i32
    %c0_i32_2 = arith.constant 0 : i32
    return %arg0, %c0_i32, %c0_i32_0, %c0_i32_1 : i32, i32, i32, i32
  }
  func.func @transform_5(%arg0: i32) -> (i32, i32, i32, i32) {
    %c0_i32 = arith.constant 0 : i32
    %c0_i32_0 = arith.constant 0 : i32
    %c0_i32_1 = arith.constant 0 : i32
    %c0_i32_2 = arith.constant 0 : i32
    return %arg0, %c0_i32, %c0_i32_0, %c0_i32_1 : i32, i32, i32, i32
  }
  func.func @transform_6(%arg0: i32) -> (i32, i32, i32) {
    %c0_i32 = arith.constant 0 : i32
    %c0_i32_0 = arith.constant 0 : i32
    %c0_i32_1 = arith.constant 0 : i32
    return %arg0, %c0_i32, %c0_i32_0 : i32, i32, i32
  }
  func.func @transform_7(%arg0: i32) -> (i32, i32, i32, i32) {
    %c0_i32 = arith.constant 0 : i32
    %c0_i32_0 = arith.constant 0 : i32
    %c0_i32_1 = arith.constant 0 : i32
    %c0_i32_2 = arith.constant 0 : i32
    return %arg0, %c0_i32, %c0_i32_0, %c0_i32_1 : i32, i32, i32, i32
  }
  func.func @transform_8(%arg0: i32) -> (i32, i32, i32, i32) {
    %c0_i32 = arith.constant 0 : i32
    %c0_i32_0 = arith.constant 0 : i32
    %c0_i32_1 = arith.constant 0 : i32
    %c0_i32_2 = arith.constant 0 : i32
    return %arg0, %c0_i32, %c0_i32_0, %c0_i32_1 : i32, i32, i32, i32
  }
}

module attributes {stable_mosaic.version = 14 : i64} {
  func.func @_post_body(%arg0: i32, %arg1: memref<1x4096xf32, #tpu.memory_space<vmem>>, %arg2: memref<1x4096xf32, #tpu.memory_space<vmem>>, %arg3: memref<16x4096xf32, #tpu.memory_space<vmem>>, %arg4: memref<16x4096xf32, #tpu.memory_space<vmem>>, %arg5: memref<16x4096xf32, #tpu.memory_space<vmem>>, %arg6: memref<16x4096xf32, #tpu.memory_space<vmem>>, %arg7: memref<16x4096xf32, #tpu.memory_space<vmem>>, %arg8: memref<16x4096xf32, #tpu.memory_space<vmem>>, %arg9: memref<4x4096xf32, #tpu.memory_space<vmem>>, %arg10: memref<16x1xf32, #tpu.memory_space<vmem>>, %arg11: memref<8x16xf32, #tpu.memory_space<vmem>>, %arg12: memref<16x1xf32, #tpu.memory_space<vmem>>, %arg13: memref<8x16xf32, #tpu.memory_space<vmem>>, %arg14: memref<4x22xf32, #tpu.memory_space<vmem>>, %arg15: memref<4x1xf32, #tpu.memory_space<vmem>>, %arg16: memref<4x22xf32, #tpu.memory_space<vmem>>, %arg17: memref<4x1xf32, #tpu.memory_space<vmem>>, %arg18: memref<4x22xf32, #tpu.memory_space<vmem>>, %arg19: memref<4x1xf32, #tpu.memory_space<vmem>>, %arg20: memref<32x22xf32, #tpu.memory_space<vmem>>, %arg21: memref<48x4xf32, #tpu.memory_space<vmem>>, %arg22: memref<48x4xf32, #tpu.memory_space<vmem>>, %arg23: memref<49x144xf32, #tpu.memory_space<vmem>>, %arg24: memref<1x4096xf32, #tpu.memory_space<vmem>>, %arg25: memref<4x4096xf32, #tpu.memory_space<vmem>>) attributes {dimension_semantics = [#tpu.dimension_semantics<arbitrary>], iteration_bounds = array<i64: 16>, scalar_prefetch = 0 : i64, scratch_operands = 0 : i64, tpu.core_type = #tpu.core_type<tc>, window_params = [{transform_indices = @transform_0, window_bounds = array<i64: 1, 4096>}, {transform_indices = @transform_1, window_bounds = array<i64: 1, 4096>}, {transform_indices = @transform_2, window_bounds = array<i64: 16, 4096>}, {transform_indices = @transform_3, window_bounds = array<i64: 16, 4096>}, {transform_indices = @transform_4, window_bounds = array<i64: 16, 4096>}, {transform_indices = @transform_5, window_bounds = array<i64: 16, 4096>}, {transform_indices = @transform_6, window_bounds = array<i64: 16, 4096>}, {transform_indices = @transform_7, window_bounds = array<i64: 16, 4096>}, {transform_indices = @transform_8, window_bounds = array<i64: 4, 4096>}, {pipeline_mode = #tpu.pipeline_mode<synchronous>, transform_indices = @transform_9, window_bounds = array<i64: 16, 1>}, {pipeline_mode = #tpu.pipeline_mode<synchronous>, transform_indices = @transform_10, window_bounds = array<i64: 8, 16>}, {pipeline_mode = #tpu.pipeline_mode<synchronous>, transform_indices = @transform_11, window_bounds = array<i64: 16, 1>}, {pipeline_mode = #tpu.pipeline_mode<synchronous>, transform_indices = @transform_12, window_bounds = array<i64: 8, 16>}, {pipeline_mode = #tpu.pipeline_mode<synchronous>, transform_indices = @transform_13, window_bounds = array<i64: 4, 22>}, {pipeline_mode = #tpu.pipeline_mode<synchronous>, transform_indices = @transform_14, window_bounds = array<i64: 4, 1>}, {pipeline_mode = #tpu.pipeline_mode<synchronous>, transform_indices = @transform_15, window_bounds = array<i64: 4, 22>}, {pipeline_mode = #tpu.pipeline_mode<synchronous>, transform_indices = @transform_16, window_bounds = array<i64: 4, 1>}, {pipeline_mode = #tpu.pipeline_mode<synchronous>, transform_indices = @transform_17, window_bounds = array<i64: 4, 22>}, {pipeline_mode = #tpu.pipeline_mode<synchronous>, transform_indices = @transform_18, window_bounds = array<i64: 4, 1>}, {pipeline_mode = #tpu.pipeline_mode<synchronous>, transform_indices = @transform_19, window_bounds = array<i64: 32, 22>}, {pipeline_mode = #tpu.pipeline_mode<synchronous>, transform_indices = @transform_20, window_bounds = array<i64: 48, 4>}, {pipeline_mode = #tpu.pipeline_mode<synchronous>, transform_indices = @transform_21, window_bounds = array<i64: 48, 4>}, {pipeline_mode = #tpu.pipeline_mode<synchronous>, transform_indices = @transform_22, window_bounds = array<i64: 49, 144>}, {transform_indices = @transform_23, window_bounds = array<i64: 1, 4096>}, {transform_indices = @transform_24, window_bounds = array<i64: 4, 4096>}]} {
    %get3A = arith.constant 0 : index
    %get3A_0 = arith.constant 0 : index
    %get3A_1 = vector.load %arg1[%get3A, %get3A_0] : memref<1x4096xf32, #tpu.memory_space<vmem>>, vector<1x4096xf32>
    %get3A_2 = arith.constant 0 : index
    %get3A_3 = arith.constant 0 : index
    %get3A_4 = vector.load %arg2[%get3A_2, %get3A_3] : memref<1x4096xf32, #tpu.memory_space<vmem>>, vector<1x4096xf32>
    %get3A_5 = arith.constant 0 : index
    %get3A_6 = arith.constant 0 : index
    %get3A_7 = vector.load %arg3[%get3A_5, %get3A_6] : memref<16x4096xf32, #tpu.memory_space<vmem>>, vector<16x4096xf32>
    %get3A_8 = arith.constant 0 : index
    %get3A_9 = arith.constant 0 : index
    %get3A_10 = vector.load %arg4[%get3A_8, %get3A_9] : memref<16x4096xf32, #tpu.memory_space<vmem>>, vector<16x4096xf32>
    %get3A_11 = arith.constant 0 : index
    %get3A_12 = arith.constant 0 : index
    %get3A_13 = vector.load %arg5[%get3A_11, %get3A_12] : memref<16x4096xf32, #tpu.memory_space<vmem>>, vector<16x4096xf32>
    %neg3A = arith.constant 0.000000e+00 : f32
    %neg3A_14 = vector.broadcast %neg3A : f32 to vector<16x4096xf32>
    %neg3A_15 = arith.subf %neg3A_14, %get3A_10 : vector<16x4096xf32>
    %exp3A = math.exp %neg3A_15 : vector<16x4096xf32>
    %add3A = arith.constant 1.000000e+00 : f32
    %add3A_16 = vector.broadcast %add3A : f32 to vector<16x4096xf32>
    %add3A_17 = arith.addf %add3A_16, %exp3A : vector<16x4096xf32>
    %div3A = arith.constant 1.000000e+00 : f32
    %div3A_18 = vector.broadcast %div3A : f32 to vector<16x4096xf32>
    %div3A_19 = arith.divf %div3A_18, %add3A_17 : vector<16x4096xf32>
    %mul3A = arith.mulf %get3A_10, %div3A_19 : vector<16x4096xf32>
    %mul3A_20 = arith.mulf %get3A_7, %mul3A : vector<16x4096xf32>
    %get3A_21 = arith.constant 0 : index
    %get3A_22 = arith.constant 0 : index
    %get3A_23 = vector.load %arg10[%get3A_21, %get3A_22] : memref<16x1xf32, #tpu.memory_space<vmem>>, vector<16x1xf32>
    %mul3A_24 = vector.broadcast %get3A_23 : vector<16x1xf32> to vector<16x4096xf32>
    %mul3A_25 = arith.mulf %mul3A_24, %get3A_13 : vector<16x4096xf32>
    %add3A_26 = arith.addf %mul3A_20, %mul3A_25 : vector<16x4096xf32>
    %get3A_27 = arith.constant 0 : index
    %get3A_28 = arith.constant 0 : index
    %get3A_29 = vector.load %arg11[%get3A_27, %get3A_28] : memref<8x16xf32, #tpu.memory_space<vmem>>, vector<8x16xf32>
    %convert_element_type3A = arith.truncf %get3A_29 : vector<8x16xf32> to vector<8x16xbf16>
    %convert_element_type3A_30 = arith.truncf %add3A_26 : vector<16x4096xf32> to vector<16x4096xbf16>
    %dot_general3A = arith.constant dense<0.000000e+00> : vector<8x4096xf32>
    %dot_general3A_31 = tpu.matmul %convert_element_type3A, %convert_element_type3A_30, %dot_general3A {dimension_numbers = #tpu.dot_dimension_numbers<[1], [0], [0], [1], [0, 0, 1, 1], [], []>, transpose_lhs_hint = false} : vector<8x16xbf16>, vector<16x4096xbf16>, vector<8x4096xf32> -> vector<8x4096xf32>
    %get3A_32 = arith.constant 0 : index
    %get3A_33 = arith.constant 0 : index
    %get3A_34 = vector.load %arg6[%get3A_32, %get3A_33] : memref<16x4096xf32, #tpu.memory_space<vmem>>, vector<16x4096xf32>
    %get3A_35 = arith.constant 0 : index
    %get3A_36 = arith.constant 0 : index
    %get3A_37 = vector.load %arg7[%get3A_35, %get3A_36] : memref<16x4096xf32, #tpu.memory_space<vmem>>, vector<16x4096xf32>
    %get3A_38 = arith.constant 0 : index
    %get3A_39 = arith.constant 0 : index
    %get3A_40 = vector.load %arg8[%get3A_38, %get3A_39] : memref<16x4096xf32, #tpu.memory_space<vmem>>, vector<16x4096xf32>
    %neg3A_41 = arith.constant 0.000000e+00 : f32
    %neg3A_42 = vector.broadcast %neg3A_41 : f32 to vector<16x4096xf32>
    %neg3A_43 = arith.subf %neg3A_42, %get3A_37 : vector<16x4096xf32>
    %exp3A_44 = math.exp %neg3A_43 : vector<16x4096xf32>
    %add3A_45 = arith.constant 1.000000e+00 : f32
    %add3A_46 = vector.broadcast %add3A_45 : f32 to vector<16x4096xf32>
    %add3A_47 = arith.addf %add3A_46, %exp3A_44 : vector<16x4096xf32>
    %div3A_48 = arith.constant 1.000000e+00 : f32
    %div3A_49 = vector.broadcast %div3A_48 : f32 to vector<16x4096xf32>
    %div3A_50 = arith.divf %div3A_49, %add3A_47 : vector<16x4096xf32>
    %mul3A_51 = arith.mulf %get3A_37, %div3A_50 : vector<16x4096xf32>
    %mul3A_52 = arith.mulf %get3A_34, %mul3A_51 : vector<16x4096xf32>
    %get3A_53 = arith.constant 0 : index
    %get3A_54 = arith.constant 0 : index
    %get3A_55 = vector.load %arg12[%get3A_53, %get3A_54] : memref<16x1xf32, #tpu.memory_space<vmem>>, vector<16x1xf32>
    %mul3A_56 = vector.broadcast %get3A_55 : vector<16x1xf32> to vector<16x4096xf32>
    %mul3A_57 = arith.mulf %mul3A_56, %get3A_40 : vector<16x4096xf32>
    %add3A_58 = arith.addf %mul3A_52, %mul3A_57 : vector<16x4096xf32>
    %get3A_59 = arith.constant 0 : index
    %get3A_60 = arith.constant 0 : index
    %get3A_61 = vector.load %arg13[%get3A_59, %get3A_60] : memref<8x16xf32, #tpu.memory_space<vmem>>, vector<8x16xf32>
    %convert_element_type3A_62 = arith.truncf %get3A_61 : vector<8x16xf32> to vector<8x16xbf16>
    %convert_element_type3A_63 = arith.truncf %add3A_58 : vector<16x4096xf32> to vector<16x4096xbf16>
    %dot_general3A_64 = arith.constant dense<0.000000e+00> : vector<8x4096xf32>
    %dot_general3A_65 = tpu.matmul %convert_element_type3A_62, %convert_element_type3A_63, %dot_general3A_64 {dimension_numbers = #tpu.dot_dimension_numbers<[1], [0], [0], [1], [0, 0, 1, 1], [], []>, transpose_lhs_hint = false} : vector<8x16xbf16>, vector<16x4096xbf16>, vector<8x4096xf32> -> vector<8x4096xf32>
    %get3A_66 = arith.constant 0 : index
    %get3A_67 = arith.constant 0 : index
    %get3A_68 = vector.load %arg9[%get3A_66, %get3A_67] : memref<4x4096xf32, #tpu.memory_space<vmem>>, vector<4x4096xf32>
    %concatenate3A = tpu.concatenate %get3A_1, %get3A_4, %dot_general3A_31, %dot_general3A_65 in 0 : vector<1x4096xf32>, vector<1x4096xf32>, vector<8x4096xf32>, vector<8x4096xf32> -> vector<18x4096xf32>
    %concatenate3A_69 = tpu.concatenate %concatenate3A, %get3A_68 in 0 : vector<18x4096xf32>, vector<4x4096xf32> -> vector<22x4096xf32>
    %get3A_70 = arith.constant 0 : index
    %get3A_71 = arith.constant 0 : index
    %get3A_72 = vector.load %arg14[%get3A_70, %get3A_71] : memref<4x22xf32, #tpu.memory_space<vmem>>, vector<4x22xf32>
    %convert_element_type3A_73 = arith.truncf %get3A_72 : vector<4x22xf32> to vector<4x22xbf16>
    %convert_element_type3A_74 = arith.truncf %concatenate3A_69 : vector<22x4096xf32> to vector<22x4096xbf16>
    %dot_general3A_75 = arith.constant dense<0.000000e+00> : vector<4x4096xf32>
    %dot_general3A_76 = tpu.matmul %convert_element_type3A_73, %convert_element_type3A_74, %dot_general3A_75 {dimension_numbers = #tpu.dot_dimension_numbers<[1], [0], [0], [1], [0, 0, 1, 1], [], []>, transpose_lhs_hint = false} : vector<4x22xbf16>, vector<22x4096xbf16>, vector<4x4096xf32> -> vector<4x4096xf32>
    %get3A_77 = arith.constant 0 : index
    %get3A_78 = arith.constant 0 : index
    %get3A_79 = vector.load %arg15[%get3A_77, %get3A_78] : memref<4x1xf32, #tpu.memory_space<vmem>>, vector<4x1xf32>
    %add3A_80 = vector.broadcast %get3A_79 : vector<4x1xf32> to vector<4x4096xf32>
    %add3A_81 = arith.addf %dot_general3A_76, %add3A_80 : vector<4x4096xf32>
    %neg3A_82 = arith.constant 0.000000e+00 : f32
    %neg3A_83 = vector.broadcast %neg3A_82 : f32 to vector<4x4096xf32>
    %neg3A_84 = arith.subf %neg3A_83, %add3A_81 : vector<4x4096xf32>
    %exp3A_85 = math.exp %neg3A_84 : vector<4x4096xf32>
    %add3A_86 = arith.constant 1.000000e+00 : f32
    %add3A_87 = vector.broadcast %add3A_86 : f32 to vector<4x4096xf32>
    %add3A_88 = arith.addf %add3A_87, %exp3A_85 : vector<4x4096xf32>
    %div3A_89 = arith.constant 1.000000e+00 : f32
    %div3A_90 = vector.broadcast %div3A_89 : f32 to vector<4x4096xf32>
    %div3A_91 = arith.divf %div3A_90, %add3A_88 : vector<4x4096xf32>
    %get3A_92 = arith.constant 0 : index
    %get3A_93 = arith.constant 0 : index
    %get3A_94 = vector.load %arg16[%get3A_92, %get3A_93] : memref<4x22xf32, #tpu.memory_space<vmem>>, vector<4x22xf32>
    %convert_element_type3A_95 = arith.truncf %get3A_94 : vector<4x22xf32> to vector<4x22xbf16>
    %convert_element_type3A_96 = arith.truncf %concatenate3A_69 : vector<22x4096xf32> to vector<22x4096xbf16>
    %dot_general3A_97 = arith.constant dense<0.000000e+00> : vector<4x4096xf32>
    %dot_general3A_98 = tpu.matmul %convert_element_type3A_95, %convert_element_type3A_96, %dot_general3A_97 {dimension_numbers = #tpu.dot_dimension_numbers<[1], [0], [0], [1], [0, 0, 1, 1], [], []>, transpose_lhs_hint = false} : vector<4x22xbf16>, vector<22x4096xbf16>, vector<4x4096xf32> -> vector<4x4096xf32>
    %get3A_99 = arith.constant 0 : index
    %get3A_100 = arith.constant 0 : index
    %get3A_101 = vector.load %arg17[%get3A_99, %get3A_100] : memref<4x1xf32, #tpu.memory_space<vmem>>, vector<4x1xf32>
    %add3A_102 = vector.broadcast %get3A_101 : vector<4x1xf32> to vector<4x4096xf32>
    %add3A_103 = arith.addf %dot_general3A_98, %add3A_102 : vector<4x4096xf32>
    %neg3A_104 = arith.constant 0.000000e+00 : f32
    %neg3A_105 = vector.broadcast %neg3A_104 : f32 to vector<4x4096xf32>
    %neg3A_106 = arith.subf %neg3A_105, %add3A_103 : vector<4x4096xf32>
    %exp3A_107 = math.exp %neg3A_106 : vector<4x4096xf32>
    %add3A_108 = arith.constant 1.000000e+00 : f32
    %add3A_109 = vector.broadcast %add3A_108 : f32 to vector<4x4096xf32>
    %add3A_110 = arith.addf %add3A_109, %exp3A_107 : vector<4x4096xf32>
    %div3A_111 = arith.constant 1.000000e+00 : f32
    %div3A_112 = vector.broadcast %div3A_111 : f32 to vector<4x4096xf32>
    %div3A_113 = arith.divf %div3A_112, %add3A_110 : vector<4x4096xf32>
    %mul3A_114 = arith.mulf %div3A_113, %get3A_68 : vector<4x4096xf32>
    %concatenate3A_115 = tpu.concatenate %concatenate3A, %mul3A_114 in 0 : vector<18x4096xf32>, vector<4x4096xf32> -> vector<22x4096xf32>
    %get3A_116 = arith.constant 0 : index
    %get3A_117 = arith.constant 0 : index
    %get3A_118 = vector.load %arg18[%get3A_116, %get3A_117] : memref<4x22xf32, #tpu.memory_space<vmem>>, vector<4x22xf32>
    %convert_element_type3A_119 = arith.truncf %get3A_118 : vector<4x22xf32> to vector<4x22xbf16>
    %convert_element_type3A_120 = arith.truncf %concatenate3A_115 : vector<22x4096xf32> to vector<22x4096xbf16>
    %dot_general3A_121 = arith.constant dense<0.000000e+00> : vector<4x4096xf32>
    %dot_general3A_122 = tpu.matmul %convert_element_type3A_119, %convert_element_type3A_120, %dot_general3A_121 {dimension_numbers = #tpu.dot_dimension_numbers<[1], [0], [0], [1], [0, 0, 1, 1], [], []>, transpose_lhs_hint = false} : vector<4x22xbf16>, vector<22x4096xbf16>, vector<4x4096xf32> -> vector<4x4096xf32>
    %get3A_123 = arith.constant 0 : index
    %get3A_124 = arith.constant 0 : index
    %get3A_125 = vector.load %arg19[%get3A_123, %get3A_124] : memref<4x1xf32, #tpu.memory_space<vmem>>, vector<4x1xf32>
    %add3A_126 = vector.broadcast %get3A_125 : vector<4x1xf32> to vector<4x4096xf32>
    %add3A_127 = arith.addf %dot_general3A_122, %add3A_126 : vector<4x4096xf32>
    %tanh3A = math.tanh %add3A_127 : vector<4x4096xf32>
    %sub3A = arith.constant 1.000000e+00 : f32
    %sub3A_128 = vector.broadcast %sub3A : f32 to vector<4x4096xf32>
    %sub3A_129 = arith.subf %sub3A_128, %div3A_91 : vector<4x4096xf32>
    %mul3A_130 = arith.mulf %sub3A_129, %get3A_68 : vector<4x4096xf32>
    %mul3A_131 = arith.mulf %div3A_91, %tanh3A : vector<4x4096xf32>
    %add3A_132 = arith.addf %mul3A_130, %mul3A_131 : vector<4x4096xf32>
    %concatenate3A_133 = tpu.concatenate %add3A_132, %dot_general3A_31, %dot_general3A_65, %get3A_1, %get3A_4 in 0 : vector<4x4096xf32>, vector<8x4096xf32>, vector<8x4096xf32>, vector<1x4096xf32>, vector<1x4096xf32> -> vector<22x4096xf32>
    %broadcast_in_dim3A = arith.constant 0.000000e+00 : f32
    %broadcast_in_dim3A_134 = vector.broadcast %broadcast_in_dim3A : f32 to vector<1x4096xf32>
    %get3A_135 = arith.constant 0 : index
    %get3A_136 = arith.constant 0 : index
    %get3A_137 = vector.load %arg20[%get3A_135, %get3A_136] : memref<32x22xf32, #tpu.memory_space<vmem>>, vector<32x22xf32>
    %slice3A = vector.extract_strided_slice %get3A_137 {offsets = [0, 0], sizes = [8, 22], strides = [1, 1]} : vector<32x22xf32> to vector<8x22xf32>
    %convert_element_type3A_138 = arith.truncf %slice3A : vector<8x22xf32> to vector<8x22xbf16>
    %convert_element_type3A_139 = arith.truncf %concatenate3A_133 : vector<22x4096xf32> to vector<22x4096xbf16>
    %dot_general3A_140 = arith.constant dense<0.000000e+00> : vector<8x4096xf32>
    %dot_general3A_141 = tpu.matmul %convert_element_type3A_138, %convert_element_type3A_139, %dot_general3A_140 {dimension_numbers = #tpu.dot_dimension_numbers<[1], [0], [0], [1], [0, 0, 1, 1], [], []>, transpose_lhs_hint = false} : vector<8x22xbf16>, vector<22x4096xbf16>, vector<8x4096xf32> -> vector<8x4096xf32>
    %get3A_142 = arith.constant 0 : index
    %get3A_143 = arith.constant 0 : index
    %get3A_144 = vector.load %arg21[%get3A_142, %get3A_143] : memref<48x4xf32, #tpu.memory_space<vmem>>, vector<48x4xf32>
    %slice3A_145 = vector.extract_strided_slice %get3A_144 {offsets = [0, 0], sizes = [12, 4], strides = [1, 1]} : vector<48x4xf32> to vector<12x4xf32>
    %slice3A_146 = vector.extract_strided_slice %dot_general3A_141 {offsets = [0, 0], sizes = [4, 4096], strides = [1, 1]} : vector<8x4096xf32> to vector<4x4096xf32>
    %convert_element_type3A_147 = arith.truncf %slice3A_145 : vector<12x4xf32> to vector<12x4xbf16>
    %convert_element_type3A_148 = arith.truncf %slice3A_146 : vector<4x4096xf32> to vector<4x4096xbf16>
    %dot_general3A_149 = arith.constant dense<0.000000e+00> : vector<12x4096xf32>
    %dot_general3A_150 = tpu.matmul %convert_element_type3A_147, %convert_element_type3A_148, %dot_general3A_149 {dimension_numbers = #tpu.dot_dimension_numbers<[1], [0], [0], [1], [0, 0, 1, 1], [], []>, transpose_lhs_hint = false} : vector<12x4xbf16>, vector<4x4096xbf16>, vector<12x4096xf32> -> vector<12x4096xf32>
    %get3A_151 = arith.constant 0 : index
    %get3A_152 = arith.constant 0 : index
    %get3A_153 = vector.load %arg22[%get3A_151, %get3A_152] : memref<48x4xf32, #tpu.memory_space<vmem>>, vector<48x4xf32>
    %slice3A_154 = vector.extract_strided_slice %get3A_153 {offsets = [0, 0], sizes = [12, 4], strides = [1, 1]} : vector<48x4xf32> to vector<12x4xf32>
    %slice3A_155 = vector.extract_strided_slice %dot_general3A_141 {offsets = [4, 0], sizes = [4, 4096], strides = [1, 1]} : vector<8x4096xf32> to vector<4x4096xf32>
    %convert_element_type3A_156 = arith.truncf %slice3A_154 : vector<12x4xf32> to vector<12x4xbf16>
    %convert_element_type3A_157 = arith.truncf %slice3A_155 : vector<4x4096xf32> to vector<4x4096xbf16>
    %dot_general3A_158 = arith.constant dense<0.000000e+00> : vector<12x4096xf32>
    %dot_general3A_159 = tpu.matmul %convert_element_type3A_156, %convert_element_type3A_157, %dot_general3A_158 {dimension_numbers = #tpu.dot_dimension_numbers<[1], [0], [0], [1], [0, 0, 1, 1], [], []>, transpose_lhs_hint = false} : vector<12x4xbf16>, vector<4x4096xbf16>, vector<12x4096xf32> -> vector<12x4096xf32>
    %reduce_max3A = arith.constant dense<0xFF800000> : vector<4096xf32>
    %reduce_max3A_160 = vector.multi_reduction <maximumf>, %dot_general3A_150, %reduce_max3A [0] : vector<12x4096xf32> to vector<4096xf32>
    %broadcast_in_dim3A_161 = vector.shape_cast %reduce_max3A_160 : vector<4096xf32> to vector<1x4096xf32>
    %iota3A = tpu.iota {dimensions = array<i32: 0>} : vector<12x4096xi32>
    %ge3A = vector.broadcast %broadcast_in_dim3A_161 : vector<1x4096xf32> to vector<12x4096xf32>
    %ge3A_162 = arith.cmpf oge, %dot_general3A_150, %ge3A : vector<12x4096xf32>
    %jit3A = arith.constant 12 : i32
    %broadcast_in_dim3A_163 = vector.broadcast %jit3A : i32 to vector<12x4096xi32>
    %select_n3A = arith.select %ge3A_162, %iota3A, %broadcast_in_dim3A_163 : vector<12x4096xi1>, vector<12x4096xi32>
    %reduce_min3A = arith.constant dense<2147483647> : vector<4096xi32>
    %reduce_min3A_164 = vector.multi_reduction <minsi>, %select_n3A, %reduce_min3A [0] : vector<12x4096xi32> to vector<4096xi32>
    %broadcast_in_dim3A_165 = vector.shape_cast %reduce_min3A_164 : vector<4096xi32> to vector<1x4096xi32>
    %reduce_max3A_166 = arith.constant dense<0xFF800000> : vector<4096xf32>
    %reduce_max3A_167 = vector.multi_reduction <maximumf>, %dot_general3A_159, %reduce_max3A_166 [0] : vector<12x4096xf32> to vector<4096xf32>
    %broadcast_in_dim3A_168 = vector.shape_cast %reduce_max3A_167 : vector<4096xf32> to vector<1x4096xf32>
    %iota3A_169 = tpu.iota {dimensions = array<i32: 0>} : vector<12x4096xi32>
    %ge3A_170 = vector.broadcast %broadcast_in_dim3A_168 : vector<1x4096xf32> to vector<12x4096xf32>
    %ge3A_171 = arith.cmpf oge, %dot_general3A_159, %ge3A_170 : vector<12x4096xf32>
    %jit3A_172 = arith.constant 12 : i32
    %broadcast_in_dim3A_173 = vector.broadcast %jit3A_172 : i32 to vector<12x4096xi32>
    %select_n3A_174 = arith.select %ge3A_171, %iota3A_169, %broadcast_in_dim3A_173 : vector<12x4096xi1>, vector<12x4096xi32>
    %reduce_min3A_175 = arith.constant dense<2147483647> : vector<4096xi32>
    %reduce_min3A_176 = vector.multi_reduction <minsi>, %select_n3A_174, %reduce_min3A_175 [0] : vector<12x4096xi32> to vector<4096xi32>
    %broadcast_in_dim3A_177 = vector.shape_cast %reduce_min3A_176 : vector<4096xi32> to vector<1x4096xi32>
    %add3A_178 = arith.addf %broadcast_in_dim3A_161, %broadcast_in_dim3A_168 : vector<1x4096xf32>
    %mul3A_179 = arith.constant 12 : i32
    %mul3A_180 = vector.broadcast %mul3A_179 : i32 to vector<1x4096xi32>
    %mul3A_181 = arith.muli %broadcast_in_dim3A_165, %mul3A_180 : vector<1x4096xi32>
    %add3A_182 = arith.addi %mul3A_181, %broadcast_in_dim3A_177 : vector<1x4096xi32>
    %iota3A_183 = tpu.iota {dimensions = array<i32: 0>} : vector<144x4096xi32>
    %eq3A = vector.broadcast %add3A_182 : vector<1x4096xi32> to vector<144x4096xi32>
    %eq3A_184 = arith.cmpi eq, %iota3A_183, %eq3A : vector<144x4096xi32>
    %convert_element_type3A_185 = arith.extui %eq3A_184 : vector<144x4096xi1> to vector<144x4096xi32>
    %convert_element_type3A_186 = arith.sitofp %convert_element_type3A_185 : vector<144x4096xi32> to vector<144x4096xf32>
    %get3A_187 = arith.constant 0 : index
    %get3A_188 = arith.constant 0 : index
    %get3A_189 = vector.load %arg23[%get3A_187, %get3A_188] : memref<49x144xf32, #tpu.memory_space<vmem>>, vector<49x144xf32>
    %dot_general3A_190 = arith.constant dense<0.000000e+00> : vector<49x4096xf32>
    %dot_general3A_191 = tpu.matmul %get3A_189, %convert_element_type3A_186, %dot_general3A_190 {dimension_numbers = #tpu.dot_dimension_numbers<[1], [0], [0], [1], [0, 0, 1, 1], [], []>, precision = #tpu.contract_precision<fp32>, transpose_lhs_hint = false} : vector<49x144xf32>, vector<144x4096xf32>, vector<49x4096xf32> -> vector<49x4096xf32>
    %slice3A_192 = vector.extract_strided_slice %dot_general3A_191 {offsets = [0, 0], sizes = [16, 4096], strides = [1, 1]} : vector<49x4096xf32> to vector<16x4096xf32>
    %slice3A_193 = vector.extract_strided_slice %dot_general3A_191 {offsets = [16, 0], sizes = [16, 4096], strides = [1, 1]} : vector<49x4096xf32> to vector<16x4096xf32>
    %slice3A_194 = vector.extract_strided_slice %dot_general3A_191 {offsets = [32, 0], sizes = [16, 4096], strides = [1, 1]} : vector<49x4096xf32> to vector<16x4096xf32>
    %slice3A_195 = vector.extract_strided_slice %dot_general3A_191 {offsets = [48, 0], sizes = [1, 4096], strides = [1, 1]} : vector<49x4096xf32> to vector<1x4096xf32>
    %mul3A_196 = vector.broadcast %get3A_1 : vector<1x4096xf32> to vector<16x4096xf32>
    %mul3A_197 = arith.mulf %slice3A_192, %mul3A_196 : vector<16x4096xf32>
    %add3A_198 = arith.addf %mul3A_197, %slice3A_193 : vector<16x4096xf32>
    %max3A = arith.constant 0.000000e+00 : f32
    %max3A_199 = vector.broadcast %max3A : f32 to vector<16x4096xf32>
    %max3A_200 = arith.maximumf %add3A_198, %max3A_199 : vector<16x4096xf32>
    %mul3A_201 = arith.mulf %slice3A_194, %max3A_200 : vector<16x4096xf32>
    %reduce_sum3A = arith.constant dense<0.000000e+00> : vector<4096xf32>
    %reduce_sum3A_202 = vector.multi_reduction <add>, %mul3A_201, %reduce_sum3A [0] : vector<16x4096xf32> to vector<4096xf32>
    %broadcast_in_dim3A_203 = vector.shape_cast %reduce_sum3A_202 : vector<4096xf32> to vector<1x4096xf32>
    %add3A_204 = arith.addf %broadcast_in_dim3A_203, %slice3A_195 : vector<1x4096xf32>
    %neg3A_205 = arith.constant 0.000000e+00 : f32
    %neg3A_206 = vector.broadcast %neg3A_205 : f32 to vector<1x4096xf32>
    %neg3A_207 = arith.subf %neg3A_206, %add3A_178 : vector<1x4096xf32>
    %exp3A_208 = math.exp %neg3A_207 : vector<1x4096xf32>
    %add3A_209 = arith.constant 1.000000e+00 : f32
    %add3A_210 = vector.broadcast %add3A_209 : f32 to vector<1x4096xf32>
    %add3A_211 = arith.addf %add3A_210, %exp3A_208 : vector<1x4096xf32>
    %div3A_212 = arith.constant 1.000000e+00 : f32
    %div3A_213 = vector.broadcast %div3A_212 : f32 to vector<1x4096xf32>
    %div3A_214 = arith.divf %div3A_213, %add3A_211 : vector<1x4096xf32>
    %mul3A_215 = arith.mulf %div3A_214, %add3A_204 : vector<1x4096xf32>
    %add3A_216 = arith.addf %broadcast_in_dim3A_134, %mul3A_215 : vector<1x4096xf32>
    %get3A_217 = arith.constant 0 : index
    %get3A_218 = arith.constant 0 : index
    %get3A_219 = vector.load %arg20[%get3A_217, %get3A_218] : memref<32x22xf32, #tpu.memory_space<vmem>>, vector<32x22xf32>
    %slice3A_220 = vector.extract_strided_slice %get3A_219 {offsets = [8, 0], sizes = [8, 22], strides = [1, 1]} : vector<32x22xf32> to vector<8x22xf32>
    %convert_element_type3A_221 = arith.truncf %slice3A_220 : vector<8x22xf32> to vector<8x22xbf16>
    %convert_element_type3A_222 = arith.truncf %concatenate3A_133 : vector<22x4096xf32> to vector<22x4096xbf16>
    %dot_general3A_223 = arith.constant dense<0.000000e+00> : vector<8x4096xf32>
    %dot_general3A_224 = tpu.matmul %convert_element_type3A_221, %convert_element_type3A_222, %dot_general3A_223 {dimension_numbers = #tpu.dot_dimension_numbers<[1], [0], [0], [1], [0, 0, 1, 1], [], []>, transpose_lhs_hint = false} : vector<8x22xbf16>, vector<22x4096xbf16>, vector<8x4096xf32> -> vector<8x4096xf32>
    %get3A_225 = arith.constant 0 : index
    %get3A_226 = arith.constant 0 : index
    %get3A_227 = vector.load %arg21[%get3A_225, %get3A_226] : memref<48x4xf32, #tpu.memory_space<vmem>>, vector<48x4xf32>
    %slice3A_228 = vector.extract_strided_slice %get3A_227 {offsets = [12, 0], sizes = [12, 4], strides = [1, 1]} : vector<48x4xf32> to vector<12x4xf32>
    %slice3A_229 = vector.extract_strided_slice %dot_general3A_224 {offsets = [0, 0], sizes = [4, 4096], strides = [1, 1]} : vector<8x4096xf32> to vector<4x4096xf32>
    %convert_element_type3A_230 = arith.truncf %slice3A_228 : vector<12x4xf32> to vector<12x4xbf16>
    %convert_element_type3A_231 = arith.truncf %slice3A_229 : vector<4x4096xf32> to vector<4x4096xbf16>
    %dot_general3A_232 = arith.constant dense<0.000000e+00> : vector<12x4096xf32>
    %dot_general3A_233 = tpu.matmul %convert_element_type3A_230, %convert_element_type3A_231, %dot_general3A_232 {dimension_numbers = #tpu.dot_dimension_numbers<[1], [0], [0], [1], [0, 0, 1, 1], [], []>, transpose_lhs_hint = false} : vector<12x4xbf16>, vector<4x4096xbf16>, vector<12x4096xf32> -> vector<12x4096xf32>
    %get3A_234 = arith.constant 0 : index
    %get3A_235 = arith.constant 0 : index
    %get3A_236 = vector.load %arg22[%get3A_234, %get3A_235] : memref<48x4xf32, #tpu.memory_space<vmem>>, vector<48x4xf32>
    %slice3A_237 = vector.extract_strided_slice %get3A_236 {offsets = [12, 0], sizes = [12, 4], strides = [1, 1]} : vector<48x4xf32> to vector<12x4xf32>
    %slice3A_238 = vector.extract_strided_slice %dot_general3A_224 {offsets = [4, 0], sizes = [4, 4096], strides = [1, 1]} : vector<8x4096xf32> to vector<4x4096xf32>
    %convert_element_type3A_239 = arith.truncf %slice3A_237 : vector<12x4xf32> to vector<12x4xbf16>
    %convert_element_type3A_240 = arith.truncf %slice3A_238 : vector<4x4096xf32> to vector<4x4096xbf16>
    %dot_general3A_241 = arith.constant dense<0.000000e+00> : vector<12x4096xf32>
    %dot_general3A_242 = tpu.matmul %convert_element_type3A_239, %convert_element_type3A_240, %dot_general3A_241 {dimension_numbers = #tpu.dot_dimension_numbers<[1], [0], [0], [1], [0, 0, 1, 1], [], []>, transpose_lhs_hint = false} : vector<12x4xbf16>, vector<4x4096xbf16>, vector<12x4096xf32> -> vector<12x4096xf32>
    %reduce_max3A_243 = arith.constant dense<0xFF800000> : vector<4096xf32>
    %reduce_max3A_244 = vector.multi_reduction <maximumf>, %dot_general3A_233, %reduce_max3A_243 [0] : vector<12x4096xf32> to vector<4096xf32>
    %broadcast_in_dim3A_245 = vector.shape_cast %reduce_max3A_244 : vector<4096xf32> to vector<1x4096xf32>
    %iota3A_246 = tpu.iota {dimensions = array<i32: 0>} : vector<12x4096xi32>
    %ge3A_247 = vector.broadcast %broadcast_in_dim3A_245 : vector<1x4096xf32> to vector<12x4096xf32>
    %ge3A_248 = arith.cmpf oge, %dot_general3A_233, %ge3A_247 : vector<12x4096xf32>
    %jit3A_249 = arith.constant 12 : i32
    %broadcast_in_dim3A_250 = vector.broadcast %jit3A_249 : i32 to vector<12x4096xi32>
    %select_n3A_251 = arith.select %ge3A_248, %iota3A_246, %broadcast_in_dim3A_250 : vector<12x4096xi1>, vector<12x4096xi32>
    %reduce_min3A_252 = arith.constant dense<2147483647> : vector<4096xi32>
    %reduce_min3A_253 = vector.multi_reduction <minsi>, %select_n3A_251, %reduce_min3A_252 [0] : vector<12x4096xi32> to vector<4096xi32>
    %broadcast_in_dim3A_254 = vector.shape_cast %reduce_min3A_253 : vector<4096xi32> to vector<1x4096xi32>
    %reduce_max3A_255 = arith.constant dense<0xFF800000> : vector<4096xf32>
    %reduce_max3A_256 = vector.multi_reduction <maximumf>, %dot_general3A_242, %reduce_max3A_255 [0] : vector<12x4096xf32> to vector<4096xf32>
    %broadcast_in_dim3A_257 = vector.shape_cast %reduce_max3A_256 : vector<4096xf32> to vector<1x4096xf32>
    %iota3A_258 = tpu.iota {dimensions = array<i32: 0>} : vector<12x4096xi32>
    %ge3A_259 = vector.broadcast %broadcast_in_dim3A_257 : vector<1x4096xf32> to vector<12x4096xf32>
    %ge3A_260 = arith.cmpf oge, %dot_general3A_242, %ge3A_259 : vector<12x4096xf32>
    %jit3A_261 = arith.constant 12 : i32
    %broadcast_in_dim3A_262 = vector.broadcast %jit3A_261 : i32 to vector<12x4096xi32>
    %select_n3A_263 = arith.select %ge3A_260, %iota3A_258, %broadcast_in_dim3A_262 : vector<12x4096xi1>, vector<12x4096xi32>
    %reduce_min3A_264 = arith.constant dense<2147483647> : vector<4096xi32>
    %reduce_min3A_265 = vector.multi_reduction <minsi>, %select_n3A_263, %reduce_min3A_264 [0] : vector<12x4096xi32> to vector<4096xi32>
    %broadcast_in_dim3A_266 = vector.shape_cast %reduce_min3A_265 : vector<4096xi32> to vector<1x4096xi32>
    %add3A_267 = arith.addf %broadcast_in_dim3A_245, %broadcast_in_dim3A_257 : vector<1x4096xf32>
    %mul3A_268 = arith.constant 12 : i32
    %mul3A_269 = vector.broadcast %mul3A_268 : i32 to vector<1x4096xi32>
    %mul3A_270 = arith.muli %broadcast_in_dim3A_254, %mul3A_269 : vector<1x4096xi32>
    %add3A_271 = arith.addi %mul3A_270, %broadcast_in_dim3A_266 : vector<1x4096xi32>
    %iota3A_272 = tpu.iota {dimensions = array<i32: 0>} : vector<144x4096xi32>
    %eq3A_273 = vector.broadcast %add3A_271 : vector<1x4096xi32> to vector<144x4096xi32>
    %eq3A_274 = arith.cmpi eq, %iota3A_272, %eq3A_273 : vector<144x4096xi32>
    %convert_element_type3A_275 = arith.extui %eq3A_274 : vector<144x4096xi1> to vector<144x4096xi32>
    %convert_element_type3A_276 = arith.sitofp %convert_element_type3A_275 : vector<144x4096xi32> to vector<144x4096xf32>
    %get3A_277 = arith.constant 0 : index
    %get3A_278 = arith.constant 0 : index
    %get3A_279 = vector.load %arg23[%get3A_277, %get3A_278] : memref<49x144xf32, #tpu.memory_space<vmem>>, vector<49x144xf32>
    %dot_general3A_280 = arith.constant dense<0.000000e+00> : vector<49x4096xf32>
    %dot_general3A_281 = tpu.matmul %get3A_279, %convert_element_type3A_276, %dot_general3A_280 {dimension_numbers = #tpu.dot_dimension_numbers<[1], [0], [0], [1], [0, 0, 1, 1], [], []>, precision = #tpu.contract_precision<fp32>, transpose_lhs_hint = false} : vector<49x144xf32>, vector<144x4096xf32>, vector<49x4096xf32> -> vector<49x4096xf32>
    %slice3A_282 = vector.extract_strided_slice %dot_general3A_281 {offsets = [0, 0], sizes = [16, 4096], strides = [1, 1]} : vector<49x4096xf32> to vector<16x4096xf32>
    %slice3A_283 = vector.extract_strided_slice %dot_general3A_281 {offsets = [16, 0], sizes = [16, 4096], strides = [1, 1]} : vector<49x4096xf32> to vector<16x4096xf32>
    %slice3A_284 = vector.extract_strided_slice %dot_general3A_281 {offsets = [32, 0], sizes = [16, 4096], strides = [1, 1]} : vector<49x4096xf32> to vector<16x4096xf32>
    %slice3A_285 = vector.extract_strided_slice %dot_general3A_281 {offsets = [48, 0], sizes = [1, 4096], strides = [1, 1]} : vector<49x4096xf32> to vector<1x4096xf32>
    %mul3A_286 = vector.broadcast %get3A_1 : vector<1x4096xf32> to vector<16x4096xf32>
    %mul3A_287 = arith.mulf %slice3A_282, %mul3A_286 : vector<16x4096xf32>
    %add3A_288 = arith.addf %mul3A_287, %slice3A_283 : vector<16x4096xf32>
    %max3A_289 = arith.constant 0.000000e+00 : f32
    %max3A_290 = vector.broadcast %max3A_289 : f32 to vector<16x4096xf32>
    %max3A_291 = arith.maximumf %add3A_288, %max3A_290 : vector<16x4096xf32>
    %mul3A_292 = arith.mulf %slice3A_284, %max3A_291 : vector<16x4096xf32>
    %reduce_sum3A_293 = arith.constant dense<0.000000e+00> : vector<4096xf32>
    %reduce_sum3A_294 = vector.multi_reduction <add>, %mul3A_292, %reduce_sum3A_293 [0] : vector<16x4096xf32> to vector<4096xf32>
    %broadcast_in_dim3A_295 = vector.shape_cast %reduce_sum3A_294 : vector<4096xf32> to vector<1x4096xf32>
    %add3A_296 = arith.addf %broadcast_in_dim3A_295, %slice3A_285 : vector<1x4096xf32>
    %neg3A_297 = arith.constant 0.000000e+00 : f32
    %neg3A_298 = vector.broadcast %neg3A_297 : f32 to vector<1x4096xf32>
    %neg3A_299 = arith.subf %neg3A_298, %add3A_267 : vector<1x4096xf32>
    %exp3A_300 = math.exp %neg3A_299 : vector<1x4096xf32>
    %add3A_301 = arith.constant 1.000000e+00 : f32
    %add3A_302 = vector.broadcast %add3A_301 : f32 to vector<1x4096xf32>
    %add3A_303 = arith.addf %add3A_302, %exp3A_300 : vector<1x4096xf32>
    %div3A_304 = arith.constant 1.000000e+00 : f32
    %div3A_305 = vector.broadcast %div3A_304 : f32 to vector<1x4096xf32>
    %div3A_306 = arith.divf %div3A_305, %add3A_303 : vector<1x4096xf32>
    %mul3A_307 = arith.mulf %div3A_306, %add3A_296 : vector<1x4096xf32>
    %add3A_308 = arith.addf %add3A_216, %mul3A_307 : vector<1x4096xf32>
    %get3A_309 = arith.constant 0 : index
    %get3A_310 = arith.constant 0 : index
    %get3A_311 = vector.load %arg20[%get3A_309, %get3A_310] : memref<32x22xf32, #tpu.memory_space<vmem>>, vector<32x22xf32>
    %slice3A_312 = vector.extract_strided_slice %get3A_311 {offsets = [16, 0], sizes = [8, 22], strides = [1, 1]} : vector<32x22xf32> to vector<8x22xf32>
    %convert_element_type3A_313 = arith.truncf %slice3A_312 : vector<8x22xf32> to vector<8x22xbf16>
    %convert_element_type3A_314 = arith.truncf %concatenate3A_133 : vector<22x4096xf32> to vector<22x4096xbf16>
    %dot_general3A_315 = arith.constant dense<0.000000e+00> : vector<8x4096xf32>
    %dot_general3A_316 = tpu.matmul %convert_element_type3A_313, %convert_element_type3A_314, %dot_general3A_315 {dimension_numbers = #tpu.dot_dimension_numbers<[1], [0], [0], [1], [0, 0, 1, 1], [], []>, transpose_lhs_hint = false} : vector<8x22xbf16>, vector<22x4096xbf16>, vector<8x4096xf32> -> vector<8x4096xf32>
    %get3A_317 = arith.constant 0 : index
    %get3A_318 = arith.constant 0 : index
    %get3A_319 = vector.load %arg21[%get3A_317, %get3A_318] : memref<48x4xf32, #tpu.memory_space<vmem>>, vector<48x4xf32>
    %slice3A_320 = vector.extract_strided_slice %get3A_319 {offsets = [24, 0], sizes = [12, 4], strides = [1, 1]} : vector<48x4xf32> to vector<12x4xf32>
    %slice3A_321 = vector.extract_strided_slice %dot_general3A_316 {offsets = [0, 0], sizes = [4, 4096], strides = [1, 1]} : vector<8x4096xf32> to vector<4x4096xf32>
    %convert_element_type3A_322 = arith.truncf %slice3A_320 : vector<12x4xf32> to vector<12x4xbf16>
    %convert_element_type3A_323 = arith.truncf %slice3A_321 : vector<4x4096xf32> to vector<4x4096xbf16>
    %dot_general3A_324 = arith.constant dense<0.000000e+00> : vector<12x4096xf32>
    %dot_general3A_325 = tpu.matmul %convert_element_type3A_322, %convert_element_type3A_323, %dot_general3A_324 {dimension_numbers = #tpu.dot_dimension_numbers<[1], [0], [0], [1], [0, 0, 1, 1], [], []>, transpose_lhs_hint = false} : vector<12x4xbf16>, vector<4x4096xbf16>, vector<12x4096xf32> -> vector<12x4096xf32>
    %get3A_326 = arith.constant 0 : index
    %get3A_327 = arith.constant 0 : index
    %get3A_328 = vector.load %arg22[%get3A_326, %get3A_327] : memref<48x4xf32, #tpu.memory_space<vmem>>, vector<48x4xf32>
    %slice3A_329 = vector.extract_strided_slice %get3A_328 {offsets = [24, 0], sizes = [12, 4], strides = [1, 1]} : vector<48x4xf32> to vector<12x4xf32>
    %slice3A_330 = vector.extract_strided_slice %dot_general3A_316 {offsets = [4, 0], sizes = [4, 4096], strides = [1, 1]} : vector<8x4096xf32> to vector<4x4096xf32>
    %convert_element_type3A_331 = arith.truncf %slice3A_329 : vector<12x4xf32> to vector<12x4xbf16>
    %convert_element_type3A_332 = arith.truncf %slice3A_330 : vector<4x4096xf32> to vector<4x4096xbf16>
    %dot_general3A_333 = arith.constant dense<0.000000e+00> : vector<12x4096xf32>
    %dot_general3A_334 = tpu.matmul %convert_element_type3A_331, %convert_element_type3A_332, %dot_general3A_333 {dimension_numbers = #tpu.dot_dimension_numbers<[1], [0], [0], [1], [0, 0, 1, 1], [], []>, transpose_lhs_hint = false} : vector<12x4xbf16>, vector<4x4096xbf16>, vector<12x4096xf32> -> vector<12x4096xf32>
    %reduce_max3A_335 = arith.constant dense<0xFF800000> : vector<4096xf32>
    %reduce_max3A_336 = vector.multi_reduction <maximumf>, %dot_general3A_325, %reduce_max3A_335 [0] : vector<12x4096xf32> to vector<4096xf32>
    %broadcast_in_dim3A_337 = vector.shape_cast %reduce_max3A_336 : vector<4096xf32> to vector<1x4096xf32>
    %iota3A_338 = tpu.iota {dimensions = array<i32: 0>} : vector<12x4096xi32>
    %ge3A_339 = vector.broadcast %broadcast_in_dim3A_337 : vector<1x4096xf32> to vector<12x4096xf32>
    %ge3A_340 = arith.cmpf oge, %dot_general3A_325, %ge3A_339 : vector<12x4096xf32>
    %jit3A_341 = arith.constant 12 : i32
    %broadcast_in_dim3A_342 = vector.broadcast %jit3A_341 : i32 to vector<12x4096xi32>
    %select_n3A_343 = arith.select %ge3A_340, %iota3A_338, %broadcast_in_dim3A_342 : vector<12x4096xi1>, vector<12x4096xi32>
    %reduce_min3A_344 = arith.constant dense<2147483647> : vector<4096xi32>
    %reduce_min3A_345 = vector.multi_reduction <minsi>, %select_n3A_343, %reduce_min3A_344 [0] : vector<12x4096xi32> to vector<4096xi32>
    %broadcast_in_dim3A_346 = vector.shape_cast %reduce_min3A_345 : vector<4096xi32> to vector<1x4096xi32>
    %reduce_max3A_347 = arith.constant dense<0xFF800000> : vector<4096xf32>
    %reduce_max3A_348 = vector.multi_reduction <maximumf>, %dot_general3A_334, %reduce_max3A_347 [0] : vector<12x4096xf32> to vector<4096xf32>
    %broadcast_in_dim3A_349 = vector.shape_cast %reduce_max3A_348 : vector<4096xf32> to vector<1x4096xf32>
    %iota3A_350 = tpu.iota {dimensions = array<i32: 0>} : vector<12x4096xi32>
    %ge3A_351 = vector.broadcast %broadcast_in_dim3A_349 : vector<1x4096xf32> to vector<12x4096xf32>
    %ge3A_352 = arith.cmpf oge, %dot_general3A_334, %ge3A_351 : vector<12x4096xf32>
    %jit3A_353 = arith.constant 12 : i32
    %broadcast_in_dim3A_354 = vector.broadcast %jit3A_353 : i32 to vector<12x4096xi32>
    %select_n3A_355 = arith.select %ge3A_352, %iota3A_350, %broadcast_in_dim3A_354 : vector<12x4096xi1>, vector<12x4096xi32>
    %reduce_min3A_356 = arith.constant dense<2147483647> : vector<4096xi32>
    %reduce_min3A_357 = vector.multi_reduction <minsi>, %select_n3A_355, %reduce_min3A_356 [0] : vector<12x4096xi32> to vector<4096xi32>
    %broadcast_in_dim3A_358 = vector.shape_cast %reduce_min3A_357 : vector<4096xi32> to vector<1x4096xi32>
    %add3A_359 = arith.addf %broadcast_in_dim3A_337, %broadcast_in_dim3A_349 : vector<1x4096xf32>
    %mul3A_360 = arith.constant 12 : i32
    %mul3A_361 = vector.broadcast %mul3A_360 : i32 to vector<1x4096xi32>
    %mul3A_362 = arith.muli %broadcast_in_dim3A_346, %mul3A_361 : vector<1x4096xi32>
    %add3A_363 = arith.addi %mul3A_362, %broadcast_in_dim3A_358 : vector<1x4096xi32>
    %iota3A_364 = tpu.iota {dimensions = array<i32: 0>} : vector<144x4096xi32>
    %eq3A_365 = vector.broadcast %add3A_363 : vector<1x4096xi32> to vector<144x4096xi32>
    %eq3A_366 = arith.cmpi eq, %iota3A_364, %eq3A_365 : vector<144x4096xi32>
    %convert_element_type3A_367 = arith.extui %eq3A_366 : vector<144x4096xi1> to vector<144x4096xi32>
    %convert_element_type3A_368 = arith.sitofp %convert_element_type3A_367 : vector<144x4096xi32> to vector<144x4096xf32>
    %get3A_369 = arith.constant 0 : index
    %get3A_370 = arith.constant 0 : index
    %get3A_371 = vector.load %arg23[%get3A_369, %get3A_370] : memref<49x144xf32, #tpu.memory_space<vmem>>, vector<49x144xf32>
    %dot_general3A_372 = arith.constant dense<0.000000e+00> : vector<49x4096xf32>
    %dot_general3A_373 = tpu.matmul %get3A_371, %convert_element_type3A_368, %dot_general3A_372 {dimension_numbers = #tpu.dot_dimension_numbers<[1], [0], [0], [1], [0, 0, 1, 1], [], []>, precision = #tpu.contract_precision<fp32>, transpose_lhs_hint = false} : vector<49x144xf32>, vector<144x4096xf32>, vector<49x4096xf32> -> vector<49x4096xf32>
    %slice3A_374 = vector.extract_strided_slice %dot_general3A_373 {offsets = [0, 0], sizes = [16, 4096], strides = [1, 1]} : vector<49x4096xf32> to vector<16x4096xf32>
    %slice3A_375 = vector.extract_strided_slice %dot_general3A_373 {offsets = [16, 0], sizes = [16, 4096], strides = [1, 1]} : vector<49x4096xf32> to vector<16x4096xf32>
    %slice3A_376 = vector.extract_strided_slice %dot_general3A_373 {offsets = [32, 0], sizes = [16, 4096], strides = [1, 1]} : vector<49x4096xf32> to vector<16x4096xf32>
    %slice3A_377 = vector.extract_strided_slice %dot_general3A_373 {offsets = [48, 0], sizes = [1, 4096], strides = [1, 1]} : vector<49x4096xf32> to vector<1x4096xf32>
    %mul3A_378 = vector.broadcast %get3A_1 : vector<1x4096xf32> to vector<16x4096xf32>
    %mul3A_379 = arith.mulf %slice3A_374, %mul3A_378 : vector<16x4096xf32>
    %add3A_380 = arith.addf %mul3A_379, %slice3A_375 : vector<16x4096xf32>
    %max3A_381 = arith.constant 0.000000e+00 : f32
    %max3A_382 = vector.broadcast %max3A_381 : f32 to vector<16x4096xf32>
    %max3A_383 = arith.maximumf %add3A_380, %max3A_382 : vector<16x4096xf32>
    %mul3A_384 = arith.mulf %slice3A_376, %max3A_383 : vector<16x4096xf32>
    %reduce_sum3A_385 = arith.constant dense<0.000000e+00> : vector<4096xf32>
    %reduce_sum3A_386 = vector.multi_reduction <add>, %mul3A_384, %reduce_sum3A_385 [0] : vector<16x4096xf32> to vector<4096xf32>
    %broadcast_in_dim3A_387 = vector.shape_cast %reduce_sum3A_386 : vector<4096xf32> to vector<1x4096xf32>
    %add3A_388 = arith.addf %broadcast_in_dim3A_387, %slice3A_377 : vector<1x4096xf32>
    %neg3A_389 = arith.constant 0.000000e+00 : f32
    %neg3A_390 = vector.broadcast %neg3A_389 : f32 to vector<1x4096xf32>
    %neg3A_391 = arith.subf %neg3A_390, %add3A_359 : vector<1x4096xf32>
    %exp3A_392 = math.exp %neg3A_391 : vector<1x4096xf32>
    %add3A_393 = arith.constant 1.000000e+00 : f32
    %add3A_394 = vector.broadcast %add3A_393 : f32 to vector<1x4096xf32>
    %add3A_395 = arith.addf %add3A_394, %exp3A_392 : vector<1x4096xf32>
    %div3A_396 = arith.constant 1.000000e+00 : f32
    %div3A_397 = vector.broadcast %div3A_396 : f32 to vector<1x4096xf32>
    %div3A_398 = arith.divf %div3A_397, %add3A_395 : vector<1x4096xf32>
    %mul3A_399 = arith.mulf %div3A_398, %add3A_388 : vector<1x4096xf32>
    %add3A_400 = arith.addf %add3A_308, %mul3A_399 : vector<1x4096xf32>
    %get3A_401 = arith.constant 0 : index
    %get3A_402 = arith.constant 0 : index
    %get3A_403 = vector.load %arg20[%get3A_401, %get3A_402] : memref<32x22xf32, #tpu.memory_space<vmem>>, vector<32x22xf32>
    %slice3A_404 = vector.extract_strided_slice %get3A_403 {offsets = [24, 0], sizes = [8, 22], strides = [1, 1]} : vector<32x22xf32> to vector<8x22xf32>
    %convert_element_type3A_405 = arith.truncf %slice3A_404 : vector<8x22xf32> to vector<8x22xbf16>
    %convert_element_type3A_406 = arith.truncf %concatenate3A_133 : vector<22x4096xf32> to vector<22x4096xbf16>
    %dot_general3A_407 = arith.constant dense<0.000000e+00> : vector<8x4096xf32>
    %dot_general3A_408 = tpu.matmul %convert_element_type3A_405, %convert_element_type3A_406, %dot_general3A_407 {dimension_numbers = #tpu.dot_dimension_numbers<[1], [0], [0], [1], [0, 0, 1, 1], [], []>, transpose_lhs_hint = false} : vector<8x22xbf16>, vector<22x4096xbf16>, vector<8x4096xf32> -> vector<8x4096xf32>
    %get3A_409 = arith.constant 0 : index
    %get3A_410 = arith.constant 0 : index
    %get3A_411 = vector.load %arg21[%get3A_409, %get3A_410] : memref<48x4xf32, #tpu.memory_space<vmem>>, vector<48x4xf32>
    %slice3A_412 = vector.extract_strided_slice %get3A_411 {offsets = [36, 0], sizes = [12, 4], strides = [1, 1]} : vector<48x4xf32> to vector<12x4xf32>
    %slice3A_413 = vector.extract_strided_slice %dot_general3A_408 {offsets = [0, 0], sizes = [4, 4096], strides = [1, 1]} : vector<8x4096xf32> to vector<4x4096xf32>
    %convert_element_type3A_414 = arith.truncf %slice3A_412 : vector<12x4xf32> to vector<12x4xbf16>
    %convert_element_type3A_415 = arith.truncf %slice3A_413 : vector<4x4096xf32> to vector<4x4096xbf16>
    %dot_general3A_416 = arith.constant dense<0.000000e+00> : vector<12x4096xf32>
    %dot_general3A_417 = tpu.matmul %convert_element_type3A_414, %convert_element_type3A_415, %dot_general3A_416 {dimension_numbers = #tpu.dot_dimension_numbers<[1], [0], [0], [1], [0, 0, 1, 1], [], []>, transpose_lhs_hint = false} : vector<12x4xbf16>, vector<4x4096xbf16>, vector<12x4096xf32> -> vector<12x4096xf32>
    %get3A_418 = arith.constant 0 : index
    %get3A_419 = arith.constant 0 : index
    %get3A_420 = vector.load %arg22[%get3A_418, %get3A_419] : memref<48x4xf32, #tpu.memory_space<vmem>>, vector<48x4xf32>
    %slice3A_421 = vector.extract_strided_slice %get3A_420 {offsets = [36, 0], sizes = [12, 4], strides = [1, 1]} : vector<48x4xf32> to vector<12x4xf32>
    %slice3A_422 = vector.extract_strided_slice %dot_general3A_408 {offsets = [4, 0], sizes = [4, 4096], strides = [1, 1]} : vector<8x4096xf32> to vector<4x4096xf32>
    %convert_element_type3A_423 = arith.truncf %slice3A_421 : vector<12x4xf32> to vector<12x4xbf16>
    %convert_element_type3A_424 = arith.truncf %slice3A_422 : vector<4x4096xf32> to vector<4x4096xbf16>
    %dot_general3A_425 = arith.constant dense<0.000000e+00> : vector<12x4096xf32>
    %dot_general3A_426 = tpu.matmul %convert_element_type3A_423, %convert_element_type3A_424, %dot_general3A_425 {dimension_numbers = #tpu.dot_dimension_numbers<[1], [0], [0], [1], [0, 0, 1, 1], [], []>, transpose_lhs_hint = false} : vector<12x4xbf16>, vector<4x4096xbf16>, vector<12x4096xf32> -> vector<12x4096xf32>
    %reduce_max3A_427 = arith.constant dense<0xFF800000> : vector<4096xf32>
    %reduce_max3A_428 = vector.multi_reduction <maximumf>, %dot_general3A_417, %reduce_max3A_427 [0] : vector<12x4096xf32> to vector<4096xf32>
    %broadcast_in_dim3A_429 = vector.shape_cast %reduce_max3A_428 : vector<4096xf32> to vector<1x4096xf32>
    %iota3A_430 = tpu.iota {dimensions = array<i32: 0>} : vector<12x4096xi32>
    %ge3A_431 = vector.broadcast %broadcast_in_dim3A_429 : vector<1x4096xf32> to vector<12x4096xf32>
    %ge3A_432 = arith.cmpf oge, %dot_general3A_417, %ge3A_431 : vector<12x4096xf32>
    %jit3A_433 = arith.constant 12 : i32
    %broadcast_in_dim3A_434 = vector.broadcast %jit3A_433 : i32 to vector<12x4096xi32>
    %select_n3A_435 = arith.select %ge3A_432, %iota3A_430, %broadcast_in_dim3A_434 : vector<12x4096xi1>, vector<12x4096xi32>
    %reduce_min3A_436 = arith.constant dense<2147483647> : vector<4096xi32>
    %reduce_min3A_437 = vector.multi_reduction <minsi>, %select_n3A_435, %reduce_min3A_436 [0] : vector<12x4096xi32> to vector<4096xi32>
    %broadcast_in_dim3A_438 = vector.shape_cast %reduce_min3A_437 : vector<4096xi32> to vector<1x4096xi32>
    %reduce_max3A_439 = arith.constant dense<0xFF800000> : vector<4096xf32>
    %reduce_max3A_440 = vector.multi_reduction <maximumf>, %dot_general3A_426, %reduce_max3A_439 [0] : vector<12x4096xf32> to vector<4096xf32>
    %broadcast_in_dim3A_441 = vector.shape_cast %reduce_max3A_440 : vector<4096xf32> to vector<1x4096xf32>
    %iota3A_442 = tpu.iota {dimensions = array<i32: 0>} : vector<12x4096xi32>
    %ge3A_443 = vector.broadcast %broadcast_in_dim3A_441 : vector<1x4096xf32> to vector<12x4096xf32>
    %ge3A_444 = arith.cmpf oge, %dot_general3A_426, %ge3A_443 : vector<12x4096xf32>
    %jit3A_445 = arith.constant 12 : i32
    %broadcast_in_dim3A_446 = vector.broadcast %jit3A_445 : i32 to vector<12x4096xi32>
    %select_n3A_447 = arith.select %ge3A_444, %iota3A_442, %broadcast_in_dim3A_446 : vector<12x4096xi1>, vector<12x4096xi32>
    %reduce_min3A_448 = arith.constant dense<2147483647> : vector<4096xi32>
    %reduce_min3A_449 = vector.multi_reduction <minsi>, %select_n3A_447, %reduce_min3A_448 [0] : vector<12x4096xi32> to vector<4096xi32>
    %broadcast_in_dim3A_450 = vector.shape_cast %reduce_min3A_449 : vector<4096xi32> to vector<1x4096xi32>
    %add3A_451 = arith.addf %broadcast_in_dim3A_429, %broadcast_in_dim3A_441 : vector<1x4096xf32>
    %mul3A_452 = arith.constant 12 : i32
    %mul3A_453 = vector.broadcast %mul3A_452 : i32 to vector<1x4096xi32>
    %mul3A_454 = arith.muli %broadcast_in_dim3A_438, %mul3A_453 : vector<1x4096xi32>
    %add3A_455 = arith.addi %mul3A_454, %broadcast_in_dim3A_450 : vector<1x4096xi32>
    %iota3A_456 = tpu.iota {dimensions = array<i32: 0>} : vector<144x4096xi32>
    %eq3A_457 = vector.broadcast %add3A_455 : vector<1x4096xi32> to vector<144x4096xi32>
    %eq3A_458 = arith.cmpi eq, %iota3A_456, %eq3A_457 : vector<144x4096xi32>
    %convert_element_type3A_459 = arith.extui %eq3A_458 : vector<144x4096xi1> to vector<144x4096xi32>
    %convert_element_type3A_460 = arith.sitofp %convert_element_type3A_459 : vector<144x4096xi32> to vector<144x4096xf32>
    %get3A_461 = arith.constant 0 : index
    %get3A_462 = arith.constant 0 : index
    %get3A_463 = vector.load %arg23[%get3A_461, %get3A_462] : memref<49x144xf32, #tpu.memory_space<vmem>>, vector<49x144xf32>
    %dot_general3A_464 = arith.constant dense<0.000000e+00> : vector<49x4096xf32>
    %dot_general3A_465 = tpu.matmul %get3A_463, %convert_element_type3A_460, %dot_general3A_464 {dimension_numbers = #tpu.dot_dimension_numbers<[1], [0], [0], [1], [0, 0, 1, 1], [], []>, precision = #tpu.contract_precision<fp32>, transpose_lhs_hint = false} : vector<49x144xf32>, vector<144x4096xf32>, vector<49x4096xf32> -> vector<49x4096xf32>
    %slice3A_466 = vector.extract_strided_slice %dot_general3A_465 {offsets = [0, 0], sizes = [16, 4096], strides = [1, 1]} : vector<49x4096xf32> to vector<16x4096xf32>
    %slice3A_467 = vector.extract_strided_slice %dot_general3A_465 {offsets = [16, 0], sizes = [16, 4096], strides = [1, 1]} : vector<49x4096xf32> to vector<16x4096xf32>
    %slice3A_468 = vector.extract_strided_slice %dot_general3A_465 {offsets = [32, 0], sizes = [16, 4096], strides = [1, 1]} : vector<49x4096xf32> to vector<16x4096xf32>
    %slice3A_469 = vector.extract_strided_slice %dot_general3A_465 {offsets = [48, 0], sizes = [1, 4096], strides = [1, 1]} : vector<49x4096xf32> to vector<1x4096xf32>
    %mul3A_470 = vector.broadcast %get3A_1 : vector<1x4096xf32> to vector<16x4096xf32>
    %mul3A_471 = arith.mulf %slice3A_466, %mul3A_470 : vector<16x4096xf32>
    %add3A_472 = arith.addf %mul3A_471, %slice3A_467 : vector<16x4096xf32>
    %max3A_473 = arith.constant 0.000000e+00 : f32
    %max3A_474 = vector.broadcast %max3A_473 : f32 to vector<16x4096xf32>
    %max3A_475 = arith.maximumf %add3A_472, %max3A_474 : vector<16x4096xf32>
    %mul3A_476 = arith.mulf %slice3A_468, %max3A_475 : vector<16x4096xf32>
    %reduce_sum3A_477 = arith.constant dense<0.000000e+00> : vector<4096xf32>
    %reduce_sum3A_478 = vector.multi_reduction <add>, %mul3A_476, %reduce_sum3A_477 [0] : vector<16x4096xf32> to vector<4096xf32>
    %broadcast_in_dim3A_479 = vector.shape_cast %reduce_sum3A_478 : vector<4096xf32> to vector<1x4096xf32>
    %add3A_480 = arith.addf %broadcast_in_dim3A_479, %slice3A_469 : vector<1x4096xf32>
    %neg3A_481 = arith.constant 0.000000e+00 : f32
    %neg3A_482 = vector.broadcast %neg3A_481 : f32 to vector<1x4096xf32>
    %neg3A_483 = arith.subf %neg3A_482, %add3A_451 : vector<1x4096xf32>
    %exp3A_484 = math.exp %neg3A_483 : vector<1x4096xf32>
    %add3A_485 = arith.constant 1.000000e+00 : f32
    %add3A_486 = vector.broadcast %add3A_485 : f32 to vector<1x4096xf32>
    %add3A_487 = arith.addf %add3A_486, %exp3A_484 : vector<1x4096xf32>
    %div3A_488 = arith.constant 1.000000e+00 : f32
    %div3A_489 = vector.broadcast %div3A_488 : f32 to vector<1x4096xf32>
    %div3A_490 = arith.divf %div3A_489, %add3A_487 : vector<1x4096xf32>
    %mul3A_491 = arith.mulf %div3A_490, %add3A_480 : vector<1x4096xf32>
    %add3A_492 = arith.addf %add3A_400, %mul3A_491 : vector<1x4096xf32>
    %mul3A_493 = arith.constant 2.500000e-02 : f32
    %mul3A_494 = vector.broadcast %mul3A_493 : f32 to vector<1x4096xf32>
    %mul3A_495 = arith.mulf %mul3A_494, %add3A_492 : vector<1x4096xf32>
    %add3A_496 = arith.addf %get3A_1, %mul3A_495 : vector<1x4096xf32>
    %swap3A = arith.constant 0 : index
    %swap3A_497 = arith.constant 0 : index
    %swap3A_498 = vector.load %arg24[%swap3A, %swap3A_497] : memref<1x4096xf32, #tpu.memory_space<vmem>>, vector<1x4096xf32>
    tpu.vector_store %arg24[%swap3A, %swap3A_497], %add3A_496 {strides = array<i32>} : memref<1x4096xf32, #tpu.memory_space<vmem>>, vector<1x4096xf32>,
    %swap3A_499 = arith.constant 0 : index
    %swap3A_500 = arith.constant 0 : index
    %swap3A_501 = vector.load %arg25[%swap3A_499, %swap3A_500] : memref<4x4096xf32, #tpu.memory_space<vmem>>, vector<4x4096xf32>
    tpu.vector_store %arg25[%swap3A_499, %swap3A_500], %add3A_132 {strides = array<i32>} : memref<4x4096xf32, #tpu.memory_space<vmem>>, vector<4x4096xf32>,
    return
  }
  func.func @transform_0(%arg0: i32) -> (i32, i32) {
    %c0_i32 = arith.constant 0 : i32
    %c0_i32_0 = arith.constant 0 : i32
    return %c0_i32, %arg0 : i32, i32
  }
  func.func @transform_1(%arg0: i32) -> (i32, i32) {
    %c0_i32 = arith.constant 0 : i32
    %c0_i32_0 = arith.constant 0 : i32
    return %c0_i32, %arg0 : i32, i32
  }
  func.func @transform_2(%arg0: i32) -> (i32, i32) {
    %c0_i32 = arith.constant 0 : i32
    %c0_i32_0 = arith.constant 0 : i32
    return %c0_i32, %arg0 : i32, i32
  }
  func.func @transform_3(%arg0: i32) -> (i32, i32) {
    %c0_i32 = arith.constant 0 : i32
    %c0_i32_0 = arith.constant 0 : i32
    return %c0_i32, %arg0 : i32, i32
  }
  func.func @transform_4(%arg0: i32) -> (i32, i32) {
    %c0_i32 = arith.constant 0 : i32
    %c0_i32_0 = arith.constant 0 : i32
    return %c0_i32, %arg0 : i32, i32
  }
  func.func @transform_5(%arg0: i32) -> (i32, i32) {
    %c0_i32 = arith.constant 0 : i32
    %c0_i32_0 = arith.constant 0 : i32
    return %c0_i32, %arg0 : i32, i32
  }
  func.func @transform_6(%arg0: i32) -> (i32, i32) {
    %c0_i32 = arith.constant 0 : i32
    %c0_i32_0 = arith.constant 0 : i32
    return %c0_i32, %arg0 : i32, i32
  }
  func.func @transform_7(%arg0: i32) -> (i32, i32) {
    %c0_i32 = arith.constant 0 : i32
    %c0_i32_0 = arith.constant 0 : i32
    return %c0_i32, %arg0 : i32, i32
  }
  func.func @transform_8(%arg0: i32) -> (i32, i32) {
    %c0_i32 = arith.constant 0 : i32
    %c0_i32_0 = arith.constant 0 : i32
    return %c0_i32, %arg0 : i32, i32
  }
  func.func @transform_9(%arg0: i32) -> (i32, i32) {
    %c0_i32 = arith.constant 0 : i32
    %c0_i32_0 = arith.constant 0 : i32
    %c0_i32_1 = arith.constant 0 : i32
    return %c0_i32, %c0_i32_0 : i32, i32
  }
  func.func @transform_10(%arg0: i32) -> (i32, i32) {
    %c0_i32 = arith.constant 0 : i32
    %c0_i32_0 = arith.constant 0 : i32
    %c0_i32_1 = arith.constant 0 : i32
    return %c0_i32, %c0_i32_0 : i32, i32
  }
  func.func @transform_11(%arg0: i32) -> (i32, i32) {
    %c0_i32 = arith.constant 0 : i32
    %c0_i32_0 = arith.constant 0 : i32
    %c0_i32_1 = arith.constant 0 : i32
    return %c0_i32, %c0_i32_0 : i32, i32
  }
  func.func @transform_12(%arg0: i32) -> (i32, i32) {
    %c0_i32 = arith.constant 0 : i32
    %c0_i32_0 = arith.constant 0 : i32
    %c0_i32_1 = arith.constant 0 : i32
    return %c0_i32, %c0_i32_0 : i32, i32
  }
  func.func @transform_13(%arg0: i32) -> (i32, i32) {
    %c0_i32 = arith.constant 0 : i32
    %c0_i32_0 = arith.constant 0 : i32
    %c0_i32_1 = arith.constant 0 : i32
    return %c0_i32, %c0_i32_0 : i32, i32
  }
  func.func @transform_14(%arg0: i32) -> (i32, i32) {
    %c0_i32 = arith.constant 0 : i32
    %c0_i32_0 = arith.constant 0 : i32
    %c0_i32_1 = arith.constant 0 : i32
    return %c0_i32, %c0_i32_0 : i32, i32
  }
  func.func @transform_15(%arg0: i32) -> (i32, i32) {
    %c0_i32 = arith.constant 0 : i32
    %c0_i32_0 = arith.constant 0 : i32
    %c0_i32_1 = arith.constant 0 : i32
    return %c0_i32, %c0_i32_0 : i32, i32
  }
  func.func @transform_16(%arg0: i32) -> (i32, i32) {
    %c0_i32 = arith.constant 0 : i32
    %c0_i32_0 = arith.constant 0 : i32
    %c0_i32_1 = arith.constant 0 : i32
    return %c0_i32, %c0_i32_0 : i32, i32
  }
  func.func @transform_17(%arg0: i32) -> (i32, i32) {
    %c0_i32 = arith.constant 0 : i32
    %c0_i32_0 = arith.constant 0 : i32
    %c0_i32_1 = arith.constant 0 : i32
    return %c0_i32, %c0_i32_0 : i32, i32
  }
  func.func @transform_18(%arg0: i32) -> (i32, i32) {
    %c0_i32 = arith.constant 0 : i32
    %c0_i32_0 = arith.constant 0 : i32
    %c0_i32_1 = arith.constant 0 : i32
    return %c0_i32, %c0_i32_0 : i32, i32
  }
  func.func @transform_19(%arg0: i32) -> (i32, i32) {
    %c0_i32 = arith.constant 0 : i32
    %c0_i32_0 = arith.constant 0 : i32
    %c0_i32_1 = arith.constant 0 : i32
    return %c0_i32, %c0_i32_0 : i32, i32
  }
  func.func @transform_20(%arg0: i32) -> (i32, i32) {
    %c0_i32 = arith.constant 0 : i32
    %c0_i32_0 = arith.constant 0 : i32
    %c0_i32_1 = arith.constant 0 : i32
    return %c0_i32, %c0_i32_0 : i32, i32
  }
  func.func @transform_21(%arg0: i32) -> (i32, i32) {
    %c0_i32 = arith.constant 0 : i32
    %c0_i32_0 = arith.constant 0 : i32
    %c0_i32_1 = arith.constant 0 : i32
    return %c0_i32, %c0_i32_0 : i32, i32
  }
  func.func @transform_22(%arg0: i32) -> (i32, i32) {
    %c0_i32 = arith.constant 0 : i32
    %c0_i32_0 = arith.constant 0 : i32
    %c0_i32_1 = arith.constant 0 : i32
    return %c0_i32, %c0_i32_0 : i32, i32
  }
  func.func @transform_23(%arg0: i32) -> (i32, i32) {
    %c0_i32 = arith.constant 0 : i32
    %c0_i32_0 = arith.constant 0 : i32
    return %c0_i32, %arg0 : i32, i32
  }
  func.func @transform_24(%arg0: i32) -> (i32, i32) {
    %c0_i32 = arith.constant 0 : i32
    %c0_i32_0 = arith.constant 0 : i32
    return %c0_i32, %arg0 : i32, i32
  }
}

</mosaic_0001>

<sc_bundles>
// kernel: gather_offload_async_start.1
scs
__scs_entry_jumppad:
0x0: {  	(pc) =	sbr.rel $0x88, $3  }
0x1: {  	(tag) =	ssettag $0x0;
	lr =	simm.s32 $0x1  }
0x2: {  	[smem:$0x3F7B] =	sst lr;
	_ =	strace $0xD0000000  }
0x3: {  	_ = 	snop  }
0x4: {  	_ = 	snop  }
0x5: {  	_ = 	snop  }
0x6: {  	_ = 	snop  }
0x7: {  	_ = 	snop  }
__scs_overlays_trampoline_lowered:
0x8: {  	[smem:$0x3F8A] =	sst s0  }
0x9: {  	[smem:$0x3F8B] =	sst s1  }
0xa: {  	[smem:$0x3F8C] =	sst s2  }
0xb: {  	[smem:$0x3F8D] =	sst s3  }
0xc: {  	[smem:$0x3F8E] =	sst s4  }
0xd: {  	[smem:$0x3F8F] =	sst s5  }
0xe: {  	[smem:$0x3F90] =	sst s6  }
0xf: {  	[smem:$0x3F91] =	sst s7  }
0x10: {  	[smem:$0x3F92] =	sst s8  }
0x11: {  	[smem:$0x3F93] =	sst s9;
	s0 =	simm.s32 @!p0 $0x0  }
0x12: {  	s1 =	sld [smem:$0x3F79];
	s0 =	simm.s32 @p0 $0x1  }
0x13: {  	[smem:$0x3F94] =	sst s0;
	s0 =	simm.s32 @!p1 $0x0  }
0x14: {  	s2 =	sld [smem:$0x3F78];
	s0 =	simm.s32 @p1 $0x1  }
0x15: {  	[smem:$0x3F95] =	sst s0;
	s0 =	simm.s32 @!p2 $0x0  }
0x16: {  	s3 =	sld [smem:$0x3FDB];
	s0 =	simm.s32 @p2 $0x1  }
0x17: {  	s4 =	simm.s32 $0x1BF5;
	[smem:$0x3F97] =	sst s0  }
0x18: {  	s0 =	sld [smem:$0x3F7A];
	_ =	swait.ge [sflag:s4], $0x0  }
0x19: {  	s7 =	sld [smem:$0x3F7B]  }
0x1a: {  	s8 =	sadd.s32 $0xFFFFE003, lr  }
0x1b: {  	s9 =	sadd.s32 $0xFFFFFEF7, lr;
	s5 =	simm.s32 $0xFFFFFFFF;
	p2 =	slt.u32 s8, $0xFFFFF086  }
0x1c: {  	p1 =	slt.u32 s9, $0xF7A;
	s5 =	simm.s32 @!p2 $0x0  }
0x1d: {  	s5 =	simm.s32 @p1 $0x1;
	p0 =	seq.s32 s7, s2  }
0x1e: {  	s7 =	smul.u32 @!p0 $0xF7A, s2;
	p2 =	seq.s32 @!p0 s5, $0x0  }
0x1f: {  	s9 =	smul.u32 $0xF7A, s1;
	s8 =	simm.s32 @!p0 $0x1BF5;
	p2 =	por !p2, p0  }
0x20: {  	[sflag:s8] =	ssyncset.s32 @!p0 $0xFFFFF086;
	s6 =	sadd.s32 @!p0 s3, s7;
	s7 =	simm.s32 @!p0 $0x108  }
0x21: {  	s3 =	sadd.s32 s3, s9;
	s6 =	sadd.s32 @!p0 $0x88, s6;
	s7 =	simm.s32 @p2 $0x1082  }
0x22: {  	[simem:s7], [sflag:s8] =	dma.local @!p0 [hbm:s6], $0xF7A  }
0x23: {  	s9 =	sor.u32 $0xD0000000, s2;
	s6 =	simm.s32 $0x108;
	_ =	swait.ge @!p0 [sflag:s8], $0x0  }
0x24: {  	s3 =	sadd.s32 $0x88, s3;
	s6 =	simm.s32 @!p1 $0x1082;
	[sflag:s4] =	ssyncset.s32 $0xFFFFF086  }
0x25: {  	[simem:s6], [sflag:s4] =	dma.local [hbm:s3], $0xF7A  }
0x26: {  	[smem:$0x3F7B] =	sst s1;
	(tag) =	ssettag s2;
	_ =	strace s9  }
0x27: {  	s1 =	sld [smem:$0x3F8B]  }
0x28: {  	s2 =	sld [smem:$0x3F8C]  }
0x29: {  	s4 =	sld [smem:$0x3F8E]  }
0x2a: {  	p0 =	seq.s32 s5, $0x0;
	s5 =	sld [smem:$0x3F8F]  }
0x2b: {  	s6 =	sld [smem:$0x3F90]  }
0x2c: {  	s7 =	sld [smem:$0x3F91]  }
0x2d: {  	s3 =	simm.s32 $0x108;
	s8 =	sld [smem:$0x3F92]  }
0x2e: {  	s3 =	simm.s32 @!p0 $0x1082;
	s9 =	sld [smem:$0x3F93]  }
0x2f: {  	lr =	sadd.s32 s0, s3;
	s0 =	sld [smem:$0x3F8A]  }
0x30: {  	s3 =	sld [smem:$0x3F8D]  }
0x31: {  	[smem:$0x3F96] =	sst s10  }
0x32: {  	s10 =	sld [smem:$0x3F94];
	_ =	sdelay $0x3  }
0x33: {  	p0 =	seq.s32 s10, $0x1;
	s10 =	sld [smem:$0x3F96];
	_ =	sdelay $0x3  }
0x34: {  	[smem:$0x3F96] =	sst s10  }
0x35: {  	s10 =	sld [smem:$0x3F95];
	_ =	sdelay $0x3  }
0x36: {  	p1 =	seq.s32 s10, $0x1;
	s10 =	sld [smem:$0x3F96];
	_ =	sdelay $0x3  }
0x37: {  	[smem:$0x3F96] =	sst s10  }
0x38: {  	s10 =	sld [smem:$0x3F97]  }
0x39: {  	_ = 	snop;
	(pc) =	sbr.ind lr, $3  }
0x3a: {  	_ = 	snop  }
0x3b: {  	_ = 	snop  }
0x3c: {  	p2 =	seq.s32 s10, $0x1;
	s10 =	sld [smem:$0x3F96]  }
0x3d: {  	_ =	shalt  }
0x3e: {  	_ =	shalt  }
0x3f: {  	_ =	shalt  }
0x40: {  	_ =	shalt  }
0x41: {  	_ =	shalt  }
0x42: {  	_ =	shalt  }
0x43: {  	_ =	shalt  }
0x44: {  	_ =	shalt  }
0x45: {  	_ =	shalt  }
0x46: {  	_ =	shalt  }
0x47: {  	_ =	shalt  }
0x48: {  	_ =	shalt  }
0x49: {  	_ =	shalt  }
0x4a: {  	_ =	shalt  }
0x4b: {  	_ =	shalt  }
0x4c: {  	_ =	shalt  }
0x4d: {  	_ =	shalt  }
0x4e: {  	_ =	shalt  }
0x4f: {  	_ =	shalt  }
0x50: {  	_ =	shalt  }
0x51: {  	_ =	shalt  }
0x52: {  	_ =	shalt  }
0x53: {  	_ =	shalt  }
0x54: {  	_ =	shalt  }
0x55: {  	_ =	shalt  }
0x56: {  	_ =	shalt  }
0x57: {  	_ =	shalt  }
0x58: {  	_ =	shalt  }
0x59: {  	_ =	shalt  }
0x5a: {  	_ =	shalt  }
0x5b: {  	_ =	shalt  }
0x5c: {  	_ =	shalt  }
0x5d: {  	_ =	shalt  }
0x5e: {  	_ =	shalt  }
0x5f: {  	_ =	shalt  }
0x60: {  	_ =	shalt  }
0x61: {  	_ =	shalt  }
0x62: {  	_ =	shalt  }
0x63: {  	_ =	shalt  }
0x64: {  	_ =	shalt  }
0x65: {  	_ =	shalt  }
0x66: {  	_ =	shalt  }
0x67: {  	_ =	shalt  }
0x68: {  	_ =	shalt  }
0x69: {  	_ =	shalt  }
0x6a: {  	_ =	shalt  }
0x6b: {  	_ =	shalt  }
0x6c: {  	_ =	shalt  }
0x6d: {  	_ =	shalt  }
0x6e: {  	_ =	shalt  }
0x6f: {  	_ =	shalt  }
0x70: {  	_ =	shalt  }
0x71: {  	_ =	shalt  }
0x72: {  	_ =	shalt  }
0x73: {  	_ =	shalt  }
0x74: {  	_ =	shalt  }
0x75: {  	_ =	shalt  }
0x76: {  	_ =	shalt  }
0x77: {  	_ =	shalt  }
0x78: {  	_ =	shalt  }
0x79: {  	_ =	shalt  }
0x7a: {  	_ =	shalt  }
0x7b: {  	_ =	shalt  }
0x7c: {  	_ =	shalt  }
0x7d: {  	_ =	shalt  }
0x7e: {  	_ =	shalt  }
0x7f: {  	_ =	shalt  }
0x80: {  	_ =	shalt  }
0x81: {  	_ =	shalt  }
0x82: {  	_ =	shalt  }
0x83: {  	_ =	shalt  }
0x84: {  	_ =	shalt  }
0x85: {  	_ =	shalt  }
0x86: {  	_ =	shalt  }
0x87: {  	_ =	shalt  }
.Lfunc_end0:
.L_simem_size_0:
called_computation.1_lowered:
.L_overlay_start_0:
0x88: {  	s2 =	sld [smem:$0x3FD9]  }
0x89: {  	s3 =	sld [smem:$0x3FFE];
	_ =	sdelay $0x1  }
0x8a: {  	s1 =	srdreg.scid  }
0x8b: {  	s0 =	sand.u32 $0x1, s1  }
0x8c: {  	s14 =	sshll.u32 s0, $0xA;
	s2 =	sadd.s32 s3, s2  }
0x8d: {  	s2 =	sadd.s32 s2, s14  }
0x8e: {  	[smem:$0x3FA2] =	sst s2  }
0x8f: {  	_ = 	snop  }
0x90: {  	s2 =	sld [smem:$0x3FD0];
	_ =	sdelay $0x2  }
0x91: {  	s4 =	simm.s32 $0xB;
	s5 =	simm.s32 $0x10;
	s15 =	sld [smem:$0x3FC8]  }
0x92: {  	[smem:s5], [sflag:s4] =	dma.local [hbm:s2], $0x1  }
0x93: {  	_ =	swait.eq [sflag:s4], $0x1  }
0x94: {  	[sflag:s4] =	ssyncset.done $0x0  }
0x95: {  	[sflag:s4] =	ssyncadd.s32 $0xFFFFFFFF  }
0x96: {  	s16 =	sld [smem:$0x10];
	(tm) =	ssettm $0x1  }
0x97: {  	s17 =	sld [smem:$0x3FFB];
	_ =	sdelay $0x3  }
0x98: {  	_ =	strace s17  }
0x99: {  	s4 =	sld [smem:$0x3FFC];
	_ =	sdelay $0x3  }
0x9a: {  	_ =	strace s4  }
0x9b: {  	s4 =	sld [smem:$0x3FFD];
	_ =	sdelay $0x3  }
0x9c: {  	_ =	strace s4  }
0x9d: {  	_ =	strace $0x8FFFFFFF  }
0x9e: {  	s18 =	sld [smem:$0x3FDB];
	_ =	sdelay $0x1  }
0x9f: {  	s19 =	simm.s32 $_scs_section_size  }
0xa0: {  	s6 =	simm.s32 $_size__tile_overlayer_lowered;
	s7 =	simm.s32 $_tile_overlayer_lowered  }
0xa1: {  	s22 =	simm.s32 $0x1BFF;
	s21 =	sshll.u32 s7, $0x1;
	s4 =	sadd.s32 s19, s18  }
0xa2: {  	s8 =	simm.s32 $0x0;
	s20 =	sshll.u32 s6, $0x1;
	s6 =	sadd.s32 s21, s4  }
0xa3: {  	[timem:s8], [sflag:s22] =	dma.local [hbm:s6], s20  }
0xa4: {  	_ =	swait.ge [sflag:s22], s20  }
0xa5: {  	s5 =	ssub.s32 $0x0, s20;
	[sflag:s22] =	ssyncset.done $0x0  }
0xa6: {  	[sflag:s22] =	ssyncadd.s32 s5;
	_ =	sdelay $0x1  }
0xa7: {  	s23 =	simm.s32 $0x1B8B  }
0xa8: {  	_ =	swait.ge [sflag:s23], $0x1  }
0xa9: {  	[sflag:s23] =	ssyncset.done $0x0  }
0xaa: {  	s25 =	simm.s32 $0x1B8E;
	s24 =	sld [smem:$0x3FFE];
	[sflag:s23] =	ssyncadd.s32 $0xFFFFFFFF  }
0xab: {  	s26 =	simm.s32 $execute0_lowered;
	[smem:$0x3FD2] =	sst s25  }
0xac: {  	s6 =	sshll.u32 s26, $0x1;
	_ =	strace $0x80000046;
	[dreg:$0x1] =	wrdreg $0xFFFFFFFF  }
0xad: {  	s28 =	simm.s32 $_size_execute0_lowered;
	s4 =	sadd.s32 s4, s6;
	[dreg:$0x0] =	wrdreg $0x0  }
0xae: {  	s6 =	sshll.u32 s28, $0x1;
	[dreg:$0x2] =	wrdreg s4  }
0xaf: {  	[dreg:$0x3] =	wrdreg s6  }
0xb0: {  	[dreg:$0x4] =	wrdreg $0xC0  }
0xb1: {  	_ =	task [dreg:s8], $0x5FFFF  }
0xb2: {  	[dreg:$0x1] =	wrdreg $0xFFFFFFFF  }
0xb3: {  	[dreg:$0x0] =	wrdreg $0x60  }
0xb4: {  	[dreg:$0x2] =	wrdreg s15  }
0xb5: {  	[dreg:$0x3] =	wrdreg s16  }
0xb6: {  	[dreg:$0x4] =	wrdreg s24  }
0xb7: {  	[dreg:$0x5] =	wrdreg $0xA  }
0xb8: {  	_ =	task.clear_ibuf [dreg:s8], $0x6FFFF;
	_ =	strace $0x90000046  }
0xb9: {  	s29 =	simm.s32 $0xA;
	_ =	strace $0x80000048  }
0xba: {  	_ =	swait.ge [sflag:s29], $0x1  }
0xbb: {  	[sflag:s29] =	ssyncadd.s32 $0xFFFFFFFF  }
0xbc: {  	_ =	strace $0x90000048  }
0xbd: {  	_ =	sfence  }
0xbe: {  	s30 =	sld [smem:$0x0];
	_ =	sdelay $0x2  }
0xbf: {  	s31 =	sshll.u32 s1, $0xD;
	s1 =	sshrl.u32 s1, $0x2  }
0xc0: {  	s3 =	sand.u32 $0x4000, s31;
	s1 =	sadd.s32 s1, s30  }
0xc1: {  	s0 =	sor.u32 s3, s0;
	s1 =	sshll.u32 s1, $0x11  }
0xc2: {  	s0 =	sor.u32 s1, s0  }
0xc3: {  	s0 =	sadd.s32 $0x8F2B, s0  }
0xc4: {  	[sflag:s0] =	ssyncadd.remote.s32 $0x1  }
0xc5: {  	_ =	sfence.sel $0xFFFF  }
0xc6: {  	[dreg:$0x0] =	wrdreg $0xFFFFFFFF;
	(pc) =	sbr.abs _section_cstart, $3  }
0xc7: {  	[dreg:$0x1] =	wrdreg $0xFFFFFFFF  }
0xc8: {  	_ =	task.clear_ibuf [dreg:s8], $0x2FFFF;
	_ =	strace $0x9FFFFFFF  }
0xc9: {  	(tm) =	ssettm $0x7FFFFFFF  }
tec
execute0_lowered:
.L_overlay_start_1:
0x0: {  	(tag) =	ssettag $0x1  }
0x1: {  	s2 =	rddreg [dreg:$0x0]  }
0x2: {  	s1 =	srdreg.scid;
	s3 =	rddreg [dreg:$0x1]  }
0x3: {  	s0 =	stileid.u32;
	s5 =	rddreg [dreg:$0x2]  }
0x4: {  	s9 =	simm.s32 $0x1;
	s10 =	simm.s32 $0x3;
	s1 =	sshll.u32 s1, $0xA  }
0x5: {  	s13 =	simm.s32 $0x0;
	s4 =	sshll.u32 s0, $0xB;
	s6 =	sand.u32 $0x400, s1  }
0x6: {  	s12 =	simm.s32 $0x0;
	s5 =	sadd.s32 $0x109A00, s5;
	s4 =	sor.u32 s4, s6  }
0x7: {  	s1 =	rddreg [dreg:$0x3];
	_ =	strace $0x80000047;
	s8 =	ssub.s32 $0x10000, s4  }
.Ltmp0:
0x8: {  	s6 =	simm.s32 $0x1;
	s7 =	sand.u32 $0x7C00, s8;
	(pc) =	sbr.rel .LBB2_1-.Ltmp0, $4  }
0x9: {  	[sflag:s6] =	ssyncpa.u1 $0x0;
	s11 =	smov.u32 s4;
	p0 =	sne.s32 s7, $0x0  }
0xa: {  	s8 =	sshrl.u32 s8, $0xF;
	s7 =	simm.s32 $0x2;
	s9 =	simm.s32 @!p0 $0x0  }
0xb: {  	[sflag:s7] =	ssyncpa.u1 $0x0;
	p0 =	por $0x0, $0x0;
	s8 =	sadd.s32 s9, s8  }
0xc: {  	vm0 =	vmmov $0xffff;
	[sflag:s10] =	ssyncpa.u1 $0x0;
	s10 =	simm.s32 $0x0;
	s9 =	sadd.s32 $0x1, s8  }
.LBB2_4:
0xd: {  	v2 =	vnsel vm1, $0x0, v2  }
0xe: {  	vm1 =	vgt.s32 v0, $0x0;
	v2 =	vmin.u32 v2, $0xFFFF  }
0xf: {  	v0 =	vnsel vm1, $0x0, v0  }
0x10: {  	v0 =	vmin.u32 v0, $0xFFFF  }
0x11: {  	[tilespmem:s15], [sflag:$0x1] =	stream.indirect_vreg.gather [hbm4b:s2+s10], $0x1, v1, vm0, $0x4038;
	[tilespmem:$0x1000] =	vst v63  }
0x12: {  	(ifvalue) =	ssetifvalue $0x7FFFFFFF  }
0x13: {  	[tilespmem:s16], [sflag:$0x1] =	stream.indirect_vreg.gather [hbm4b:s2+s10], $0x1, v2, vm0, $0x4038;
	[tilespmem:$0x1000] =	vst v63  }
0x14: {  	s29 =	sadd.s32 $0x10, s16;
	(ifvalue) =	ssetifvalue $0x7FFFFFFF  }
0x15: {  	[tilespmem:s29], [sflag:$0x1] =	stream.indirect_vreg.gather [hbm4b:s2+s10], $0x1, v0, vm0, $0x4038;
	[tilespmem:$0x1000] =	vst v63  }
0x16: {  	_ =	swait.ge [sflag:s6], $0x400  }
0x17: {  	s30 =	sshrl.u32 s13, $0x3;
	[sflag:s6] =	ssyncset.done $0x0  }
0x18: {  	s31 =	sand.u32 $0x7, s13;
	s15 =	sadd.s32 s5, s30;
	[sflag:s6] =	ssyncadd.s32 $0xFFFFFC00  }
0x19: {  	[hbm4b:s15+s31] =	stream.linear.scatter [tilespmem:s14], [sflag:$0x3], $0x400, $0x38;
	[tilespmem:$0x1000] =	vst v63  }
.LBB2_5:
0x1a: {  	s15 =	sadd.s32 $0x8000, s11  }
0x1b: {  	p2 =	sgt.s32 s15, $0xFFFF  }
0x1c: {  	s15 =	smov.u32 @p2 s4;
	p2 =	sne.s32 s12, s9  }
.Ltmp1:
0x1d: {  	p1 =	slt.u32 s12, $0x2;
	(pc) =	sbr.rel @!p2 .LBB2_6-.Ltmp1, $4  }
0x1e: {  	s14 =	simm.s32 @!p1 $0x3  }
0x1f: {  	s16 =	sadd.s32 $0x1, s12;
	_ =	swait.ge @!p1 [sflag:s14], $0x400  }
0x20: {  	s13 =	smov.u32 s11;
	p0 =	por !p0, !p0;
	[sflag:s14] =	ssyncset.done @!p1 $0x0  }
0x21: {  	s12 =	smov.u32 s16;
	s11 =	smov.u32 s15;
	[sflag:s14] =	ssyncadd.s32 @!p1 $0xFFFFFC00  }
.LBB2_1:
0x22: {  	p1 =	sge.u32 s12, s8  }
0x23: {  	s14 =	sxor.u32 @!p1 $0xFFFFFFFF, s12  }
0x24: {  	s31 =	sadd.s32 $0xFFFFFFFF, s12;
	s15 =	sshrl.u32 @!p1 s11, $0x3;
	s14 =	sshll.u32 @!p1 s14, $0xA  }
0x25: {  	s16 =	sand.u32 @!p1 $0x7, s11;
	s15 =	sadd.s32 @!p1 s3, s15;
	s14 =	sand.u32 @!p1 $0x400, s14  }
0x26: {  	[tilespmem:s14], [sflag:$0x2] =	stream.linear.gather @!p1 [hbm4b:s15+s16], $0x400, $0x38;
	[tilespmem:$0x1000] =	vst v63  }
0x27: {  	p1 =	sge.u32 s31, s8  }
.Ltmp2:
0x28: {  	_ = 	snop;
	(pc) =	sbr.rel @p1 .LBB2_5-.Ltmp2, $1  }
0x29: {  	_ =	sdelay $0x3  }
0x2a: {  	s14 =	simm.s32 $0x1  }
0x2b: {  	_ =	swait.ge [sflag:s7], $0x400;
	s14 =	simm.s32 @!p0 $0x0  }
0x2c: {  	[sflag:s7] =	ssyncset.done $0x0;
	s14 =	sshll.u32 s14, $0xA  }
0x2d: {  	[sflag:s7] =	ssyncadd.s32 $0xFFFFFC00;
	(ifvalue) =	ssetifvalue $0x7FFFFFFF;
	v0 =	vld.msk [tilespmem:s14+$0x0 ss:$0x1], $0xffff;
	_ =	sdelay $0x4  }
0x2e: {  	s15 =	sadd.s32 $0x10, s14;
	vm1 =	vgt.s32 v0, $0x0  }
0x2f: {  	v2 =	vld.msk [tilespmem:s15+$0x0 ss:$0x1], $0xffff;
	v1 =	vnsel vm1, $0x0, v0  }
0x30: {  	v1 =	vmin.u32 v1, $0xFFFF;
	_ =	sdelay $0x1  }
0x31: {  	s16 =	sshll.u32 s12, $0xA;
	s18 =	simm.s32 $0x20  }
0x32: {  	s16 =	sand.u32 $0x400, s16;
	s17 =	sadd.s32 $0x10, s15;
	s15 =	sor.u32 $0x800, s14  }
0x33: {  	s14 =	sor.u32 $0x800, s16;
	s16 =	sadd.s32 $0x10, s15;
	v0 =	vld.msk [tilespmem:s17+$0x0 ss:$0x1], $0xffff;
	vm1 =	vgt.s32 v2, $0x0;
	(ifvalue) =	ssetifvalue $0x7FFFFFFF  }
.LBB2_3:
0x34: {  	[tilespmem:s15], [sflag:$0x1] =	stream.indirect_vreg.gather [hbm4b:s2+s10], $0x1, v1, vm0, $0x4038;
	[tilespmem:$0x1000] =	vst v63  }
0x35: {  	s18 =	sadd.s32 $0x10, s18  }
0x36: {  	v2 =	vnsel vm1, $0x0, v2;
	p1 =	slt.u32 s18, $0x3F0  }
.Ltmp3:
0x37: {  	s15 =	smov.u32 s16;
	v1 =	vmin.u32 v2, $0xFFFF;
	(pc) =	sbr.rel @p1 .LBB2_3-.Ltmp3, $3  }
0x38: {  	_ =	sdelay $0x1  }
0x39: {  	s17 =	sadd.s32 $0x10, s17  }
0x3a: {  	vm1 =	vgt.s32 v0, $0x0;
	s16 =	sadd.s32 $0x10, s16;
	v2 =	vmov v0;
	(ifvalue) =	ssetifvalue $0x7FFFFFFF;
	v0 =	vld.msk [tilespmem:s17+$0x0 ss:$0x1], $0xffff  }
.Ltmp4:
0x3b: {  	_ = 	snop;
	(pc) =	sbr.rel .LBB2_4-.Ltmp4, $1  }
0x3c: {  	_ =	sdelay $0x3  }
.LBB2_6:
0x3d: {  	_ =	sfence.sel $0x180000  }
0x3e: {  	s2 =	simm.s32 $0x2;
	[bflag:$0x0] =	sbarrier.arrive $0xFFFF  }
0x3f: {  	s30 =	simm.s32 $0x3;
	[sflag:s2] =	ssyncpa.u1 $0x1  }
0x40: {  	s31 =	simm.s32 $0x1;
	[sflag:s30] =	ssyncpa.u1 $0x1  }
0x41: {  	[sflag:s31] =	ssyncpa.u1 $0x1  }
0x42: {  	p0 =	sne.s32 s0, $0x0;
	_ =	strace $0x90000047  }
0x43: {  	s0 =	sadd.s32 @!p0 $0x100000, s1;
	[bflag:$0x2] =	sbarrier.arrive $0xFFFF  }
0x44: {  	[sflag:s0] =	ssyncadd.tile.s32 @!p0 $0x1;
	_ =	shalt  }
.Lfunc_end2:
_tile_overlayer_lowered:
.L_overlay_start_2:
0x45: {  	(tag) =	ssettag $0x2  }
0x46: {  	s0 =	rddreg [dreg:$0x0];
	s2 =	stileid.u32  }
0x47: {  	s1 =	rddreg [dreg:$0x1];
	p0 =	sne.s32 s2, $0x0  }
0x48: {  	s3 =	rddreg [dreg:$0x2];
	[bflag:$0x3] =	sbarrier.arrive $0xFFFF;
	s2 =	simm.s32 @!p0 $0x1C01  }
0x49: {  	[timem:s3], [sflag:s2] =	dma.local @!p0 [hbm:s0], s1  }
0x4a: {  	s0 =	simm.s32 @!p0 $0x1  }
0x4b: {  	_ =	swait.ge @!p0 [sflag:s0], s1  }
0x4c: {  	s1 =	ssub.s32 @!p0 $0x0, s1;
	[sflag:s0] =	ssyncset.done @!p0 $0x0  }
0x4d: {  	[sflag:s0] =	ssyncadd.s32 @!p0 s1  }
0x4e: {  	[bflag:$0x3] =	sbarrier.arrive $0xFFFF  }
0x4f: {  	_ =	shalt  }

// kernel: gather_offload_async_start.2
scs
__scs_entry_jumppad:
0x0: {  	(pc) =	sbr.rel $0x88, $3  }
0x1: {  	(tag) =	ssettag $0x0;
	lr =	simm.s32 $0x1  }
0x2: {  	[smem:$0x3F7B] =	sst lr;
	_ =	strace $0xD0000000  }
0x3: {  	_ = 	snop  }
0x4: {  	_ = 	snop  }
0x5: {  	_ = 	snop  }
0x6: {  	_ = 	snop  }
0x7: {  	_ = 	snop  }
__scs_overlays_trampoline_lowered:
0x8: {  	[smem:$0x3F8A] =	sst s0  }
0x9: {  	[smem:$0x3F8B] =	sst s1  }
0xa: {  	[smem:$0x3F8C] =	sst s2  }
0xb: {  	[smem:$0x3F8D] =	sst s3  }
0xc: {  	[smem:$0x3F8E] =	sst s4  }
0xd: {  	[smem:$0x3F8F] =	sst s5  }
0xe: {  	[smem:$0x3F90] =	sst s6  }
0xf: {  	[smem:$0x3F91] =	sst s7  }
0x10: {  	[smem:$0x3F92] =	sst s8  }
0x11: {  	[smem:$0x3F93] =	sst s9;
	s0 =	simm.s32 @!p0 $0x0  }
0x12: {  	s1 =	sld [smem:$0x3F79];
	s0 =	simm.s32 @p0 $0x1  }
0x13: {  	[smem:$0x3F94] =	sst s0;
	s0 =	simm.s32 @!p1 $0x0  }
0x14: {  	s2 =	sld [smem:$0x3F78];
	s0 =	simm.s32 @p1 $0x1  }
0x15: {  	[smem:$0x3F95] =	sst s0;
	s0 =	simm.s32 @!p2 $0x0  }
0x16: {  	s3 =	sld [smem:$0x3FDB];
	s0 =	simm.s32 @p2 $0x1  }
0x17: {  	s4 =	simm.s32 $0x1BF5;
	[smem:$0x3F97] =	sst s0  }
0x18: {  	s0 =	sld [smem:$0x3F7A];
	_ =	swait.ge [sflag:s4], $0x0  }
0x19: {  	s7 =	sld [smem:$0x3F7B]  }
0x1a: {  	s8 =	sadd.s32 $0xFFFFE003, lr  }
0x1b: {  	s9 =	sadd.s32 $0xFFFFFEF7, lr;
	s5 =	simm.s32 $0xFFFFFFFF;
	p2 =	slt.u32 s8, $0xFFFFF086  }
0x1c: {  	p1 =	slt.u32 s9, $0xF7A;
	s5 =	simm.s32 @!p2 $0x0  }
0x1d: {  	s5 =	simm.s32 @p1 $0x1;
	p0 =	seq.s32 s7, s2  }
0x1e: {  	s7 =	smul.u32 @!p0 $0xF7A, s2;
	p2 =	seq.s32 @!p0 s5, $0x0  }
0x1f: {  	s9 =	smul.u32 $0xF7A, s1;
	s8 =	simm.s32 @!p0 $0x1BF5;
	p2 =	por !p2, p0  }
0x20: {  	[sflag:s8] =	ssyncset.s32 @!p0 $0xFFFFF086;
	s6 =	sadd.s32 @!p0 s3, s7;
	s7 =	simm.s32 @!p0 $0x108  }
0x21: {  	s3 =	sadd.s32 s3, s9;
	s6 =	sadd.s32 @!p0 $0x88, s6;
	s7 =	simm.s32 @p2 $0x1082  }
0x22: {  	[simem:s7], [sflag:s8] =	dma.local @!p0 [hbm:s6], $0xF7A  }
0x23: {  	s9 =	sor.u32 $0xD0000000, s2;
	s6 =	simm.s32 $0x108;
	_ =	swait.ge @!p0 [sflag:s8], $0x0  }
0x24: {  	s3 =	sadd.s32 $0x88, s3;
	s6 =	simm.s32 @!p1 $0x1082;
	[sflag:s4] =	ssyncset.s32 $0xFFFFF086  }
0x25: {  	[simem:s6], [sflag:s4] =	dma.local [hbm:s3], $0xF7A  }
0x26: {  	[smem:$0x3F7B] =	sst s1;
	(tag) =	ssettag s2;
	_ =	strace s9  }
0x27: {  	s1 =	sld [smem:$0x3F8B]  }
0x28: {  	s2 =	sld [smem:$0x3F8C]  }
0x29: {  	s4 =	sld [smem:$0x3F8E]  }
0x2a: {  	p0 =	seq.s32 s5, $0x0;
	s5 =	sld [smem:$0x3F8F]  }
0x2b: {  	s6 =	sld [smem:$0x3F90]  }
0x2c: {  	s7 =	sld [smem:$0x3F91]  }
0x2d: {  	s3 =	simm.s32 $0x108;
	s8 =	sld [smem:$0x3F92]  }
0x2e: {  	s3 =	simm.s32 @!p0 $0x1082;
	s9 =	sld [smem:$0x3F93]  }
0x2f: {  	lr =	sadd.s32 s0, s3;
	s0 =	sld [smem:$0x3F8A]  }
0x30: {  	s3 =	sld [smem:$0x3F8D]  }
0x31: {  	[smem:$0x3F96] =	sst s10  }
0x32: {  	s10 =	sld [smem:$0x3F94];
	_ =	sdelay $0x3  }
0x33: {  	p0 =	seq.s32 s10, $0x1;
	s10 =	sld [smem:$0x3F96];
	_ =	sdelay $0x3  }
0x34: {  	[smem:$0x3F96] =	sst s10  }
0x35: {  	s10 =	sld [smem:$0x3F95];
	_ =	sdelay $0x3  }
0x36: {  	p1 =	seq.s32 s10, $0x1;
	s10 =	sld [smem:$0x3F96];
	_ =	sdelay $0x3  }
0x37: {  	[smem:$0x3F96] =	sst s10  }
0x38: {  	s10 =	sld [smem:$0x3F97]  }
0x39: {  	_ = 	snop;
	(pc) =	sbr.ind lr, $3  }
0x3a: {  	_ = 	snop  }
0x3b: {  	_ = 	snop  }
0x3c: {  	p2 =	seq.s32 s10, $0x1;
	s10 =	sld [smem:$0x3F96]  }
0x3d: {  	_ =	shalt  }
0x3e: {  	_ =	shalt  }
0x3f: {  	_ =	shalt  }
0x40: {  	_ =	shalt  }
0x41: {  	_ =	shalt  }
0x42: {  	_ =	shalt  }
0x43: {  	_ =	shalt  }
0x44: {  	_ =	shalt  }
0x45: {  	_ =	shalt  }
0x46: {  	_ =	shalt  }
0x47: {  	_ =	shalt  }
0x48: {  	_ =	shalt  }
0x49: {  	_ =	shalt  }
0x4a: {  	_ =	shalt  }
0x4b: {  	_ =	shalt  }
0x4c: {  	_ =	shalt  }
0x4d: {  	_ =	shalt  }
0x4e: {  	_ =	shalt  }
0x4f: {  	_ =	shalt  }
0x50: {  	_ =	shalt  }
0x51: {  	_ =	shalt  }
0x52: {  	_ =	shalt  }
0x53: {  	_ =	shalt  }
0x54: {  	_ =	shalt  }
0x55: {  	_ =	shalt  }
0x56: {  	_ =	shalt  }
0x57: {  	_ =	shalt  }
0x58: {  	_ =	shalt  }
0x59: {  	_ =	shalt  }
0x5a: {  	_ =	shalt  }
0x5b: {  	_ =	shalt  }
0x5c: {  	_ =	shalt  }
0x5d: {  	_ =	shalt  }
0x5e: {  	_ =	shalt  }
0x5f: {  	_ =	shalt  }
0x60: {  	_ =	shalt  }
0x61: {  	_ =	shalt  }
0x62: {  	_ =	shalt  }
0x63: {  	_ =	shalt  }
0x64: {  	_ =	shalt  }
0x65: {  	_ =	shalt  }
0x66: {  	_ =	shalt  }
0x67: {  	_ =	shalt  }
0x68: {  	_ =	shalt  }
0x69: {  	_ =	shalt  }
0x6a: {  	_ =	shalt  }
0x6b: {  	_ =	shalt  }
0x6c: {  	_ =	shalt  }
0x6d: {  	_ =	shalt  }
0x6e: {  	_ =	shalt  }
0x6f: {  	_ =	shalt  }
0x70: {  	_ =	shalt  }
0x71: {  	_ =	shalt  }
0x72: {  	_ =	shalt  }
0x73: {  	_ =	shalt  }
0x74: {  	_ =	shalt  }
0x75: {  	_ =	shalt  }
0x76: {  	_ =	shalt  }
0x77: {  	_ =	shalt  }
0x78: {  	_ =	shalt  }
0x79: {  	_ =	shalt  }
0x7a: {  	_ =	shalt  }
0x7b: {  	_ =	shalt  }
0x7c: {  	_ =	shalt  }
0x7d: {  	_ =	shalt  }
0x7e: {  	_ =	shalt  }
0x7f: {  	_ =	shalt  }
0x80: {  	_ =	shalt  }
0x81: {  	_ =	shalt  }
0x82: {  	_ =	shalt  }
0x83: {  	_ =	shalt  }
0x84: {  	_ =	shalt  }
0x85: {  	_ =	shalt  }
0x86: {  	_ =	shalt  }
0x87: {  	_ =	shalt  }
.Lfunc_end0:
.L_simem_size_0:
called_computation.2_lowered:
.L_overlay_start_0:
0x88: {  	s2 =	sld [smem:$0x3FD9]  }
0x89: {  	s3 =	sld [smem:$0x3FFE];
	_ =	sdelay $0x1  }
0x8a: {  	s1 =	srdreg.scid  }
0x8b: {  	s0 =	sand.u32 $0x1, s1  }
0x8c: {  	s14 =	sshll.u32 s0, $0xA;
	s2 =	sadd.s32 s3, s2  }
0x8d: {  	s2 =	sadd.s32 s2, s14  }
0x8e: {  	[smem:$0x3FA2] =	sst s2  }
0x8f: {  	_ = 	snop  }
0x90: {  	s2 =	sld [smem:$0x3FD0];
	_ =	sdelay $0x2  }
0x91: {  	s15 =	simm.s32 $0xB;
	s4 =	simm.s32 $0x10  }
0x92: {  	[smem:s4], [sflag:s15] =	dma.local [hbm:s2], $0x1  }
0x93: {  	_ =	swait.eq [sflag:s15], $0x1  }
0x94: {  	[sflag:s15] =	ssyncset.done $0x0  }
0x95: {  	[sflag:s15] =	ssyncadd.s32 $0xFFFFFFFF  }
0x96: {  	s16 =	sld [smem:$0x10];
	(tm) =	ssettm $0x1  }
0x97: {  	s17 =	sld [smem:$0x3FFB];
	_ =	sdelay $0x3  }
0x98: {  	_ =	strace s17  }
0x99: {  	s3 =	sld [smem:$0x3FFC];
	_ =	sdelay $0x3  }
0x9a: {  	_ =	strace s3  }
0x9b: {  	s3 =	sld [smem:$0x3FFD];
	_ =	sdelay $0x3  }
0x9c: {  	_ =	strace s3  }
0x9d: {  	_ =	strace $0x8FFFFFFF  }
0x9e: {  	s18 =	sld [smem:$0x3FDB];
	_ =	sdelay $0x1  }
0x9f: {  	s19 =	simm.s32 $_scs_section_size  }
0xa0: {  	s5 =	simm.s32 $_size__tile_overlayer_lowered;
	s6 =	simm.s32 $_tile_overlayer_lowered  }
0xa1: {  	s22 =	simm.s32 $0x1BFF;
	s21 =	sshll.u32 s6, $0x1;
	s3 =	sadd.s32 s19, s18  }
0xa2: {  	s7 =	simm.s32 $0x0;
	s20 =	sshll.u32 s5, $0x1;
	s5 =	sadd.s32 s21, s3  }
0xa3: {  	[timem:s7], [sflag:s22] =	dma.local [hbm:s5], s20  }
0xa4: {  	_ =	swait.ge [sflag:s22], s20  }
0xa5: {  	s4 =	ssub.s32 $0x0, s20;
	[sflag:s22] =	ssyncset.done $0x0  }
0xa6: {  	[sflag:s22] =	ssyncadd.s32 s4;
	_ =	sdelay $0x1  }
0xa7: {  	s23 =	simm.s32 $0x1B8B  }
0xa8: {  	_ =	swait.ge [sflag:s23], $0x1  }
0xa9: {  	[sflag:s23] =	ssyncset.done $0x0  }
0xaa: {  	s25 =	simm.s32 $0x1B8E;
	s24 =	sld [smem:$0x3FFE];
	[sflag:s23] =	ssyncadd.s32 $0xFFFFFFFF  }
0xab: {  	s26 =	simm.s32 $execute0_lowered;
	[smem:$0x3FD2] =	sst s25  }
0xac: {  	s5 =	sshll.u32 s26, $0x1;
	_ =	strace $0x8000004C;
	[dreg:$0x1] =	wrdreg $0xFFFFFFFF  }
0xad: {  	s28 =	simm.s32 $_size_execute0_lowered;
	s3 =	sadd.s32 s3, s5;
	[dreg:$0x0] =	wrdreg $0x0  }
0xae: {  	s5 =	sshll.u32 s28, $0x1;
	[dreg:$0x2] =	wrdreg s3  }
0xaf: {  	[dreg:$0x3] =	wrdreg s5  }
0xb0: {  	[dreg:$0x4] =	wrdreg $0xC0  }
0xb1: {  	_ =	task [dreg:s7], $0x5FFFF  }
0xb2: {  	[dreg:$0x1] =	wrdreg $0xFFFFFFFF  }
0xb3: {  	[dreg:$0x0] =	wrdreg $0x60  }
0xb4: {  	[dreg:$0x2] =	wrdreg s24  }
0xb5: {  	[dreg:$0x3] =	wrdreg s16  }
0xb6: {  	[dreg:$0x4] =	wrdreg $0x9  }
0xb7: {  	_ =	task.clear_ibuf [dreg:s7], $0x5FFFF;
	_ =	strace $0x9000004C  }
0xb8: {  	s29 =	simm.s32 $0x9;
	_ =	strace $0x8000004E  }
0xb9: {  	_ =	swait.ge [sflag:s29], $0x1  }
0xba: {  	[sflag:s29] =	ssyncadd.s32 $0xFFFFFFFF  }
0xbb: {  	_ =	strace $0x9000004E  }
0xbc: {  	_ =	sfence  }
0xbd: {  	s30 =	sld [smem:$0x0];
	_ =	sdelay $0x2  }
0xbe: {  	s31 =	sshll.u32 s1, $0xD;
	s1 =	sshrl.u32 s1, $0x2  }
0xbf: {  	s3 =	sand.u32 $0x4000, s31;
	s1 =	sadd.s32 s1, s30  }
0xc0: {  	s0 =	sor.u32 s3, s0;
	s1 =	sshll.u32 s1, $0x11  }
0xc1: {  	s0 =	sor.u32 s1, s0  }
0xc2: {  	s0 =	sadd.s32 $0x8F2B, s0  }
0xc3: {  	[sflag:s0] =	ssyncadd.remote.s32 $0x1  }
0xc4: {  	_ =	sfence.sel $0xFFFF  }
0xc5: {  	[dreg:$0x0] =	wrdreg $0xFFFFFFFF;
	(pc) =	sbr.abs _section_cstart, $3  }
0xc6: {  	[dreg:$0x1] =	wrdreg $0xFFFFFFFF  }
0xc7: {  	_ =	task.clear_ibuf [dreg:s7], $0x2FFFF;
	_ =	strace $0x9FFFFFFF  }
0xc8: {  	(tm) =	ssettm $0x7FFFFFFF  }
0xc9: {  	_ =	shalt  }
tec
execute0_lowered:
.L_overlay_start_1:
0x0: {  	(tag) =	ssettag $0x1  }
0x1: {  	s7 =	rddreg [dreg:$0x0]  }
0x2: {  	s2 =	rddreg [dreg:$0x1]  }
0x3: {  	s0 =	rddreg [dreg:$0x2]  }
0x4: {  	s1 =	srdreg.scid;
	_ =	strace $0x8000004D;
	s4 =	simm.s32 $0x1  }
0x5: {  	s9 =	simm.s32 $0x3;
	s11 =	simm.s32 $0x0;
	s5 =	sshll.u32 s1, $0x4  }
.Ltmp0:
0x6: {  	s1 =	stileid.u32;
	s5 =	sand.u32 $0x10, s5;
	(pc) =	sbr.rel .LBB2_1-.Ltmp0, $4  }
0x7: {  	p0 =	por $0x0, $0x0;
	s3 =	sadd.s32 $0x9400, s7;
	s6 =	sor.u32 s1, s5  }
0x8: {  	[sflag:s4] =	ssyncpa.u1 $0x0;
	s5 =	simm.s32 $0x2;
	s6 =	sshll.u32 s6, $0xB  }
0x9: {  	s7 =	sadd.s32 $0x1EE200, s7;
	[sflag:s5] =	ssyncpa.u1 $0x0;
	s8 =	sadd.s32 $0x800, s6  }
0xa: {  	vm0 =	vmmov $0xff;
	vm1 =	vcmask $0x3F20;
	[sflag:s9] =	ssyncpa.u1 $0x0;
	s10 =	smov.u32 s6;
	s9 =	simm.s32 $0x0  }
.LBB2_7:
0xb: {  	p1 =	slt.u32 s9, $0x2;
	s11 =	sadd.s32 $0x100, s10  }
0xc: {  	s13 =	smov.u32 s6;
	s9 =	sadd.s32 $0x1, s9;
	p2 =	slt.s32 s11, s8  }
0xd: {  	s13 =	smov.u32 @p2 s11;
	p2 =	sne.s32 s9, $0xA  }
.Ltmp1:
0xe: {  	_ = 	snop;
	(pc) =	sbr.rel @!p2 .LBB2_8-.Ltmp1, $4  }
0xf: {  	s12 =	simm.s32 @!p1 $0x3  }
0x10: {  	_ =	swait.ge @!p1 [sflag:s12], $0x8000  }
0x11: {  	p0 =	por !p0, !p0;
	[sflag:s12] =	ssyncset.done @!p1 $0x0  }
0x12: {  	s11 =	smov.u32 s10;
	s10 =	smov.u32 s13;
	[sflag:s12] =	ssyncadd.s32 @!p1 $0xFFFF8000  }
.LBB2_1:
0x13: {  	p1 =	sgt.u32 s9, $0x7  }
0x14: {  	s12 =	sxor.u32 @!p1 $0xFFFFFFFF, s9  }
0x15: {  	s13 =	sshrl.u32 @!p1 s10, $0x3;
	s12 =	sshll.u32 @!p1 s12, $0x8  }
0x16: {  	s14 =	sand.u32 @!p1 $0x7, s10;
	s13 =	sadd.s32 @!p1 s2, s13;
	s12 =	sand.u32 @!p1 $0x100, s12  }
0x17: {  	[tilespmem:s12], [sflag:$0x2] =	stream.linear.gather @!p1 [hbm4b:s13+s14], $0x100, $0x38;
	[tilespmem:$0x10200] =	vst v63  }
0x18: {  	p1 =	seq.s32 s9, $0x0  }
0x19: {  	p2 =	seq.s32 @!p1 s9, $0x9  }
0x1a: {  	p1 =	por p1, p2  }
.Ltmp2:
0x1b: {  	_ = 	snop;
	(pc) =	sbr.rel @p1 .LBB2_7-.Ltmp2, $1  }
0x1c: {  	_ =	sdelay $0x3  }
0x1d: {  	s12 =	simm.s32 $0x1  }
0x1e: {  	_ =	swait.ge [sflag:s5], $0x100;
	s12 =	simm.s32 @!p0 $0x0  }
0x1f: {  	[sflag:s5] =	ssyncset.done $0x0;
	s14 =	sshll.u32 s12, $0x8  }
0x20: {  	[sflag:s5] =	ssyncadd.s32 $0xFFFFFF00;
	s13 =	sadd.s32 $0x0, s14  }
0x21: {  	v0 =	vld.msk [tilespmem:s13+$0x0 ss:$0x1], $0xffff;
	_ =	sdelay $0x4  }
0x22: {  	vm2 =	vgt.s32 v0, $0x0  }
0x23: {  	v0 =	vnsel vm2, $0x0, v0  }
0x24: {  	v0 =	vmin.u32 v0, $0xFFFF  }
0x25: {  	v0 =	vshll.u32 v0, $0x4;
	_ =	sdelay $0x2  }
0x26: {  	s12 =	sshll.u32 s12, $0xF  }
0x27: {  	s12 =	sor.u32 $0x200, s12  }
0x28: {  	[tilespmem:s12], [sflag:$0x1] =	stream.indirect_vreg.gather [hbm:s3], $0x80, v0, vm0, $0x38;
	[tilespmem:$0x10200] =	vst v63  }
0x29: {  	s15 =	sadd.s32 $0x10, s14;
	s13 =	sadd.s32 $0x400, s12  }
0x2a: {  	[tilespmem:s13], [sflag:$0x1] =	stream.indirect_vreg.gather [hbm:s3], $0x80, v0, vm1, $0x38;
	[tilespmem:$0x10200] =	vst v63  }
0x2b: {  	s16 =	simm.s32 $0x80;
	v0 =	vld.msk [tilespmem:s15+$0x0 ss:$0x1], $0xffff;
	s15 =	smov.u32 s12  }
.LBB2_3:
0x2c: {  	p1 =	sne.s32 s16, $0x3C0;
	_ =	sdelay $0x4  }
0x2d: {  	vm2 =	vgt.s32 v0, $0x0  }
0x2e: {  	v0 =	vnsel vm2, $0x0, v0  }
0x2f: {  	v0 =	vmin.u32 v0, $0xFFFF  }
0x30: {  	v0 =	vshll.u32 v0, $0x4;
	_ =	sdelay $0x3  }
.Ltmp3:
0x31: {  	s17 =	sshra.s32 s16, $0x2;
	s15 =	sadd.s32 $0x800, s15;
	(pc) =	sbr.rel @p1 .LBB2_3-.Ltmp3, $4  }
0x32: {  	[tilespmem:s15], [sflag:$0x1] =	stream.indirect_vreg.gather [hbm:s3], $0x80, v0, vm0, $0x38;
	[tilespmem:$0x10200] =	vst v63  }
0x33: {  	s17 =	sadd.s32 s17, s14;
	s18 =	sadd.s32 $0x400, s15  }
0x34: {  	[tilespmem:s18], [sflag:$0x1] =	stream.indirect_vreg.gather [hbm:s3], $0x80, v0, vm1, $0x38;
	[tilespmem:$0x10200] =	vst v63  }
0x35: {  	s16 =	sadd.s32 $0x40, s16;
	v0 =	vld.msk [tilespmem:s17+$0x0 ss:$0x1], $0xffff  }
0x36: {  	_ =	sdelay $0x3  }
0x37: {  	vm2 =	vgt.s32 v0, $0x0  }
0x38: {  	v0 =	vnsel vm2, $0x0, v0  }
0x39: {  	v0 =	vmin.u32 v0, $0xFFFF  }
0x3a: {  	v0 =	vshll.u32 v0, $0x4;
	_ =	sdelay $0x3  }
0x3b: {  	s14 =	sadd.s32 $0x800, s15  }
0x3c: {  	[tilespmem:s14], [sflag:$0x1] =	stream.indirect_vreg.gather [hbm:s3], $0x80, v0, vm0, $0x38;
	[tilespmem:$0x10200] =	vst v63  }
0x3d: {  	s14 =	sadd.s32 $0x400, s14  }
0x3e: {  	[tilespmem:s14], [sflag:$0x1] =	stream.indirect_vreg.gather [hbm:s3], $0x80, v0, vm1, $0x38;
	[tilespmem:$0x10200] =	vst v63  }
0x3f: {  	s11 =	sshll.u32 s11, $0x4;
	_ =	swait.ge [sflag:s4], $0x8000  }
0x40: {  	s11 =	sadd.s32 s11, s7;
	[sflag:s4] =	ssyncset.done $0x0  }
0x41: {  	s15 =	sadd.s32 $0x0, s11;
	s14 =	simm.s32 $0x80;
	[sflag:s4] =	ssyncadd.s32 $0xFFFF8000  }
.LBB2_5:
0x42: {  	[hbm:s15] =	stream.linear.scatter [tilespmem:s12], [sflag:$0x3], $0x400, $0x38;
	[tilespmem:$0x10200] =	vst v63  }
0x43: {  	s15 =	smov.u32 s14;
	s12 =	smov.u32 s13;
	p1 =	sne.s32 s14, $0xF80  }
.Ltmp4:
0x44: {  	s14 =	sadd.s32 $0x80, s14;
	(pc) =	sbr.rel @p1 .LBB2_5-.Ltmp4, $2  }
0x45: {  	_ =	sdelay $0x2  }
0x46: {  	s13 =	sadd.s32 $0x400, s13;
	s15 =	sadd.s32 s15, s11  }
.Ltmp5:
0x47: {  	(pc) =	sbr.rel .LBB2_7-.Ltmp5, $2  }
0x48: {  	_ =	sdelay $0x2  }
0x49: {  	[hbm:s15] =	stream.linear.scatter [tilespmem:s12], [sflag:$0x3], $0x400, $0x38;
	[tilespmem:$0x10200] =	vst v63  }
.LBB2_8:
0x4a: {  	_ =	sfence.sel $0x180000  }
0x4b: {  	s2 =	simm.s32 $0x2;
	[bflag:$0x0] =	sbarrier.arrive $0xFFFF  }
0x4c: {  	s30 =	simm.s32 $0x3;
	[sflag:s2] =	ssyncpa.u1 $0x1  }
0x4d: {  	s31 =	simm.s32 $0x1;
	[sflag:s30] =	ssyncpa.u1 $0x1  }
0x4e: {  	[sflag:s31] =	ssyncpa.u1 $0x1  }
0x4f: {  	p0 =	sne.s32 s1, $0x0;
	_ =	strace $0x9000004D  }
0x50: {  	s0 =	sadd.s32 @!p0 $0x100000, s0;
	[bflag:$0x2] =	sbarrier.arrive $0xFFFF  }
0x51: {  	[sflag:s0] =	ssyncadd.tile.s32 @!p0 $0x1;
	_ =	shalt  }
.Lfunc_end2:
_tile_overlayer_lowered:
.L_overlay_start_2:
0x52: {  	(tag) =	ssettag $0x2  }
0x53: {  	s0 =	rddreg [dreg:$0x0];
	s2 =	stileid.u32  }
0x54: {  	s1 =	rddreg [dreg:$0x1];
	p0 =	sne.s32 s2, $0x0  }
0x55: {  	s3 =	rddreg [dreg:$0x2];
	[bflag:$0x3] =	sbarrier.arrive $0xFFFF;
	s2 =	simm.s32 @!p0 $0x1C01  }
0x56: {  	[timem:s3], [sflag:s2] =	dma.local @!p0 [hbm:s0], s1  }
0x57: {  	s0 =	simm.s32 @!p0 $0x1  }
0x58: {  	_ =	swait.ge @!p0 [sflag:s0], s1  }
0x59: {  	s1 =	ssub.s32 @!p0 $0x0, s1;
	[sflag:s0] =	ssyncset.done @!p0 $0x0  }
0x5a: {  	[sflag:s0] =	ssyncadd.s32 @!p0 s1  }
0x5b: {  	[bflag:$0x3] =	sbarrier.arrive $0xFFFF  }
0x5c: {  	_ =	shalt  }

// kernel: gather_offload_async_start
scs
__scs_entry_jumppad:
0x0: {  	(pc) =	sbr.rel $0x88, $3  }
0x1: {  	(tag) =	ssettag $0x0;
	lr =	simm.s32 $0x1  }
0x2: {  	[smem:$0x3F7B] =	sst lr;
	_ =	strace $0xD0000000  }
0x3: {  	_ = 	snop  }
0x4: {  	_ = 	snop  }
0x5: {  	_ = 	snop  }
0x6: {  	_ = 	snop  }
0x7: {  	_ = 	snop  }
__scs_overlays_trampoline_lowered:
0x8: {  	[smem:$0x3F8A] =	sst s0  }
0x9: {  	[smem:$0x3F8B] =	sst s1  }
0xa: {  	[smem:$0x3F8C] =	sst s2  }
0xb: {  	[smem:$0x3F8D] =	sst s3  }
0xc: {  	[smem:$0x3F8E] =	sst s4  }
0xd: {  	[smem:$0x3F8F] =	sst s5  }
0xe: {  	[smem:$0x3F90] =	sst s6  }
0xf: {  	[smem:$0x3F91] =	sst s7  }
0x10: {  	[smem:$0x3F92] =	sst s8  }
0x11: {  	[smem:$0x3F93] =	sst s9;
	s0 =	simm.s32 @!p0 $0x0  }
0x12: {  	s1 =	sld [smem:$0x3F79];
	s0 =	simm.s32 @p0 $0x1  }
0x13: {  	[smem:$0x3F94] =	sst s0;
	s0 =	simm.s32 @!p1 $0x0  }
0x14: {  	s2 =	sld [smem:$0x3F78];
	s0 =	simm.s32 @p1 $0x1  }
0x15: {  	[smem:$0x3F95] =	sst s0;
	s0 =	simm.s32 @!p2 $0x0  }
0x16: {  	s3 =	sld [smem:$0x3FDB];
	s0 =	simm.s32 @p2 $0x1  }
0x17: {  	s4 =	simm.s32 $0x1BF5;
	[smem:$0x3F97] =	sst s0  }
0x18: {  	s0 =	sld [smem:$0x3F7A];
	_ =	swait.ge [sflag:s4], $0x0  }
0x19: {  	s7 =	sld [smem:$0x3F7B]  }
0x1a: {  	s8 =	sadd.s32 $0xFFFFE003, lr  }
0x1b: {  	s9 =	sadd.s32 $0xFFFFFEF7, lr;
	s5 =	simm.s32 $0xFFFFFFFF;
	p2 =	slt.u32 s8, $0xFFFFF086  }
0x1c: {  	p1 =	slt.u32 s9, $0xF7A;
	s5 =	simm.s32 @!p2 $0x0  }
0x1d: {  	s5 =	simm.s32 @p1 $0x1;
	p0 =	seq.s32 s7, s2  }
0x1e: {  	s7 =	smul.u32 @!p0 $0xF7A, s2;
	p2 =	seq.s32 @!p0 s5, $0x0  }
0x1f: {  	s9 =	smul.u32 $0xF7A, s1;
	s8 =	simm.s32 @!p0 $0x1BF5;
	p2 =	por !p2, p0  }
0x20: {  	[sflag:s8] =	ssyncset.s32 @!p0 $0xFFFFF086;
	s6 =	sadd.s32 @!p0 s3, s7;
	s7 =	simm.s32 @!p0 $0x108  }
0x21: {  	s3 =	sadd.s32 s3, s9;
	s6 =	sadd.s32 @!p0 $0x88, s6;
	s7 =	simm.s32 @p2 $0x1082  }
0x22: {  	[simem:s7], [sflag:s8] =	dma.local @!p0 [hbm:s6], $0xF7A  }
0x23: {  	s9 =	sor.u32 $0xD0000000, s2;
	s6 =	simm.s32 $0x108;
	_ =	swait.ge @!p0 [sflag:s8], $0x0  }
0x24: {  	s3 =	sadd.s32 $0x88, s3;
	s6 =	simm.s32 @!p1 $0x1082;
	[sflag:s4] =	ssyncset.s32 $0xFFFFF086  }
0x25: {  	[simem:s6], [sflag:s4] =	dma.local [hbm:s3], $0xF7A  }
0x26: {  	[smem:$0x3F7B] =	sst s1;
	(tag) =	ssettag s2;
	_ =	strace s9  }
0x27: {  	s1 =	sld [smem:$0x3F8B]  }
0x28: {  	s2 =	sld [smem:$0x3F8C]  }
0x29: {  	s4 =	sld [smem:$0x3F8E]  }
0x2a: {  	p0 =	seq.s32 s5, $0x0;
	s5 =	sld [smem:$0x3F8F]  }
0x2b: {  	s6 =	sld [smem:$0x3F90]  }
0x2c: {  	s7 =	sld [smem:$0x3F91]  }
0x2d: {  	s3 =	simm.s32 $0x108;
	s8 =	sld [smem:$0x3F92]  }
0x2e: {  	s3 =	simm.s32 @!p0 $0x1082;
	s9 =	sld [smem:$0x3F93]  }
0x2f: {  	lr =	sadd.s32 s0, s3;
	s0 =	sld [smem:$0x3F8A]  }
0x30: {  	s3 =	sld [smem:$0x3F8D]  }
0x31: {  	[smem:$0x3F96] =	sst s10  }
0x32: {  	s10 =	sld [smem:$0x3F94];
	_ =	sdelay $0x3  }
0x33: {  	p0 =	seq.s32 s10, $0x1;
	s10 =	sld [smem:$0x3F96];
	_ =	sdelay $0x3  }
0x34: {  	[smem:$0x3F96] =	sst s10  }
0x35: {  	s10 =	sld [smem:$0x3F95];
	_ =	sdelay $0x3  }
0x36: {  	p1 =	seq.s32 s10, $0x1;
	s10 =	sld [smem:$0x3F96];
	_ =	sdelay $0x3  }
0x37: {  	[smem:$0x3F96] =	sst s10  }
0x38: {  	s10 =	sld [smem:$0x3F97]  }
0x39: {  	_ = 	snop;
	(pc) =	sbr.ind lr, $3  }
0x3a: {  	_ = 	snop  }
0x3b: {  	_ = 	snop  }
0x3c: {  	p2 =	seq.s32 s10, $0x1;
	s10 =	sld [smem:$0x3F96]  }
0x3d: {  	_ =	shalt  }
0x3e: {  	_ =	shalt  }
0x3f: {  	_ =	shalt  }
0x40: {  	_ =	shalt  }
0x41: {  	_ =	shalt  }
0x42: {  	_ =	shalt  }
0x43: {  	_ =	shalt  }
0x44: {  	_ =	shalt  }
0x45: {  	_ =	shalt  }
0x46: {  	_ =	shalt  }
0x47: {  	_ =	shalt  }
0x48: {  	_ =	shalt  }
0x49: {  	_ =	shalt  }
0x4a: {  	_ =	shalt  }
0x4b: {  	_ =	shalt  }
0x4c: {  	_ =	shalt  }
0x4d: {  	_ =	shalt  }
0x4e: {  	_ =	shalt  }
0x4f: {  	_ =	shalt  }
0x50: {  	_ =	shalt  }
0x51: {  	_ =	shalt  }
0x52: {  	_ =	shalt  }
0x53: {  	_ =	shalt  }
0x54: {  	_ =	shalt  }
0x55: {  	_ =	shalt  }
0x56: {  	_ =	shalt  }
0x57: {  	_ =	shalt  }
0x58: {  	_ =	shalt  }
0x59: {  	_ =	shalt  }
0x5a: {  	_ =	shalt  }
0x5b: {  	_ =	shalt  }
0x5c: {  	_ =	shalt  }
0x5d: {  	_ =	shalt  }
0x5e: {  	_ =	shalt  }
0x5f: {  	_ =	shalt  }
0x60: {  	_ =	shalt  }
0x61: {  	_ =	shalt  }
0x62: {  	_ =	shalt  }
0x63: {  	_ =	shalt  }
0x64: {  	_ =	shalt  }
0x65: {  	_ =	shalt  }
0x66: {  	_ =	shalt  }
0x67: {  	_ =	shalt  }
0x68: {  	_ =	shalt  }
0x69: {  	_ =	shalt  }
0x6a: {  	_ =	shalt  }
0x6b: {  	_ =	shalt  }
0x6c: {  	_ =	shalt  }
0x6d: {  	_ =	shalt  }
0x6e: {  	_ =	shalt  }
0x6f: {  	_ =	shalt  }
0x70: {  	_ =	shalt  }
0x71: {  	_ =	shalt  }
0x72: {  	_ =	shalt  }
0x73: {  	_ =	shalt  }
0x74: {  	_ =	shalt  }
0x75: {  	_ =	shalt  }
0x76: {  	_ =	shalt  }
0x77: {  	_ =	shalt  }
0x78: {  	_ =	shalt  }
0x79: {  	_ =	shalt  }
0x7a: {  	_ =	shalt  }
0x7b: {  	_ =	shalt  }
0x7c: {  	_ =	shalt  }
0x7d: {  	_ =	shalt  }
0x7e: {  	_ =	shalt  }
0x7f: {  	_ =	shalt  }
0x80: {  	_ =	shalt  }
0x81: {  	_ =	shalt  }
0x82: {  	_ =	shalt  }
0x83: {  	_ =	shalt  }
0x84: {  	_ =	shalt  }
0x85: {  	_ =	shalt  }
0x86: {  	_ =	shalt  }
0x87: {  	_ =	shalt  }
.Lfunc_end0:
.L_simem_size_0:
called_computation_lowered:
.L_overlay_start_0:
0x88: {  	s2 =	sld [smem:$0x3FD9]  }
0x89: {  	s3 =	sld [smem:$0x3FFE];
	_ =	sdelay $0x1  }
0x8a: {  	s1 =	srdreg.scid  }
0x8b: {  	s0 =	sand.u32 $0x1, s1  }
0x8c: {  	s15 =	sshll.u32 s0, $0xA;
	s2 =	sadd.s32 s3, s2  }
0x8d: {  	s2 =	sadd.s32 s2, s15  }
0x8e: {  	[smem:$0x3FA2] =	sst s2  }
0x8f: {  	_ = 	snop  }
0x90: {  	s16 =	sld [smem:$0x3FD0];
	_ =	sdelay $0x2  }
0x91: {  	s4 =	simm.s32 $0xB;
	s5 =	simm.s32 $0x10;
	s2 =	sld [smem:$0x3FC9]  }
0x92: {  	[smem:s5], [sflag:s4] =	dma.local [hbm:s16], $0x1  }
0x93: {  	_ =	swait.eq [sflag:s4], $0x1  }
0x94: {  	[sflag:s4] =	ssyncset.done $0x0  }
0x95: {  	[sflag:s4] =	ssyncadd.s32 $0xFFFFFFFF  }
0x96: {  	s17 =	sld [smem:$0x10];
	(tm) =	ssettm $0x1  }
0x97: {  	s18 =	sld [smem:$0x3FFB];
	_ =	sdelay $0x3  }
0x98: {  	_ =	strace s18  }
0x99: {  	s3 =	sld [smem:$0x3FFC];
	_ =	sdelay $0x3  }
0x9a: {  	_ =	strace s3  }
0x9b: {  	s3 =	sld [smem:$0x3FFD];
	_ =	sdelay $0x3  }
0x9c: {  	_ =	strace s3  }
0x9d: {  	_ =	strace $0x8FFFFFFF  }
0x9e: {  	s19 =	sld [smem:$0x3FDB];
	_ =	sdelay $0x1  }
0x9f: {  	s20 =	simm.s32 $_scs_section_size  }
0xa0: {  	s6 =	simm.s32 $_size__tile_overlayer_lowered;
	s7 =	simm.s32 $_tile_overlayer_lowered  }
0xa1: {  	s8 =	simm.s32 $0x1BFF;
	s21 =	sshll.u32 s7, $0x1;
	s5 =	sadd.s32 s20, s19  }
0xa2: {  	s22 =	simm.s32 $0x0;
	s6 =	sshll.u32 s6, $0x1;
	s7 =	sadd.s32 s21, s5  }
0xa3: {  	[timem:s22], [sflag:s8] =	dma.local [hbm:s7], s6  }
0xa4: {  	_ =	swait.ge [sflag:s8], s6  }
0xa5: {  	s6 =	ssub.s32 $0x0, s6;
	[sflag:s8] =	ssyncset.done $0x0  }
0xa6: {  	[sflag:s8] =	ssyncadd.s32 s6;
	_ =	sdelay $0x1  }
0xa7: {  	s23 =	simm.s32 $0x1B8B  }
0xa8: {  	_ =	swait.ge [sflag:s23], $0x1  }
0xa9: {  	[sflag:s23] =	ssyncset.done $0x0  }
0xaa: {  	[sflag:s23] =	ssyncadd.s32 $0xFFFFFFFF  }
0xab: {  	s6 =	sld [smem:$0x0]  }
0xac: {  	s7 =	sand.u32 $0xFFFFFFFE, s1  }
0xad: {  	p0 =	sne.s32 s1, s7  }
0xae: {  	s7 =	sshll.u32 @p0 s7, $0xE  }
0xaf: {  	s7 =	sadd.s32 @p0 $0x11B8D, s7;
	s8 =	sshll.u32 @p0 s6, $0x11  }
0xb0: {  	s7 =	sor.u32 @p0 s8, s7  }
0xb1: {  	[sflag:s7] =	ssyncadd.remote.s32 @p0 $0x1;
	_ =	sdelay $0x1  }
0xb2: {  	s7 =	simm.s32 @p0 $0x1B8D  }
0xb3: {  	_ =	swait.eq @p0 [sflag:s7], $0x1  }
0xb4: {  	[sflag:s7] =	ssyncadd.s32 @p0 $0xFFFFFFFF  }
0xb5: {  	s8 =	sshll.u32 @!p0 s1, $0xE  }
0xb6: {  	s8 =	sor.u32 @!p0 $0x4000, s8;
	s7 =	simm.s32 @!p0 $0x1B8D  }
0xb7: {  	s6 =	sshll.u32 @!p0 s6, $0x11;
	s8 =	sadd.s32 @!p0 $0x11B8D, s8;
	_ =	swait.eq @!p0 [sflag:s7], $0x1  }
0xb8: {  	s6 =	sor.u32 @!p0 s6, s8;
	[sflag:s7] =	ssyncadd.s32 @!p0 $0xFFFFFFFF  }
0xb9: {  	s25 =	simm.s32 $0x1B8E;
	s24 =	sld [smem:$0x3FFE];
	[sflag:s6] =	ssyncadd.remote.s32 @!p0 $0x1  }
0xba: {  	s26 =	simm.s32 $execute0_lowered;
	[smem:$0x3FD2] =	sst s25  }
0xbb: {  	s7 =	sshll.u32 s26, $0x1;
	_ =	strace $0x80000049;
	[dreg:$0x1] =	wrdreg $0xFFFFFFFF  }
0xbc: {  	s28 =	simm.s32 $_size_execute0_lowered;
	s5 =	sadd.s32 s5, s7;
	[dreg:$0x0] =	wrdreg $0x0  }
0xbd: {  	s7 =	sshll.u32 s28, $0x1;
	[dreg:$0x2] =	wrdreg s5  }
0xbe: {  	[dreg:$0x3] =	wrdreg s7  }
0xbf: {  	[dreg:$0x4] =	wrdreg $0xC0  }
0xc0: {  	_ =	task [dreg:s22], $0x5FFFF  }
0xc1: {  	[dreg:$0x1] =	wrdreg $0xFFFFFFFF  }
0xc2: {  	[dreg:$0x0] =	wrdreg $0x60  }
0xc3: {  	[dreg:$0x2] =	wrdreg s2  }
0xc4: {  	[dreg:$0x3] =	wrdreg s17  }
0xc5: {  	[dreg:$0x4] =	wrdreg s24  }
0xc6: {  	[dreg:$0x5] =	wrdreg $0x9  }
0xc7: {  	_ =	task.clear_ibuf [dreg:s22], $0x6FFFF;
	_ =	strace $0x90000049  }
0xc8: {  	s29 =	simm.s32 $0x9;
	_ =	strace $0x8000004B  }
0xc9: {  	_ =	swait.ge [sflag:s29], $0x1  }
0xca: {  	[sflag:s29] =	ssyncadd.s32 $0xFFFFFFFF  }
0xcb: {  	_ =	strace $0x9000004B  }
0xcc: {  	_ =	sfence  }
0xcd: {  	s30 =	sld [smem:$0x0];
	_ =	sdelay $0x2  }
0xce: {  	s31 =	sshll.u32 s1, $0xD;
	s1 =	sshrl.u32 s1, $0x2  }
0xcf: {  	s4 =	sand.u32 $0x4000, s31;
	s1 =	sadd.s32 s1, s30  }
0xd0: {  	s0 =	sor.u32 s4, s0;
	s1 =	sshll.u32 s1, $0x11  }
0xd1: {  	s0 =	sor.u32 s1, s0  }
0xd2: {  	s0 =	sadd.s32 $0x8F2B, s0  }
0xd3: {  	[sflag:s0] =	ssyncadd.remote.s32 $0x1  }
0xd4: {  	_ =	sfence.sel $0xFFFF  }
0xd5: {  	[dreg:$0x0] =	wrdreg $0xFFFFFFFF;
	(pc) =	sbr.abs _section_cstart, $3  }
0xd6: {  	[dreg:$0x1] =	wrdreg $0xFFFFFFFF  }
0xd7: {  	_ =	task.clear_ibuf [dreg:s22], $0x2FFFF;
	_ =	strace $0x9FFFFFFF  }
0xd8: {  	(tm) =	ssettm $0x7FFFFFFF  }
0xd9: {  	_ =	shalt  }
tec
execute0_lowered:
.L_overlay_start_1:
0x0: {  	(tag) =	ssettag $0x1  }
0x1: {  	s2 =	rddreg [dreg:$0x0]  }
0x2: {  	s1 =	srdreg.scid;
	s3 =	rddreg [dreg:$0x1]  }
0x3: {  	s0 =	stileid.u32;
	s5 =	rddreg [dreg:$0x2]  }
0x4: {  	s9 =	simm.s32 $0x1;
	s10 =	simm.s32 $0x3;
	s1 =	sshll.u32 s1, $0xA  }
0x5: {  	s13 =	simm.s32 $0x0;
	s4 =	sshll.u32 s0, $0xB;
	s6 =	sand.u32 $0x400, s1  }
0x6: {  	s12 =	simm.s32 $0x0;
	s5 =	sadd.s32 $0x10C200, s5;
	s4 =	sor.u32 s4, s6  }
0x7: {  	s1 =	rddreg [dreg:$0x3];
	_ =	strace $0x8000004A;
	s8 =	ssub.s32 $0x10000, s4  }
.Ltmp0:
0x8: {  	s6 =	simm.s32 $0x1;
	s7 =	sand.u32 $0x7C00, s8;
	(pc) =	sbr.rel .LBB2_1-.Ltmp0, $4  }
0x9: {  	[sflag:s6] =	ssyncpa.u1 $0x0;
	s11 =	smov.u32 s4;
	p0 =	sne.s32 s7, $0x0  }
0xa: {  	s8 =	sshrl.u32 s8, $0xF;
	s7 =	simm.s32 $0x2;
	s9 =	simm.s32 @!p0 $0x0  }
0xb: {  	[sflag:s7] =	ssyncpa.u1 $0x0;
	p0 =	por $0x0, $0x0;
	s8 =	sadd.s32 s9, s8  }
0xc: {  	vm0 =	vmmov $0xffff;
	[sflag:s10] =	ssyncpa.u1 $0x0;
	s10 =	simm.s32 $0x0;
	s9 =	sadd.s32 $0x1, s8  }
.LBB2_4:
0xd: {  	v2 =	vnsel vm1, $0x0, v2  }
0xe: {  	vm1 =	vgt.s32 v0, $0x0;
	v2 =	vmin.u32 v2, $0xFFFF  }
0xf: {  	v0 =	vnsel vm1, $0x0, v0  }
0x10: {  	v0 =	vmin.u32 v0, $0xFFFF  }
0x11: {  	[tilespmem:s15], [sflag:$0x1] =	stream.indirect_vreg.gather [hbm4b:s2+s10], $0x1, v1, vm0, $0x4038;
	[tilespmem:$0x1000] =	vst v63  }
0x12: {  	(ifvalue) =	ssetifvalue $0x7FFFFFFF  }
0x13: {  	[tilespmem:s16], [sflag:$0x1] =	stream.indirect_vreg.gather [hbm4b:s2+s10], $0x1, v2, vm0, $0x4038;
	[tilespmem:$0x1000] =	vst v63  }
0x14: {  	s29 =	sadd.s32 $0x10, s16;
	(ifvalue) =	ssetifvalue $0x7FFFFFFF  }
0x15: {  	[tilespmem:s29], [sflag:$0x1] =	stream.indirect_vreg.gather [hbm4b:s2+s10], $0x1, v0, vm0, $0x4038;
	[tilespmem:$0x1000] =	vst v63  }
0x16: {  	_ =	swait.ge [sflag:s6], $0x400  }
0x17: {  	s30 =	sshrl.u32 s13, $0x3;
	[sflag:s6] =	ssyncset.done $0x0  }
0x18: {  	s31 =	sand.u32 $0x7, s13;
	s15 =	sadd.s32 s5, s30;
	[sflag:s6] =	ssyncadd.s32 $0xFFFFFC00  }
0x19: {  	[hbm4b:s15+s31] =	stream.linear.scatter [tilespmem:s14], [sflag:$0x3], $0x400, $0x38;
	[tilespmem:$0x1000] =	vst v63  }
.LBB2_5:
0x1a: {  	s15 =	sadd.s32 $0x8000, s11  }
0x1b: {  	p2 =	sgt.s32 s15, $0xFFFF  }
0x1c: {  	s15 =	smov.u32 @p2 s4;
	p2 =	sne.s32 s12, s9  }
.Ltmp1:
0x1d: {  	p1 =	slt.u32 s12, $0x2;
	(pc) =	sbr.rel @!p2 .LBB2_6-.Ltmp1, $4  }
0x1e: {  	s14 =	simm.s32 @!p1 $0x3  }
0x1f: {  	s16 =	sadd.s32 $0x1, s12;
	_ =	swait.ge @!p1 [sflag:s14], $0x400  }
0x20: {  	s13 =	smov.u32 s11;
	p0 =	por !p0, !p0;
	[sflag:s14] =	ssyncset.done @!p1 $0x0  }
0x21: {  	s12 =	smov.u32 s16;
	s11 =	smov.u32 s15;
	[sflag:s14] =	ssyncadd.s32 @!p1 $0xFFFFFC00  }
.LBB2_1:
0x22: {  	p1 =	sge.u32 s12, s8  }
0x23: {  	s14 =	sxor.u32 @!p1 $0xFFFFFFFF, s12  }
0x24: {  	s31 =	sadd.s32 $0xFFFFFFFF, s12;
	s15 =	sshrl.u32 @!p1 s11, $0x3;
	s14 =	sshll.u32 @!p1 s14, $0xA  }
0x25: {  	s16 =	sand.u32 @!p1 $0x7, s11;
	s15 =	sadd.s32 @!p1 s3, s15;
	s14 =	sand.u32 @!p1 $0x400, s14  }
0x26: {  	[tilespmem:s14], [sflag:$0x2] =	stream.linear.gather @!p1 [hbm4b:s15+s16], $0x400, $0x38;
	[tilespmem:$0x1000] =	vst v63  }
0x27: {  	p1 =	sge.u32 s31, s8  }
.Ltmp2:
0x28: {  	_ = 	snop;
	(pc) =	sbr.rel @p1 .LBB2_5-.Ltmp2, $1  }
0x29: {  	_ =	sdelay $0x3  }
0x2a: {  	s14 =	simm.s32 $0x1  }
0x2b: {  	_ =	swait.ge [sflag:s7], $0x400;
	s14 =	simm.s32 @!p0 $0x0  }
0x2c: {  	[sflag:s7] =	ssyncset.done $0x0;
	s14 =	sshll.u32 s14, $0xA  }
0x2d: {  	[sflag:s7] =	ssyncadd.s32 $0xFFFFFC00;
	(ifvalue) =	ssetifvalue $0x7FFFFFFF;
	v0 =	vld.msk [tilespmem:s14+$0x0 ss:$0x1], $0xffff;
	_ =	sdelay $0x4  }
0x2e: {  	s15 =	sadd.s32 $0x10, s14;
	vm1 =	vgt.s32 v0, $0x0  }
0x2f: {  	v2 =	vld.msk [tilespmem:s15+$0x0 ss:$0x1], $0xffff;
	v1 =	vnsel vm1, $0x0, v0  }
0x30: {  	v1 =	vmin.u32 v1, $0xFFFF;
	_ =	sdelay $0x1  }
0x31: {  	s16 =	sshll.u32 s12, $0xA;
	s18 =	simm.s32 $0x20  }
0x32: {  	s16 =	sand.u32 $0x400, s16;
	s17 =	sadd.s32 $0x10, s15;
	s15 =	sor.u32 $0x800, s14  }
0x33: {  	s14 =	sor.u32 $0x800, s16;
	s16 =	sadd.s32 $0x10, s15;
	v0 =	vld.msk [tilespmem:s17+$0x0 ss:$0x1], $0xffff;
	vm1 =	vgt.s32 v2, $0x0;
	(ifvalue) =	ssetifvalue $0x7FFFFFFF  }
.LBB2_3:
0x34: {  	[tilespmem:s15], [sflag:$0x1] =	stream.indirect_vreg.gather [hbm4b:s2+s10], $0x1, v1, vm0, $0x4038;
	[tilespmem:$0x1000] =	vst v63  }
0x35: {  	s18 =	sadd.s32 $0x10, s18  }
0x36: {  	v2 =	vnsel vm1, $0x0, v2;
	p1 =	slt.u32 s18, $0x3F0  }
.Ltmp3:
0x37: {  	s15 =	smov.u32 s16;
	v1 =	vmin.u32 v2, $0xFFFF;
	(pc) =	sbr.rel @p1 .LBB2_3-.Ltmp3, $3  }
0x38: {  	_ =	sdelay $0x1  }
0x39: {  	s17 =	sadd.s32 $0x10, s17  }
0x3a: {  	vm1 =	vgt.s32 v0, $0x0;
	s16 =	sadd.s32 $0x10, s16;
	v2 =	vmov v0;
	(ifvalue) =	ssetifvalue $0x7FFFFFFF;
	v0 =	vld.msk [tilespmem:s17+$0x0 ss:$0x1], $0xffff  }
.Ltmp4:
0x3b: {  	_ = 	snop;
	(pc) =	sbr.rel .LBB2_4-.Ltmp4, $1  }
0x3c: {  	_ =	sdelay $0x3  }
.LBB2_6:
0x3d: {  	_ =	sfence.sel $0x180000  }
0x3e: {  	s2 =	simm.s32 $0x2;
	[bflag:$0x0] =	sbarrier.arrive $0xFFFF  }
0x3f: {  	s30 =	simm.s32 $0x3;
	[sflag:s2] =	ssyncpa.u1 $0x1  }
0x40: {  	s31 =	simm.s32 $0x1;
	[sflag:s30] =	ssyncpa.u1 $0x1  }
0x41: {  	[sflag:s31] =	ssyncpa.u1 $0x1  }
0x42: {  	p0 =	sne.s32 s0, $0x0;
	_ =	strace $0x9000004A  }
0x43: {  	s0 =	sadd.s32 @!p0 $0x100000, s1;
	[bflag:$0x2] =	sbarrier.arrive $0xFFFF  }
0x44: {  	[sflag:s0] =	ssyncadd.tile.s32 @!p0 $0x1;
	_ =	shalt  }
.Lfunc_end2:
_tile_overlayer_lowered:
.L_overlay_start_2:
0x45: {  	(tag) =	ssettag $0x2  }
0x46: {  	s0 =	rddreg [dreg:$0x0];
	s2 =	stileid.u32  }
0x47: {  	s1 =	rddreg [dreg:$0x1];
	p0 =	sne.s32 s2, $0x0  }
0x48: {  	s3 =	rddreg [dreg:$0x2];
	[bflag:$0x3] =	sbarrier.arrive $0xFFFF;
	s2 =	simm.s32 @!p0 $0x1C01  }
0x49: {  	[timem:s3], [sflag:s2] =	dma.local @!p0 [hbm:s0], s1  }
0x4a: {  	s0 =	simm.s32 @!p0 $0x1  }
0x4b: {  	_ =	swait.ge @!p0 [sflag:s0], s1  }
0x4c: {  	s1 =	ssub.s32 @!p0 $0x0, s1;
	[sflag:s0] =	ssyncset.done @!p0 $0x0  }
0x4d: {  	[sflag:s0] =	ssyncadd.s32 @!p0 s1  }
0x4e: {  	[bflag:$0x3] =	sbarrier.arrive $0xFFFF  }
0x4f: {  	_ =	shalt  }

// kernel: kernel.6.cloned.1.call-start
scs
__scs_entry_jumppad:
0x0: {  	(pc) =	sbr.rel $0x88, $3  }
0x1: {  	(tag) =	ssettag $0x0;
	lr =	simm.s32 $0x1  }
0x2: {  	[smem:$0x3F7B] =	sst lr;
	_ =	strace $0xD0000000  }
0x3: {  	_ = 	snop  }
0x4: {  	_ = 	snop  }
0x5: {  	_ = 	snop  }
0x6: {  	_ = 	snop  }
0x7: {  	_ = 	snop  }
__scs_overlays_trampoline_lowered:
0x8: {  	[smem:$0x3F8A] =	sst s0  }
0x9: {  	[smem:$0x3F8B] =	sst s1  }
0xa: {  	[smem:$0x3F8C] =	sst s2  }
0xb: {  	[smem:$0x3F8D] =	sst s3  }
0xc: {  	[smem:$0x3F8E] =	sst s4  }
0xd: {  	[smem:$0x3F8F] =	sst s5  }
0xe: {  	[smem:$0x3F90] =	sst s6  }
0xf: {  	[smem:$0x3F91] =	sst s7  }
0x10: {  	[smem:$0x3F92] =	sst s8  }
0x11: {  	[smem:$0x3F93] =	sst s9;
	s0 =	simm.s32 @!p0 $0x0  }
0x12: {  	s1 =	sld [smem:$0x3F79];
	s0 =	simm.s32 @p0 $0x1  }
0x13: {  	[smem:$0x3F94] =	sst s0;
	s0 =	simm.s32 @!p1 $0x0  }
0x14: {  	s2 =	sld [smem:$0x3F78];
	s0 =	simm.s32 @p1 $0x1  }
0x15: {  	[smem:$0x3F95] =	sst s0;
	s0 =	simm.s32 @!p2 $0x0  }
0x16: {  	s3 =	sld [smem:$0x3FDB];
	s0 =	simm.s32 @p2 $0x1  }
0x17: {  	s4 =	simm.s32 $0x1BF5;
	[smem:$0x3F97] =	sst s0  }
0x18: {  	s0 =	sld [smem:$0x3F7A];
	_ =	swait.ge [sflag:s4], $0x0  }
0x19: {  	s7 =	sld [smem:$0x3F7B]  }
0x1a: {  	s8 =	sadd.s32 $0xFFFFE003, lr  }
0x1b: {  	s9 =	sadd.s32 $0xFFFFFEF7, lr;
	s5 =	simm.s32 $0xFFFFFFFF;
	p2 =	slt.u32 s8, $0xFFFFF086  }
0x1c: {  	p1 =	slt.u32 s9, $0xF7A;
	s5 =	simm.s32 @!p2 $0x0  }
0x1d: {  	s5 =	simm.s32 @p1 $0x1;
	p0 =	seq.s32 s7, s2  }
0x1e: {  	s7 =	smul.u32 @!p0 $0xF7A, s2;
	p2 =	seq.s32 @!p0 s5, $0x0  }
0x1f: {  	s9 =	smul.u32 $0xF7A, s1;
	s8 =	simm.s32 @!p0 $0x1BF5;
	p2 =	por !p2, p0  }
0x20: {  	[sflag:s8] =	ssyncset.s32 @!p0 $0xFFFFF086;
	s6 =	sadd.s32 @!p0 s3, s7;
	s7 =	simm.s32 @!p0 $0x108  }
0x21: {  	s3 =	sadd.s32 s3, s9;
	s6 =	sadd.s32 @!p0 $0x88, s6;
	s7 =	simm.s32 @p2 $0x1082  }
0x22: {  	[simem:s7], [sflag:s8] =	dma.local @!p0 [hbm:s6], $0xF7A  }
0x23: {  	s9 =	sor.u32 $0xD0000000, s2;
	s6 =	simm.s32 $0x108;
	_ =	swait.ge @!p0 [sflag:s8], $0x0  }
0x24: {  	s3 =	sadd.s32 $0x88, s3;
	s6 =	simm.s32 @!p1 $0x1082;
	[sflag:s4] =	ssyncset.s32 $0xFFFFF086  }
0x25: {  	[simem:s6], [sflag:s4] =	dma.local [hbm:s3], $0xF7A  }
0x26: {  	[smem:$0x3F7B] =	sst s1;
	(tag) =	ssettag s2;
	_ =	strace s9  }
0x27: {  	s1 =	sld [smem:$0x3F8B]  }
0x28: {  	s2 =	sld [smem:$0x3F8C]  }
0x29: {  	s4 =	sld [smem:$0x3F8E]  }
0x2a: {  	p0 =	seq.s32 s5, $0x0;
	s5 =	sld [smem:$0x3F8F]  }
0x2b: {  	s6 =	sld [smem:$0x3F90]  }
0x2c: {  	s7 =	sld [smem:$0x3F91]  }
0x2d: {  	s3 =	simm.s32 $0x108;
	s8 =	sld [smem:$0x3F92]  }
0x2e: {  	s3 =	simm.s32 @!p0 $0x1082;
	s9 =	sld [smem:$0x3F93]  }
0x2f: {  	lr =	sadd.s32 s0, s3;
	s0 =	sld [smem:$0x3F8A]  }
0x30: {  	s3 =	sld [smem:$0x3F8D]  }
0x31: {  	[smem:$0x3F96] =	sst s10  }
0x32: {  	s10 =	sld [smem:$0x3F94];
	_ =	sdelay $0x3  }
0x33: {  	p0 =	seq.s32 s10, $0x1;
	s10 =	sld [smem:$0x3F96];
	_ =	sdelay $0x3  }
0x34: {  	[smem:$0x3F96] =	sst s10  }
0x35: {  	s10 =	sld [smem:$0x3F95];
	_ =	sdelay $0x3  }
0x36: {  	p1 =	seq.s32 s10, $0x1;
	s10 =	sld [smem:$0x3F96];
	_ =	sdelay $0x3  }
0x37: {  	[smem:$0x3F96] =	sst s10  }
0x38: {  	s10 =	sld [smem:$0x3F97]  }
0x39: {  	_ = 	snop;
	(pc) =	sbr.ind lr, $3  }
0x3a: {  	_ = 	snop  }
0x3b: {  	_ = 	snop  }
0x3c: {  	p2 =	seq.s32 s10, $0x1;
	s10 =	sld [smem:$0x3F96]  }
0x3d: {  	_ =	shalt  }
0x3e: {  	_ =	shalt  }
0x3f: {  	_ =	shalt  }
0x40: {  	_ =	shalt  }
0x41: {  	_ =	shalt  }
0x42: {  	_ =	shalt  }
0x43: {  	_ =	shalt  }
0x44: {  	_ =	shalt  }
0x45: {  	_ =	shalt  }
0x46: {  	_ =	shalt  }
0x47: {  	_ =	shalt  }
0x48: {  	_ =	shalt  }
0x49: {  	_ =	shalt  }
0x4a: {  	_ =	shalt  }
0x4b: {  	_ =	shalt  }
0x4c: {  	_ =	shalt  }
0x4d: {  	_ =	shalt  }
0x4e: {  	_ =	shalt  }
0x4f: {  	_ =	shalt  }
0x50: {  	_ =	shalt  }
0x51: {  	_ =	shalt  }
0x52: {  	_ =	shalt  }
0x53: {  	_ =	shalt  }
0x54: {  	_ =	shalt  }
0x55: {  	_ =	shalt  }
0x56: {  	_ =	shalt  }
0x57: {  	_ =	shalt  }
0x58: {  	_ =	shalt  }
0x59: {  	_ =	shalt  }
0x5a: {  	_ =	shalt  }
0x5b: {  	_ =	shalt  }
0x5c: {  	_ =	shalt  }
0x5d: {  	_ =	shalt  }
0x5e: {  	_ =	shalt  }
0x5f: {  	_ =	shalt  }
0x60: {  	_ =	shalt  }
0x61: {  	_ =	shalt  }
0x62: {  	_ =	shalt  }
0x63: {  	_ =	shalt  }
0x64: {  	_ =	shalt  }
0x65: {  	_ =	shalt  }
0x66: {  	_ =	shalt  }
0x67: {  	_ =	shalt  }
0x68: {  	_ =	shalt  }
0x69: {  	_ =	shalt  }
0x6a: {  	_ =	shalt  }
0x6b: {  	_ =	shalt  }
0x6c: {  	_ =	shalt  }
0x6d: {  	_ =	shalt  }
0x6e: {  	_ =	shalt  }
0x6f: {  	_ =	shalt  }
0x70: {  	_ =	shalt  }
0x71: {  	_ =	shalt  }
0x72: {  	_ =	shalt  }
0x73: {  	_ =	shalt  }
0x74: {  	_ =	shalt  }
0x75: {  	_ =	shalt  }
0x76: {  	_ =	shalt  }
0x77: {  	_ =	shalt  }
0x78: {  	_ =	shalt  }
0x79: {  	_ =	shalt  }
0x7a: {  	_ =	shalt  }
0x7b: {  	_ =	shalt  }
0x7c: {  	_ =	shalt  }
0x7d: {  	_ =	shalt  }
0x7e: {  	_ =	shalt  }
0x7f: {  	_ =	shalt  }
0x80: {  	_ =	shalt  }
0x81: {  	_ =	shalt  }
0x82: {  	_ =	shalt  }
0x83: {  	_ =	shalt  }
0x84: {  	_ =	shalt  }
0x85: {  	_ =	shalt  }
0x86: {  	_ =	shalt  }
0x87: {  	_ =	shalt  }
.Lfunc_end0:
.L_simem_size_0:
called_computation.3_lowered:
.L_overlay_start_0:
0x88: {  	s2 =	sld [smem:$0x3FD9]  }
0x89: {  	s3 =	sld [smem:$0x3FFE];
	_ =	sdelay $0x1  }
0x8a: {  	s1 =	srdreg.scid  }
0x8b: {  	s0 =	sand.u32 $0x1, s1  }
0x8c: {  	s14 =	sshll.u32 s0, $0xA;
	s2 =	sadd.s32 s3, s2  }
0x8d: {  	s2 =	sadd.s32 s2, s14  }
0x8e: {  	[smem:$0x3FA2] =	sst s2  }
0x8f: {  	_ = 	snop  }
0x90: {  	s2 =	sld [smem:$0x3FD0];
	_ =	sdelay $0x2  }
0x91: {  	s15 =	simm.s32 $0xB;
	s4 =	simm.s32 $0x10  }
0x92: {  	[smem:s4], [sflag:s15] =	dma.local [hbm:s2], $0x1  }
0x93: {  	_ =	swait.eq [sflag:s15], $0x1  }
0x94: {  	[sflag:s15] =	ssyncset.done $0x0  }
0x95: {  	[sflag:s15] =	ssyncadd.s32 $0xFFFFFFFF  }
0x96: {  	s16 =	sld [smem:$0x10];
	(tm) =	ssettm $0x1  }
0x97: {  	s17 =	sld [smem:$0x3FFB];
	_ =	sdelay $0x3  }
0x98: {  	_ =	strace s17  }
0x99: {  	s3 =	sld [smem:$0x3FFC];
	_ =	sdelay $0x3  }
0x9a: {  	_ =	strace s3  }
0x9b: {  	s3 =	sld [smem:$0x3FFD];
	_ =	sdelay $0x3  }
0x9c: {  	_ =	strace s3  }
0x9d: {  	_ =	strace $0x8FFFFFFF  }
0x9e: {  	s18 =	sld [smem:$0x3FDB];
	_ =	sdelay $0x1  }
0x9f: {  	s19 =	simm.s32 $_scs_section_size  }
0xa0: {  	s5 =	simm.s32 $_size__tile_overlayer_lowered;
	s6 =	simm.s32 $_tile_overlayer_lowered  }
0xa1: {  	s22 =	simm.s32 $0x1BFF;
	s21 =	sshll.u32 s6, $0x1;
	s3 =	sadd.s32 s19, s18  }
0xa2: {  	s7 =	simm.s32 $0x0;
	s20 =	sshll.u32 s5, $0x1;
	s5 =	sadd.s32 s21, s3  }
0xa3: {  	[timem:s7], [sflag:s22] =	dma.local [hbm:s5], s20  }
0xa4: {  	_ =	swait.ge [sflag:s22], s20  }
0xa5: {  	s4 =	ssub.s32 $0x0, s20;
	[sflag:s22] =	ssyncset.done $0x0  }
0xa6: {  	[sflag:s22] =	ssyncadd.s32 s4;
	_ =	sdelay $0x1  }
0xa7: {  	s23 =	simm.s32 $0x1B8B  }
0xa8: {  	_ =	swait.ge [sflag:s23], $0x1  }
0xa9: {  	[sflag:s23] =	ssyncset.done $0x0  }
0xaa: {  	s25 =	simm.s32 $0x1B8E;
	s24 =	sld [smem:$0x3FFE];
	[sflag:s23] =	ssyncadd.s32 $0xFFFFFFFF  }
0xab: {  	s26 =	simm.s32 $execute0_lowered;
	[smem:$0x3FD2] =	sst s25  }
0xac: {  	s5 =	sshll.u32 s26, $0x1;
	_ =	strace $0x8000004F;
	[dreg:$0x1] =	wrdreg $0xFFFFFFFF  }
0xad: {  	s28 =	simm.s32 $_size_execute0_lowered;
	s3 =	sadd.s32 s3, s5;
	[dreg:$0x0] =	wrdreg $0x0  }
0xae: {  	s5 =	sshll.u32 s28, $0x1;
	[dreg:$0x2] =	wrdreg s3  }
0xaf: {  	[dreg:$0x3] =	wrdreg s5  }
0xb0: {  	[dreg:$0x4] =	wrdreg $0xC0  }
0xb1: {  	_ =	task [dreg:s7], $0x5FFFF  }
0xb2: {  	[dreg:$0x1] =	wrdreg $0xFFFFFFFF  }
0xb3: {  	[dreg:$0x0] =	wrdreg $0x60  }
0xb4: {  	[dreg:$0x2] =	wrdreg s24  }
0xb5: {  	[dreg:$0x3] =	wrdreg s16  }
0xb6: {  	[dreg:$0x4] =	wrdreg $0x9  }
0xb7: {  	_ =	task.clear_ibuf [dreg:s7], $0x5FFFF;
	_ =	strace $0x9000004F  }
0xb8: {  	s29 =	simm.s32 $0x9;
	_ =	strace $0x80000051  }
0xb9: {  	_ =	swait.ge [sflag:s29], $0x1  }
0xba: {  	[sflag:s29] =	ssyncadd.s32 $0xFFFFFFFF  }
0xbb: {  	_ =	strace $0x90000051  }
0xbc: {  	_ =	sfence  }
0xbd: {  	s30 =	sld [smem:$0x0];
	_ =	sdelay $0x2  }
0xbe: {  	s31 =	sshll.u32 s1, $0xD;
	s1 =	sshrl.u32 s1, $0x2  }
0xbf: {  	s3 =	sand.u32 $0x4000, s31;
	s1 =	sadd.s32 s1, s30  }
0xc0: {  	s0 =	sor.u32 s3, s0;
	s1 =	sshll.u32 s1, $0x11  }
0xc1: {  	s0 =	sor.u32 s1, s0  }
0xc2: {  	s0 =	sadd.s32 $0x8F2B, s0  }
0xc3: {  	[sflag:s0] =	ssyncadd.remote.s32 $0x1  }
0xc4: {  	_ =	sfence.sel $0xFFFF  }
0xc5: {  	[dreg:$0x0] =	wrdreg $0xFFFFFFFF;
	(pc) =	sbr.abs _section_cstart, $3  }
0xc6: {  	[dreg:$0x1] =	wrdreg $0xFFFFFFFF  }
0xc7: {  	_ =	task.clear_ibuf [dreg:s7], $0x2FFFF;
	_ =	strace $0x9FFFFFFF  }
0xc8: {  	(tm) =	ssettm $0x7FFFFFFF  }
0xc9: {  	_ =	shalt  }
tec
execute0_lowered:
.L_overlay_start_1:
0x0: {  	(tag) =	ssettag $0x1  }
0x1: {  	s1 =	srdreg.scid  }
0x2: {  	s16 =	rddreg [dreg:$0x0];
	s0 =	stileid.u32;
	s15 =	sand.u32 $0x1, s1  }
0x3: {  	s2 =	rddreg [dreg:$0x1];
	s4 =	sshll.u32 s0, $0x9;
	s5 =	sshll.u32 s15, $0x8  }
0x4: {  	s3 =	simm.s32 $0x0;
	s1 =	rddreg [dreg:$0x2];
	s4 =	sor.u32 s5, s4  }
0x5: {  	[smem:$0x7FF] =	sst s3;
	s17 =	sadd.s32 s4, s16  }
0x6: {  	_ =	strace $0x80000050;
	s5 =	simm.s32 $0x2;
	s4 =	sadd.s32 $0x7400, s17  }
0x7: {  	[tilespmem:s3], [sflag:$0x2] =	stream.linear.gather [hbm4b:s4+s3], $0x800, $0x38;
	[tilespmem:$0x1000] =	vst v63  }
0x8: {  	_ =	swait.ge [sflag:s5], $0x800  }
0x9: {  	[sflag:s5] =	ssyncset.done $0x0  }
0xa: {  	s7 =	simm.s32 $0x800;
	s6 =	sadd.s32 $0x9400, s17;
	[sflag:s5] =	ssyncadd.s32 $0xFFFFF800  }
0xb: {  	[tilespmem:s7], [sflag:$0x2] =	stream.linear.gather [hbm4b:s6+s3], $0x800, $0x38;
	[tilespmem:$0x1000] =	vst v63  }
0xc: {  	_ =	swait.ge [sflag:s5], $0x800  }
0xd: {  	[sflag:s5] =	ssyncset.done $0x0  }
0xe: {  	s8 =	simm.s32 $0x1;
	[sflag:s5] =	ssyncadd.s32 $0xFFFFF800  }
0xf: {  	[hbm4b:s2+s7] =	stream.indirect.scatter [tilespmem:s7], [sflag:$0x1], $0x1, s3, s7, $0xb8;
	[tilespmem:$0x1000] =	vst v63  }
0x10: {  	_ =	swait.ge [sflag:s8], $0x800  }
0x11: {  	[sflag:s8] =	ssyncset.done $0x0  }
0x12: {  	s9 =	sadd.s32 $0x11400, s17;
	[sflag:s8] =	ssyncadd.s32 $0xFFFFF800  }
0x13: {  	[tilespmem:s7], [sflag:$0x2] =	stream.linear.gather [hbm4b:s9+s3], $0x800, $0x38;
	[tilespmem:$0x1000] =	vst v63  }
0x14: {  	_ =	swait.ge [sflag:s5], $0x800  }
0x15: {  	[sflag:s5] =	ssyncset.done $0x0  }
0x16: {  	s10 =	sadd.s32 $0x13400, s16;
	[sflag:s5] =	ssyncadd.s32 $0xFFFFF800  }
0x17: {  	[hbm4b:s10+s7] =	stream.indirect.scatter [tilespmem:s7], [sflag:$0x1], $0x1, s3, s7, $0xb8;
	[tilespmem:$0x1000] =	vst v63  }
0x18: {  	_ =	swait.ge [sflag:s8], $0x800  }
0x19: {  	[sflag:s8] =	ssyncset.done $0x0  }
0x1a: {  	s11 =	sadd.s32 $0xF400, s17;
	[sflag:s8] =	ssyncadd.s32 $0xFFFFF800  }
0x1b: {  	[tilespmem:s7], [sflag:$0x2] =	stream.linear.gather [hbm4b:s11+s3], $0x800, $0x38;
	[tilespmem:$0x1000] =	vst v63  }
0x1c: {  	_ =	swait.ge [sflag:s5], $0x800  }
0x1d: {  	[sflag:s5] =	ssyncset.done $0x0  }
0x1e: {  	s12 =	sadd.s32 $0x15400, s16;
	[sflag:s5] =	ssyncadd.s32 $0xFFFFF800  }
0x1f: {  	[hbm4b:s12+s7] =	stream.indirect.scatter [tilespmem:s7], [sflag:$0x1], $0x1, s3, s7, $0xb8;
	[tilespmem:$0x1000] =	vst v63  }
0x20: {  	_ =	swait.ge [sflag:s8], $0x800  }
0x21: {  	[sflag:s8] =	ssyncset.done $0x0  }
0x22: {  	s13 =	sadd.s32 $0xD400, s17;
	[sflag:s8] =	ssyncadd.s32 $0xFFFFF800  }
0x23: {  	[tilespmem:s7], [sflag:$0x2] =	stream.linear.gather [hbm4b:s13+s3], $0x800, $0x38;
	[tilespmem:$0x1000] =	vst v63  }
0x24: {  	_ =	swait.ge [sflag:s5], $0x800  }
0x25: {  	[sflag:s5] =	ssyncset.done $0x0  }
0x26: {  	s14 =	sadd.s32 $0x17400, s16;
	s18 =	ssub.s32 $0x2, s15;
	[sflag:s5] =	ssyncadd.s32 $0xFFFFF800  }
0x27: {  	[hbm4b:s14+s7] =	stream.indirect.scatter [tilespmem:s7], [sflag:$0x1], $0x1, s3, s7, $0xb8;
	[tilespmem:$0x1000] =	vst v63  }
0x28: {  	s31 =	sshrl.u32 s18, $0x1;
	_ =	swait.ge [sflag:s8], $0x800  }
0x29: {  	s15 =	sadd.s32 $0xB400, s17;
	s17 =	ssub.s32 s18, s31;
	[sflag:s8] =	ssyncset.done $0x0  }
0x2a: {  	s17 =	smax.u32 s17, $0x1;
	[sflag:s8] =	ssyncadd.s32 $0xFFFFF800  }
0x2b: {  	[tilespmem:s7], [sflag:$0x2] =	stream.linear.gather [hbm4b:s15+s3], $0x800, $0x38;
	[tilespmem:$0x1000] =	vst v63  }
0x2c: {  	p0 =	sne.s32 s17, $0x1;
	_ =	swait.ge [sflag:s5], $0x800  }
.Ltmp0:
0x2d: {  	[sflag:s5] =	ssyncset.done $0x0;
	(pc) =	sbr.rel @!p0 .LBB2_2-.Ltmp0, $4  }
0x2e: {  	s16 =	sadd.s32 $0x19400, s16;
	[sflag:s5] =	ssyncadd.s32 $0xFFFFF800  }
0x2f: {  	[hbm4b:s16+s7] =	stream.indirect.scatter [tilespmem:s7], [sflag:$0x1], $0x1, s3, s7, $0xb8;
	[tilespmem:$0x1000] =	vst v63  }
0x30: {  	_ =	swait.ge [sflag:s8], $0x800  }
0x31: {  	s17 =	sadd.s32 $0xFFFFFFFF, s17;
	[sflag:s8] =	ssyncset.done $0x0  }
.LBB2_1:
0x32: {  	p0 =	sne.s32 s17, $0x1;
	s17 =	sadd.s32 $0xFFFFFFFF, s17;
	[sflag:s8] =	ssyncadd.s32 $0xFFFFF800  }
0x33: {  	[tilespmem:s3], [sflag:$0x2] =	stream.linear.gather [hbm4b:s4+s3], $0x800, $0x38;
	[tilespmem:$0x1000] =	vst v63  }
0x34: {  	_ =	swait.ge [sflag:s5], $0x800  }
0x35: {  	[sflag:s5] =	ssyncset.done $0x0  }
0x36: {  	[sflag:s5] =	ssyncadd.s32 $0xFFFFF800  }
0x37: {  	[tilespmem:s7], [sflag:$0x2] =	stream.linear.gather [hbm4b:s6+s3], $0x800, $0x38;
	[tilespmem:$0x1000] =	vst v63  }
0x38: {  	_ =	swait.ge [sflag:s5], $0x800  }
0x39: {  	[sflag:s5] =	ssyncset.done $0x0  }
0x3a: {  	[sflag:s5] =	ssyncadd.s32 $0xFFFFF800  }
0x3b: {  	[hbm4b:s2+s7] =	stream.indirect.scatter [tilespmem:s7], [sflag:$0x1], $0x1, s3, s7, $0xb8;
	[tilespmem:$0x1000] =	vst v63  }
0x3c: {  	_ =	swait.ge [sflag:s8], $0x800  }
0x3d: {  	[sflag:s8] =	ssyncset.done $0x0  }
0x3e: {  	[sflag:s8] =	ssyncadd.s32 $0xFFFFF800  }
0x3f: {  	[tilespmem:s7], [sflag:$0x2] =	stream.linear.gather [hbm4b:s9+s3], $0x800, $0x38;
	[tilespmem:$0x1000] =	vst v63  }
0x40: {  	_ =	swait.ge [sflag:s5], $0x800  }
0x41: {  	[sflag:s5] =	ssyncset.done $0x0  }
0x42: {  	[sflag:s5] =	ssyncadd.s32 $0xFFFFF800  }
0x43: {  	[hbm4b:s10+s7] =	stream.indirect.scatter [tilespmem:s7], [sflag:$0x1], $0x1, s3, s7, $0xb8;
	[tilespmem:$0x1000] =	vst v63  }
0x44: {  	_ =	swait.ge [sflag:s8], $0x800  }
0x45: {  	[sflag:s8] =	ssyncset.done $0x0  }
0x46: {  	[sflag:s8] =	ssyncadd.s32 $0xFFFFF800  }
0x47: {  	[tilespmem:s7], [sflag:$0x2] =	stream.linear.gather [hbm4b:s11+s3], $0x800, $0x38;
	[tilespmem:$0x1000] =	vst v63  }
0x48: {  	_ =	swait.ge [sflag:s5], $0x800  }
0x49: {  	[sflag:s5] =	ssyncset.done $0x0  }
0x4a: {  	[sflag:s5] =	ssyncadd.s32 $0xFFFFF800  }
0x4b: {  	[hbm4b:s12+s7] =	stream.indirect.scatter [tilespmem:s7], [sflag:$0x1], $0x1, s3, s7, $0xb8;
	[tilespmem:$0x1000] =	vst v63  }
0x4c: {  	_ =	swait.ge [sflag:s8], $0x800  }
0x4d: {  	[sflag:s8] =	ssyncset.done $0x0  }
0x4e: {  	[sflag:s8] =	ssyncadd.s32 $0xFFFFF800  }
0x4f: {  	[tilespmem:s7], [sflag:$0x2] =	stream.linear.gather [hbm4b:s13+s3], $0x800, $0x38;
	[tilespmem:$0x1000] =	vst v63  }
0x50: {  	_ =	swait.ge [sflag:s5], $0x800  }
0x51: {  	[sflag:s5] =	ssyncset.done $0x0  }
0x52: {  	[sflag:s5] =	ssyncadd.s32 $0xFFFFF800  }
0x53: {  	[hbm4b:s14+s7] =	stream.indirect.scatter [tilespmem:s7], [sflag:$0x1], $0x1, s3, s7, $0xb8;
	[tilespmem:$0x1000] =	vst v63  }
0x54: {  	_ =	swait.ge [sflag:s8], $0x800  }
0x55: {  	[sflag:s8] =	ssyncset.done $0x0  }
0x56: {  	[sflag:s8] =	ssyncadd.s32 $0xFFFFF800  }
0x57: {  	[tilespmem:s7], [sflag:$0x2] =	stream.linear.gather [hbm4b:s15+s3], $0x800, $0x38;
	[tilespmem:$0x1000] =	vst v63  }
0x58: {  	_ =	swait.ge [sflag:s5], $0x800  }
.Ltmp1:
0x59: {  	[sflag:s5] =	ssyncset.done $0x0;
	(pc) =	sbr.rel @p0 .LBB2_1-.Ltmp1, $4  }
0x5a: {  	[sflag:s5] =	ssyncadd.s32 $0xFFFFF800  }
0x5b: {  	[hbm4b:s16+s7] =	stream.indirect.scatter [tilespmem:s7], [sflag:$0x1], $0x1, s3, s7, $0xb8;
	[tilespmem:$0x1000] =	vst v63  }
0x5c: {  	_ =	swait.ge [sflag:s8], $0x800  }
0x5d: {  	[sflag:s8] =	ssyncset.done $0x0  }
.LBB2_2:
0x5e: {  	[sflag:s8] =	ssyncadd.s32 $0xFFFFF800  }
0x5f: {  	_ =	sfence.sel $0x180000  }
0x60: {  	[bflag:$0x0] =	sbarrier.arrive $0xFFFF  }
0x61: {  	p0 =	sne.s32 s0, $0x0;
	_ =	strace $0x90000050  }
0x62: {  	s0 =	sadd.s32 @!p0 $0x100000, s1;
	[bflag:$0x2] =	sbarrier.arrive $0xFFFF  }
0x63: {  	[sflag:s0] =	ssyncadd.tile.s32 @!p0 $0x1;
	_ =	shalt  }
.Lfunc_end2:
_tile_overlayer_lowered:
.L_overlay_start_2:
0x64: {  	(tag) =	ssettag $0x2  }
0x65: {  	s0 =	rddreg [dreg:$0x0];
	s2 =	stileid.u32  }
0x66: {  	s1 =	rddreg [dreg:$0x1];
	p0 =	sne.s32 s2, $0x0  }
0x67: {  	s3 =	rddreg [dreg:$0x2];
	[bflag:$0x3] =	sbarrier.arrive $0xFFFF;
	s2 =	simm.s32 @!p0 $0x1C02  }
0x68: {  	[timem:s3], [sflag:s2] =	dma.local @!p0 [hbm:s0], s1  }
0x69: {  	s0 =	simm.s32 @!p0 $0x2  }
0x6a: {  	_ =	swait.ge @!p0 [sflag:s0], s1  }
0x6b: {  	s1 =	ssub.s32 @!p0 $0x0, s1;
	[sflag:s0] =	ssyncset.done @!p0 $0x0  }
0x6c: {  	[sflag:s0] =	ssyncadd.s32 @!p0 s1  }
0x6d: {  	[bflag:$0x3] =	sbarrier.arrive $0xFFFF  }
0x6e: {  	_ =	shalt  }

</sc_bundles>
